<compile_context>
chip_gen: v7x
topology: tpu7x:2x2x1
jax: 0.10.2.dev20260603
libtpu: 0.0.44.dev20260713+nightly
codegen_flags: <defaults>
</compile_context>

<pallas_src>
import functools

import jax
import jax.numpy as jnp
from jax import lax
from jax.experimental import pallas as pl
from jax.experimental.pallas import tpu as pltpu
from jax.experimental.pallas import tpu_sc as plsc

BN_EPS = 1e-5
_C = 125


def _seg_sum_partials(h, e2):
    n, d = h.shape
    r2, c = e2.shape
    r = r2 // 2
    info = plsc.get_sparse_core_info()
    nc, ns = info.num_cores, info.num_subcores
    nw = nc * ns
    rows_w = r // nw
    grp = 8
    n_grp = rows_w // grp
    n_pad = ((n + ns * 8 - 1) // (ns * 8)) * ns * 8
    acc_rows = n_pad // ns
    mesh = plsc.VectorSubcoreMesh(core_axis_name="c", subcore_axis_name="s")

    @functools.partial(
        pl.kernel,
        out_type=jax.ShapeDtypeStruct((nc, n, d), jnp.float32),
        mesh=mesh,
        scratch_types=[
            [pltpu.VMEM((grp, c), jnp.int32)] * 2,
            [pltpu.VMEM((grp, c), jnp.int32)] * 2,
            [pltpu.VMEM((c, d), jnp.float32)] * 2,
            pltpu.VMEM_SHARED((n_pad, d), jnp.float32),
            [pltpu.SemaphoreType.DMA] * 2,
            [pltpu.SemaphoreType.DMA] * 2,
            pltpu.SemaphoreType.DMA,
        ],
    )
    def seg_sum(h_hbm, e_hbm, out_hbm, srcg, dstg, rows, acc,
                semg, sems, semi):
        cid = lax.axis_index("c")
        sid = lax.axis_index("s")
        wid = sid * nc + cid
        row0 = wid * rows_w

        def zbody(i, carry):
            for j in range(d // 16):
                rows[0][i, pl.ds(j * 16, 16)] = jnp.zeros((16,), jnp.float32)
            return carry

        lax.fori_loop(0, c, zbody, 0)
        base = sid * acc_rows
        zc = (c // 8) * 8
        nfull, rem = acc_rows // zc, acc_rows % zc
        for k in range(nfull):
            pltpu.sync_copy(rows[0].at[pl.ds(0, zc)],
                            acc.at[pl.ds(base + k * zc, zc)])
        if rem:
            pltpu.sync_copy(rows[0].at[pl.ds(0, rem)],
                            acc.at[pl.ds(base + nfull * zc, rem)])
        plsc.subcore_barrier()

        def start_gather(sref, k, b):
            pltpu.async_copy(h_hbm.at[sref.at[k]], rows[b], semg[b])

        def wait_gather(b):
            pltpu.make_async_copy(h_hbm.at[srcg[0].at[0]], rows[b],
                                  semg[b]).wait()

        def start_scatter(dref, k, b):
            pltpu.async_copy(rows[b], acc.at[dref.at[k]], sems[b], add=True)

        def wait_scatter(b):
            pltpu.make_async_copy(rows[b], acc.at[dstg[0].at[0]],
                                  sems[b]).wait()

        def prefetch_idx(g, sdst, ddst):
            pltpu.async_copy(e_hbm.at[pl.ds(row0 + g * grp, grp)], sdst,
                             semi)
            pltpu.async_copy(e_hbm.at[pl.ds(r + row0 + g * grp, grp)], ddst,
                             semi)

        def wait_idx():
            pltpu.make_async_copy(e_hbm.at[pl.ds(0, grp)], srcg[0],
                                  semi).wait()
            pltpu.make_async_copy(e_hbm.at[pl.ds(0, grp)], dstg[0],
                                  semi).wait()

        def do_group(g, cs, cd, nxs, nxd):
            @pl.when(g + 1 < n_grp)
            def _():
                prefetch_idx(g + 1, nxs, nxd)

            for k in range(grp):
                b = k % 2
                nb = 1 - b
                j = g * grp + k
                wait_gather(b)

                @pl.when(j >= 1)
                def _():
                    wait_scatter(nb)

                if k == grp - 1:
                    @pl.when(g + 1 < n_grp)
                    def _():
                        wait_idx()
                        start_gather(nxs, 0, nb)
                else:
                    start_gather(cs, k + 1, nb)
                start_scatter(cd, k, b)

        pltpu.sync_copy(e_hbm.at[pl.ds(row0, grp)], srcg[0])
        pltpu.sync_copy(e_hbm.at[pl.ds(r + row0, grp)], dstg[0])
        start_gather(srcg[0], 0, 0)

        def body(g, carry):
            even = lax.rem(g, 2) == 0

            @pl.when(even)
            def _():
                do_group(g, srcg[0], dstg[0], srcg[1], dstg[1])

            @pl.when(jnp.logical_not(even))
            def _():
                do_group(g, srcg[1], dstg[1], srcg[0], dstg[0])

            return carry

        lax.fori_loop(0, n_grp, body, 0)
        wait_scatter((rows_w - 1) % 2)

        plsc.subcore_barrier()
        tail = n - (ns - 1) * acc_rows

        @pl.when(sid < ns - 1)
        def _():
            pltpu.sync_copy(acc.at[pl.ds(base, acc_rows)],
                            out_hbm.at[cid, pl.ds(base, acc_rows)])

        @pl.when(sid == ns - 1)
        def _():
            pltpu.sync_copy(acc.at[pl.ds(base, tail)],
                            out_hbm.at[cid, pl.ds(base, tail)])

    return seg_sum(h, e2)


def _init_matmul(x, w0):
    def body(x_ref, w_ref, o_ref):
        o_ref[...] = lax.dot_general(
            x_ref[...], w_ref[...], (((1,), (1,)), ((), ())),
            preferred_element_type=jnp.float32)

    return pl.pallas_call(
        body,
        out_shape=jax.ShapeDtypeStruct((x.shape[0], w0.shape[0]), jnp.float32),
    )(x, w0)


def _gin_mlp(h, parts, eps, w1, b1, g, be, w2, b2):
    n, d = h.shape

    def body(h_ref, p_ref, eps_ref, w1_ref, b1_ref, g_ref, be_ref, w2_ref,
             b2_ref, o_ref):
        agg = p_ref[0] + p_ref[1]
        t = (1.0 + eps_ref[0, 0]) * h_ref[...] + agg
        u = lax.dot_general(t, w1_ref[...], (((1,), (1,)), ((), ())),
                            preferred_element_type=jnp.float32) + b1_ref[...]
        mean = jnp.mean(u, axis=0, keepdims=True)
        var = jnp.mean(jnp.square(u - mean), axis=0, keepdims=True)
        un = (u - mean) * lax.rsqrt(var + BN_EPS) * g_ref[...] + be_ref[...]
        un = jnp.maximum(un, 0.0)
        v = lax.dot_general(un, w2_ref[...], (((1,), (1,)), ((), ())),
                            preferred_element_type=jnp.float32) + b2_ref[...]
        o_ref[...] = jnp.maximum(v, 0.0)

    return pl.pallas_call(
        body,
        in_specs=[
            pl.BlockSpec(memory_space=pltpu.VMEM),
            pl.BlockSpec(memory_space=pltpu.VMEM),
            pl.BlockSpec(memory_space=pltpu.SMEM),
            pl.BlockSpec(memory_space=pltpu.VMEM),
            pl.BlockSpec(memory_space=pltpu.VMEM),
            pl.BlockSpec(memory_space=pltpu.VMEM),
            pl.BlockSpec(memory_space=pltpu.VMEM),
            pl.BlockSpec(memory_space=pltpu.VMEM),
            pl.BlockSpec(memory_space=pltpu.VMEM),
        ],
        out_shape=jax.ShapeDtypeStruct((n, d), jnp.float32),
    )(h, parts, eps.reshape(1, 1), w1, b1.reshape(1, d), g.reshape(1, d),
      be.reshape(1, d), w2, b2.reshape(1, d))


def kernel(x, edge_index, W0, eps0, W1_0, b1_0, g_0, be_0, W2_0, b2_0,
           eps1, W1_1, b1_1, g_1, be_1, W2_1, b2_1):
    n = x.shape[0]
    d = W0.shape[0]
    e = edge_index.shape[1]
    e2 = edge_index.reshape(2 * e // _C, _C)

    h0 = _init_matmul(x, W0)
    p0 = _seg_sum_partials(h0, e2)
    h1 = _gin_mlp(h0, p0, eps0, W1_0, b1_0, g_0, be_0, W2_0, b2_0)
    p1 = _seg_sum_partials(h1, e2)
    h2 = _gin_mlp(h1, p1, eps1, W1_1, b1_1, g_1, be_1, W2_1, b2_1)
    return h2.reshape(1, n, d)

# --- scband reference (transcript-rebuilt; emitter-appended) ---
"""Pipeline reference for scband-molecular-gin-20478404067366 (READ-ONLY COPY).

The authoritative reference and input builder live on the scoring server;
editing this copy changes nothing except your own understanding.
"""

import jax, jax.numpy as jnp
import numpy as np

N = 10000
E = 320000
D_IN = 128
D = 128
BN_EPS = 1e-5

def setup_inputs(seed: int = 0):
    key = jax.random.key(seed)
    ks = jax.random.split(key, 16)
    s = 0.05
    inp = {}
    inp["x"] = jax.random.normal(ks[0], (N, D_IN), dtype=jnp.float32)
    inp["edge_index"] = jax.random.randint(ks[1], (2, E), 0, N, dtype=jnp.int32)
    W0 = jax.random.normal(ks[2], (D, D_IN), dtype=jnp.float32) * s
    inp["W0"] = W0.at[-1].set(0.0)
    inp["eps0"] = jnp.zeros((), dtype=jnp.float32)
    inp["W1_0"] = jax.random.normal(ks[3], (D, D), dtype=jnp.float32) * s
    inp["b1_0"] = jnp.zeros((D,), dtype=jnp.float32)
    inp["g_0"] = jnp.ones((D,), dtype=jnp.float32)
    inp["be_0"] = jnp.zeros((D,), dtype=jnp.float32)
    inp["W2_0"] = jax.random.normal(ks[4], (D, D), dtype=jnp.float32) * s
    inp["b2_0"] = jnp.zeros((D,), dtype=jnp.float32)
    inp["eps1"] = jnp.zeros((), dtype=jnp.float32)
    inp["W1_1"] = jax.random.normal(ks[5], (D, D), dtype=jnp.float32) * s
    inp["b1_1"] = jnp.zeros((D,), dtype=jnp.float32)
    inp["g_1"] = jnp.ones((D,), dtype=jnp.float32)
    inp["be_1"] = jnp.zeros((D,), dtype=jnp.float32)
    inp["W2_1"] = jax.random.normal(ks[6], (D, D), dtype=jnp.float32) * s
    inp["b2_1"] = jnp.zeros((D,), dtype=jnp.float32)
    return inp

def _gin_layer(h, src, dst, eps, W1, b1, g, be, W2, b2):
    # GINConv sum aggregator with learn_eps: h' = MLP((1+eps)*h + sum_{u->v} h_u)
    agg = jax.ops.segment_sum(h[src], dst, num_segments=N)
    h = (1.0 + eps) * h + agg
    h = h @ W1.T + b1
    mean = jnp.mean(h, axis=0)
    var = jnp.var(h, axis=0)
    h = (h - mean) / jnp.sqrt(var + BN_EPS) * g + be
    h = jax.nn.relu(h)
    h = h @ W2.T + b2
    return h

def reference(x, edge_index, W0, eps0, W1_0, b1_0, g_0, be_0, W2_0, b2_0, eps1, W1_1, b1_1, g_1, be_1, W2_1, b2_1):
    src = edge_index[0]
    dst = edge_index[1]
    h = x @ W0.T  # init_transform, bias=False, last output row zeroed (padding)
    h = _gin_layer(h, src, dst, eps0, W1_0, b1_0, g_0, be_0, W2_0, b2_0)
    h = jax.nn.relu(h)
    h = _gin_layer(h, src, dst, eps1, W1_1, b1_1, g_1, be_1, W2_1, b2_1)
    h = jax.nn.relu(h)
    return h.reshape(1, -1, D)  # batch_size = 1

if __name__ == "__main__":
    import jax
    _d = setup_inputs()
    print(jax.jit(kernel)(*tuple(_d.values())))

</pallas_src>

<mosaic_0001>
#map = affine_map<(d0, d1) -> (0, 0)>
#map1 = affine_map<(d0, d1) -> (0, 0, 0)>
module attributes {stable_mosaic.version = 14 : i64} {
  func.func @seg_sum(%arg0: i32, %arg1: i32, %arg2: memref<10000x128xf32, #tpu.memory_space<hbm>>, %arg3: memref<5120x125xi32, #tpu.memory_space<hbm>>, %arg4: memref<2x10000x128xf32, #tpu.memory_space<hbm>>, %arg5: memref<8x125xi32, #tpu.memory_space<vmem>>, %arg6: memref<8x125xi32, #tpu.memory_space<vmem>>, %arg7: memref<8x125xi32, #tpu.memory_space<vmem>>, %arg8: memref<8x125xi32, #tpu.memory_space<vmem>>, %arg9: memref<125x128xf32, #tpu.memory_space<vmem>>, %arg10: memref<125x128xf32, #tpu.memory_space<vmem>>, %arg11: memref<10112x128xf32, #tpu.memory_space<vmem_shared>>, %arg12: memref<!tpu.dma_semaphore, #tpu.memory_space<semaphore_mem>>, %arg13: memref<!tpu.dma_semaphore, #tpu.memory_space<semaphore_mem>>, %arg14: memref<!tpu.dma_semaphore, #tpu.memory_space<semaphore_mem>>, %arg15: memref<!tpu.dma_semaphore, #tpu.memory_space<semaphore_mem>>, %arg16: memref<!tpu.dma_semaphore, #tpu.memory_space<semaphore_mem>>) attributes {dimension_semantics = [#tpu.dimension_semantics<core_parallel>, #tpu.dimension_semantics<subcore_parallel>], iteration_bounds = array<i64: 2, 16>, scalar_prefetch = 0 : i64, scratch_operands = 12 : i64, tpu.core_type = #tpu.core_type<sc_vector_subcore>, window_params = [{transform_indices = #map}, {transform_indices = #map}, {transform_indices = #map1}]} {
    %mul3A = arith.constant 2 : i32
    %mul3A_0 = arith.muli %arg1, %mul3A : i32
    %add3A = arith.addi %mul3A_0, %arg0 : i32
    %mul3A_1 = arith.constant 80 : i32
    %mul3A_2 = arith.muli %add3A, %mul3A_1 : i32
    %scan3A = arith.constant 0 : i32
    %scan3A_3 = arith.constant 0 : i32
    %scan3A_4 = arith.constant 125 : i32
    %scan3A_5 = arith.addi %scan3A_3, %scan3A_4 : i32
    %scan3A_6 = arith.constant 1 : i32
    scf.for %scan3A_49 = %scan3A_3 to %scan3A_5 step %scan3A_6  : i32 {
      %broadcast_in_dim3A = arith.constant 0.000000e+00 : f32
      %broadcast_in_dim3A_50 = vector.broadcast %broadcast_in_dim3A : f32 to vector<16xf32>
      %swap3A = arith.index_cast %scan3A_49 : i32 to index
      %swap3A_51 = arith.constant 0 : index
      %swap3A_52 = tpu.vector_load %arg9[%swap3A, %swap3A_51] {strides = array<i32>} : memref<125x128xf32, #tpu.memory_space<vmem>>, vector<1x16xf32>,
      %swap3A_53 = vector.shape_cast %swap3A_52 : vector<1x16xf32> to vector<16xf32>
      %swap3A_54 = vector.shape_cast %broadcast_in_dim3A_50 : vector<16xf32> to vector<1x16xf32>
      tpu.vector_store %arg9[%swap3A, %swap3A_51], %swap3A_54 {strides = array<i32>} : memref<125x128xf32, #tpu.memory_space<vmem>>, vector<1x16xf32>,
      %broadcast_in_dim3A_55 = arith.constant 0.000000e+00 : f32
      %broadcast_in_dim3A_56 = vector.broadcast %broadcast_in_dim3A_55 : f32 to vector<16xf32>
      %swap3A_57 = arith.index_cast %scan3A_49 : i32 to index
      %swap3A_58 = arith.constant 16 : index
      %swap3A_59 = tpu.vector_load %arg9[%swap3A_57, %swap3A_58] {strides = array<i32>} : memref<125x128xf32, #tpu.memory_space<vmem>>, vector<1x16xf32>,
      %swap3A_60 = vector.shape_cast %swap3A_59 : vector<1x16xf32> to vector<16xf32>
      %swap3A_61 = vector.shape_cast %broadcast_in_dim3A_56 : vector<16xf32> to vector<1x16xf32>
      tpu.vector_store %arg9[%swap3A_57, %swap3A_58], %swap3A_61 {strides = array<i32>} : memref<125x128xf32, #tpu.memory_space<vmem>>, vector<1x16xf32>,
      %broadcast_in_dim3A_62 = arith.constant 0.000000e+00 : f32
      %broadcast_in_dim3A_63 = vector.broadcast %broadcast_in_dim3A_62 : f32 to vector<16xf32>
      %swap3A_64 = arith.index_cast %scan3A_49 : i32 to index
      %swap3A_65 = arith.constant 32 : index
      %swap3A_66 = tpu.vector_load %arg9[%swap3A_64, %swap3A_65] {strides = array<i32>} : memref<125x128xf32, #tpu.memory_space<vmem>>, vector<1x16xf32>,
      %swap3A_67 = vector.shape_cast %swap3A_66 : vector<1x16xf32> to vector<16xf32>
      %swap3A_68 = vector.shape_cast %broadcast_in_dim3A_63 : vector<16xf32> to vector<1x16xf32>
      tpu.vector_store %arg9[%swap3A_64, %swap3A_65], %swap3A_68 {strides = array<i32>} : memref<125x128xf32, #tpu.memory_space<vmem>>, vector<1x16xf32>,
      %broadcast_in_dim3A_69 = arith.constant 0.000000e+00 : f32
      %broadcast_in_dim3A_70 = vector.broadcast %broadcast_in_dim3A_69 : f32 to vector<16xf32>
      %swap3A_71 = arith.index_cast %scan3A_49 : i32 to index
      %swap3A_72 = arith.constant 48 : index
      %swap3A_73 = tpu.vector_load %arg9[%swap3A_71, %swap3A_72] {strides = array<i32>} : memref<125x128xf32, #tpu.memory_space<vmem>>, vector<1x16xf32>,
      %swap3A_74 = vector.shape_cast %swap3A_73 : vector<1x16xf32> to vector<16xf32>
      %swap3A_75 = vector.shape_cast %broadcast_in_dim3A_70 : vector<16xf32> to vector<1x16xf32>
      tpu.vector_store %arg9[%swap3A_71, %swap3A_72], %swap3A_75 {strides = array<i32>} : memref<125x128xf32, #tpu.memory_space<vmem>>, vector<1x16xf32>,
      %broadcast_in_dim3A_76 = arith.constant 0.000000e+00 : f32
      %broadcast_in_dim3A_77 = vector.broadcast %broadcast_in_dim3A_76 : f32 to vector<16xf32>
      %swap3A_78 = arith.index_cast %scan3A_49 : i32 to index
      %swap3A_79 = arith.constant 64 : index
      %swap3A_80 = tpu.vector_load %arg9[%swap3A_78, %swap3A_79] {strides = array<i32>} : memref<125x128xf32, #tpu.memory_space<vmem>>, vector<1x16xf32>,
      %swap3A_81 = vector.shape_cast %swap3A_80 : vector<1x16xf32> to vector<16xf32>
      %swap3A_82 = vector.shape_cast %broadcast_in_dim3A_77 : vector<16xf32> to vector<1x16xf32>
      tpu.vector_store %arg9[%swap3A_78, %swap3A_79], %swap3A_82 {strides = array<i32>} : memref<125x128xf32, #tpu.memory_space<vmem>>, vector<1x16xf32>,
      %broadcast_in_dim3A_83 = arith.constant 0.000000e+00 : f32
      %broadcast_in_dim3A_84 = vector.broadcast %broadcast_in_dim3A_83 : f32 to vector<16xf32>
      %swap3A_85 = arith.index_cast %scan3A_49 : i32 to index
      %swap3A_86 = arith.constant 80 : index
      %swap3A_87 = tpu.vector_load %arg9[%swap3A_85, %swap3A_86] {strides = array<i32>} : memref<125x128xf32, #tpu.memory_space<vmem>>, vector<1x16xf32>,
      %swap3A_88 = vector.shape_cast %swap3A_87 : vector<1x16xf32> to vector<16xf32>
      %swap3A_89 = vector.shape_cast %broadcast_in_dim3A_84 : vector<16xf32> to vector<1x16xf32>
      tpu.vector_store %arg9[%swap3A_85, %swap3A_86], %swap3A_89 {strides = array<i32>} : memref<125x128xf32, #tpu.memory_space<vmem>>, vector<1x16xf32>,
      %broadcast_in_dim3A_90 = arith.constant 0.000000e+00 : f32
      %broadcast_in_dim3A_91 = vector.broadcast %broadcast_in_dim3A_90 : f32 to vector<16xf32>
      %swap3A_92 = arith.index_cast %scan3A_49 : i32 to index
      %swap3A_93 = arith.constant 96 : index
      %swap3A_94 = tpu.vector_load %arg9[%swap3A_92, %swap3A_93] {strides = array<i32>} : memref<125x128xf32, #tpu.memory_space<vmem>>, vector<1x16xf32>,
      %swap3A_95 = vector.shape_cast %swap3A_94 : vector<1x16xf32> to vector<16xf32>
      %swap3A_96 = vector.shape_cast %broadcast_in_dim3A_91 : vector<16xf32> to vector<1x16xf32>
      tpu.vector_store %arg9[%swap3A_92, %swap3A_93], %swap3A_96 {strides = array<i32>} : memref<125x128xf32, #tpu.memory_space<vmem>>, vector<1x16xf32>,
      %broadcast_in_dim3A_97 = arith.constant 0.000000e+00 : f32
      %broadcast_in_dim3A_98 = vector.broadcast %broadcast_in_dim3A_97 : f32 to vector<16xf32>
      %swap3A_99 = arith.index_cast %scan3A_49 : i32 to index
      %swap3A_100 = arith.constant 112 : index
      %swap3A_101 = tpu.vector_load %arg9[%swap3A_99, %swap3A_100] {strides = array<i32>} : memref<125x128xf32, #tpu.memory_space<vmem>>, vector<1x16xf32>,
      %swap3A_102 = vector.shape_cast %swap3A_101 : vector<1x16xf32> to vector<16xf32>
      %swap3A_103 = vector.shape_cast %broadcast_in_dim3A_98 : vector<16xf32> to vector<1x16xf32>
      tpu.vector_store %arg9[%swap3A_99, %swap3A_100], %swap3A_103 {strides = array<i32>} : memref<125x128xf32, #tpu.memory_space<vmem>>, vector<1x16xf32>,
    }
    %scan3A_7 = arith.constant 125 : i32
    %mul3A_8 = arith.constant 632 : i32
    %mul3A_9 = arith.muli %arg1, %mul3A_8 : i32
    %add3A_10 = arith.constant 0 : i32
    %add3A_11 = arith.addi %mul3A_9, %add3A_10 : i32
    "tpu.region"() ({
      %run_scoped3A = tpu.sem_alloc : memref<!tpu.dma_semaphore, #tpu.memory_space<semaphore_mem>>
      %dma_start3A_49 = arith.constant 0 : i32
      %dma_start3A_50 = arith.constant 0 : i32
      %dma_start3A_51 = tpu.memref_slice %arg9[%dma_start3A_49, %dma_start3A_50] : memref<125x128xf32, #tpu.memory_space<vmem>> -> memref<120x128xf32, #tpu.memory_space<vmem>>
      %dma_start3A_52 = arith.constant 0 : i32
      %dma_start3A_53 = tpu.memref_slice %arg11[%add3A_11, %dma_start3A_52] : memref<10112x128xf32, #tpu.memory_space<vmem_shared>> -> memref<120x128xf32, #tpu.memory_space<vmem_shared>>
      %dma_start3A_54 = arith.constant 0 : i32
      %dma_start3A_55 = tpu.memref_slice %arg11[%add3A_11, %dma_start3A_54] : memref<10112x128xf32, #tpu.memory_space<vmem_shared>> -> memref<120x128xf32, #tpu.memory_space<vmem_shared>>
      %dma_start3A_56 = arith.constant 0 : i32
      %dma_start3A_57 = arith.constant 0 : i32
      %dma_start3A_58 = tpu.memref_slice %arg9[%dma_start3A_56, %dma_start3A_57] : memref<125x128xf32, #tpu.memory_space<vmem>> -> memref<120x128xf32, #tpu.memory_space<vmem>>
      tpu.enqueue_dma source(%dma_start3A_58 : memref<120x128xf32, #tpu.memory_space<vmem>>) target(%dma_start3A_55 : memref<120x128xf32, #tpu.memory_space<vmem_shared>>) target_semaphore(%run_scoped3A : memref<!tpu.dma_semaphore, #tpu.memory_space<semaphore_mem>>)
      %dma_wait3A_59 = arith.constant 0 : i32
      %dma_wait3A_60 = arith.constant 0 : i32
      %dma_wait3A_61 = tpu.memref_slice %arg9[%dma_wait3A_59, %dma_wait3A_60] : memref<125x128xf32, #tpu.memory_space<vmem>> -> memref<120x128xf32, #tpu.memory_space<vmem>>
      %dma_wait3A_62 = arith.constant 0 : i32
      %dma_wait3A_63 = tpu.memref_slice %arg11[%add3A_11, %dma_wait3A_62] : memref<10112x128xf32, #tpu.memory_space<vmem_shared>> -> memref<120x128xf32, #tpu.memory_space<vmem_shared>>
      %dma_wait3A_64 = arith.constant 0 : i32
      %dma_wait3A_65 = tpu.memref_slice %arg11[%add3A_11, %dma_wait3A_64] : memref<10112x128xf32, #tpu.memory_space<vmem_shared>> -> memref<120x128xf32, #tpu.memory_space<vmem_shared>>
      %dma_wait3A_66 = arith.constant 0 : i32
      %dma_wait3A_67 = arith.constant 0 : i32
      %dma_wait3A_68 = tpu.memref_slice %arg9[%dma_wait3A_66, %dma_wait3A_67] : memref<125x128xf32, #tpu.memory_space<vmem>> -> memref<120x128xf32, #tpu.memory_space<vmem>>
      tpu.wait_dma2 semaphore(%run_scoped3A : memref<!tpu.dma_semaphore, #tpu.memory_space<semaphore_mem>>) src(%dma_wait3A_68 : memref<120x128xf32, #tpu.memory_space<vmem>>) dst(%dma_wait3A_65 : memref<120x128xf32, #tpu.memory_space<vmem_shared>>)
      tpu.yield
    }) : () -> ()
    %add3A_12 = arith.constant 120 : i32
    %add3A_13 = arith.addi %mul3A_9, %add3A_12 : i32
    "tpu.region"() ({
      %run_scoped3A = tpu.sem_alloc : memref<!tpu.dma_semaphore, #tpu.memory_space<semaphore_mem>>
      %dma_start3A_49 = arith.constant 0 : i32
      %dma_start3A_50 = arith.constant 0 : i32
      %dma_start3A_51 = tpu.memref_slice %arg9[%dma_start3A_49, %dma_start3A_50] : memref<125x128xf32, #tpu.memory_space<vmem>> -> memref<120x128xf32, #tpu.memory_space<vmem>>
      %dma_start3A_52 = arith.constant 0 : i32
      %dma_start3A_53 = tpu.memref_slice %arg11[%add3A_13, %dma_start3A_52] : memref<10112x128xf32, #tpu.memory_space<vmem_shared>> -> memref<120x128xf32, #tpu.memory_space<vmem_shared>>
      %dma_start3A_54 = arith.constant 0 : i32
      %dma_start3A_55 = tpu.memref_slice %arg11[%add3A_13, %dma_start3A_54] : memref<10112x128xf32, #tpu.memory_space<vmem_shared>> -> memref<120x128xf32, #tpu.memory_space<vmem_shared>>
      %dma_start3A_56 = arith.constant 0 : i32
      %dma_start3A_57 = arith.constant 0 : i32
      %dma_start3A_58 = tpu.memref_slice %arg9[%dma_start3A_56, %dma_start3A_57] : memref<125x128xf32, #tpu.memory_space<vmem>> -> memref<120x128xf32, #tpu.memory_space<vmem>>
      tpu.enqueue_dma source(%dma_start3A_58 : memref<120x128xf32, #tpu.memory_space<vmem>>) target(%dma_start3A_55 : memref<120x128xf32, #tpu.memory_space<vmem_shared>>) target_semaphore(%run_scoped3A : memref<!tpu.dma_semaphore, #tpu.memory_space<semaphore_mem>>)
      %dma_wait3A_59 = arith.constant 0 : i32
      %dma_wait3A_60 = arith.constant 0 : i32
      %dma_wait3A_61 = tpu.memref_slice %arg9[%dma_wait3A_59, %dma_wait3A_60] : memref<125x128xf32, #tpu.memory_space<vmem>> -> memref<120x128xf32, #tpu.memory_space<vmem>>
      %dma_wait3A_62 = arith.constant 0 : i32
      %dma_wait3A_63 = tpu.memref_slice %arg11[%add3A_13, %dma_wait3A_62] : memref<10112x128xf32, #tpu.memory_space<vmem_shared>> -> memref<120x128xf32, #tpu.memory_space<vmem_shared>>
      %dma_wait3A_64 = arith.constant 0 : i32
      %dma_wait3A_65 = tpu.memref_slice %arg11[%add3A_13, %dma_wait3A_64] : memref<10112x128xf32, #tpu.memory_space<vmem_shared>> -> memref<120x128xf32, #tpu.memory_space<vmem_shared>>
      %dma_wait3A_66 = arith.constant 0 : i32
      %dma_wait3A_67 = arith.constant 0 : i32
      %dma_wait3A_68 = tpu.memref_slice %arg9[%dma_wait3A_66, %dma_wait3A_67] : memref<125x128xf32, #tpu.memory_space<vmem>> -> memref<120x128xf32, #tpu.memory_space<vmem>>
      tpu.wait_dma2 semaphore(%run_scoped3A : memref<!tpu.dma_semaphore, #tpu.memory_space<semaphore_mem>>) src(%dma_wait3A_68 : memref<120x128xf32, #tpu.memory_space<vmem>>) dst(%dma_wait3A_65 : memref<120x128xf32, #tpu.memory_space<vmem_shared>>)
      tpu.yield
    }) : () -> ()
    %add3A_14 = arith.constant 240 : i32
    %add3A_15 = arith.addi %mul3A_9, %add3A_14 : i32
    "tpu.region"() ({
      %run_scoped3A = tpu.sem_alloc : memref<!tpu.dma_semaphore, #tpu.memory_space<semaphore_mem>>
      %dma_start3A_49 = arith.constant 0 : i32
      %dma_start3A_50 = arith.constant 0 : i32
      %dma_start3A_51 = tpu.memref_slice %arg9[%dma_start3A_49, %dma_start3A_50] : memref<125x128xf32, #tpu.memory_space<vmem>> -> memref<120x128xf32, #tpu.memory_space<vmem>>
      %dma_start3A_52 = arith.constant 0 : i32
      %dma_start3A_53 = tpu.memref_slice %arg11[%add3A_15, %dma_start3A_52] : memref<10112x128xf32, #tpu.memory_space<vmem_shared>> -> memref<120x128xf32, #tpu.memory_space<vmem_shared>>
      %dma_start3A_54 = arith.constant 0 : i32
      %dma_start3A_55 = tpu.memref_slice %arg11[%add3A_15, %dma_start3A_54] : memref<10112x128xf32, #tpu.memory_space<vmem_shared>> -> memref<120x128xf32, #tpu.memory_space<vmem_shared>>
      %dma_start3A_56 = arith.constant 0 : i32
      %dma_start3A_57 = arith.constant 0 : i32
      %dma_start3A_58 = tpu.memref_slice %arg9[%dma_start3A_56, %dma_start3A_57] : memref<125x128xf32, #tpu.memory_space<vmem>> -> memref<120x128xf32, #tpu.memory_space<vmem>>
      tpu.enqueue_dma source(%dma_start3A_58 : memref<120x128xf32, #tpu.memory_space<vmem>>) target(%dma_start3A_55 : memref<120x128xf32, #tpu.memory_space<vmem_shared>>) target_semaphore(%run_scoped3A : memref<!tpu.dma_semaphore, #tpu.memory_space<semaphore_mem>>)
      %dma_wait3A_59 = arith.constant 0 : i32
      %dma_wait3A_60 = arith.constant 0 : i32
      %dma_wait3A_61 = tpu.memref_slice %arg9[%dma_wait3A_59, %dma_wait3A_60] : memref<125x128xf32, #tpu.memory_space<vmem>> -> memref<120x128xf32, #tpu.memory_space<vmem>>
      %dma_wait3A_62 = arith.constant 0 : i32
      %dma_wait3A_63 = tpu.memref_slice %arg11[%add3A_15, %dma_wait3A_62] : memref<10112x128xf32, #tpu.memory_space<vmem_shared>> -> memref<120x128xf32, #tpu.memory_space<vmem_shared>>
      %dma_wait3A_64 = arith.constant 0 : i32
      %dma_wait3A_65 = tpu.memref_slice %arg11[%add3A_15, %dma_wait3A_64] : memref<10112x128xf32, #tpu.memory_space<vmem_shared>> -> memref<120x128xf32, #tpu.memory_space<vmem_shared>>
      %dma_wait3A_66 = arith.constant 0 : i32
      %dma_wait3A_67 = arith.constant 0 : i32
      %dma_wait3A_68 = tpu.memref_slice %arg9[%dma_wait3A_66, %dma_wait3A_67] : memref<125x128xf32, #tpu.memory_space<vmem>> -> memref<120x128xf32, #tpu.memory_space<vmem>>
      tpu.wait_dma2 semaphore(%run_scoped3A : memref<!tpu.dma_semaphore, #tpu.memory_space<semaphore_mem>>) src(%dma_wait3A_68 : memref<120x128xf32, #tpu.memory_space<vmem>>) dst(%dma_wait3A_65 : memref<120x128xf32, #tpu.memory_space<vmem_shared>>)
      tpu.yield
    }) : () -> ()
    %add3A_16 = arith.constant 360 : i32
    %add3A_17 = arith.addi %mul3A_9, %add3A_16 : i32
    "tpu.region"() ({
      %run_scoped3A = tpu.sem_alloc : memref<!tpu.dma_semaphore, #tpu.memory_space<semaphore_mem>>
      %dma_start3A_49 = arith.constant 0 : i32
      %dma_start3A_50 = arith.constant 0 : i32
      %dma_start3A_51 = tpu.memref_slice %arg9[%dma_start3A_49, %dma_start3A_50] : memref<125x128xf32, #tpu.memory_space<vmem>> -> memref<120x128xf32, #tpu.memory_space<vmem>>
      %dma_start3A_52 = arith.constant 0 : i32
      %dma_start3A_53 = tpu.memref_slice %arg11[%add3A_17, %dma_start3A_52] : memref<10112x128xf32, #tpu.memory_space<vmem_shared>> -> memref<120x128xf32, #tpu.memory_space<vmem_shared>>
      %dma_start3A_54 = arith.constant 0 : i32
      %dma_start3A_55 = tpu.memref_slice %arg11[%add3A_17, %dma_start3A_54] : memref<10112x128xf32, #tpu.memory_space<vmem_shared>> -> memref<120x128xf32, #tpu.memory_space<vmem_shared>>
      %dma_start3A_56 = arith.constant 0 : i32
      %dma_start3A_57 = arith.constant 0 : i32
      %dma_start3A_58 = tpu.memref_slice %arg9[%dma_start3A_56, %dma_start3A_57] : memref<125x128xf32, #tpu.memory_space<vmem>> -> memref<120x128xf32, #tpu.memory_space<vmem>>
      tpu.enqueue_dma source(%dma_start3A_58 : memref<120x128xf32, #tpu.memory_space<vmem>>) target(%dma_start3A_55 : memref<120x128xf32, #tpu.memory_space<vmem_shared>>) target_semaphore(%run_scoped3A : memref<!tpu.dma_semaphore, #tpu.memory_space<semaphore_mem>>)
      %dma_wait3A_59 = arith.constant 0 : i32
      %dma_wait3A_60 = arith.constant 0 : i32
      %dma_wait3A_61 = tpu.memref_slice %arg9[%dma_wait3A_59, %dma_wait3A_60] : memref<125x128xf32, #tpu.memory_space<vmem>> -> memref<120x128xf32, #tpu.memory_space<vmem>>
      %dma_wait3A_62 = arith.constant 0 : i32
      %dma_wait3A_63 = tpu.memref_slice %arg11[%add3A_17, %dma_wait3A_62] : memref<10112x128xf32, #tpu.memory_space<vmem_shared>> -> memref<120x128xf32, #tpu.memory_space<vmem_shared>>
      %dma_wait3A_64 = arith.constant 0 : i32
      %dma_wait3A_65 = tpu.memref_slice %arg11[%add3A_17, %dma_wait3A_64] : memref<10112x128xf32, #tpu.memory_space<vmem_shared>> -> memref<120x128xf32, #tpu.memory_space<vmem_shared>>
      %dma_wait3A_66 = arith.constant 0 : i32
      %dma_wait3A_67 = arith.constant 0 : i32
      %dma_wait3A_68 = tpu.memref_slice %arg9[%dma_wait3A_66, %dma_wait3A_67] : memref<125x128xf32, #tpu.memory_space<vmem>> -> memref<120x128xf32, #tpu.memory_space<vmem>>
      tpu.wait_dma2 semaphore(%run_scoped3A : memref<!tpu.dma_semaphore, #tpu.memory_space<semaphore_mem>>) src(%dma_wait3A_68 : memref<120x128xf32, #tpu.memory_space<vmem>>) dst(%dma_wait3A_65 : memref<120x128xf32, #tpu.memory_space<vmem_shared>>)
      tpu.yield
    }) : () -> ()
    %add3A_18 = arith.constant 480 : i32
    %add3A_19 = arith.addi %mul3A_9, %add3A_18 : i32
    "tpu.region"() ({
      %run_scoped3A = tpu.sem_alloc : memref<!tpu.dma_semaphore, #tpu.memory_space<semaphore_mem>>
      %dma_start3A_49 = arith.constant 0 : i32
      %dma_start3A_50 = arith.constant 0 : i32
      %dma_start3A_51 = tpu.memref_slice %arg9[%dma_start3A_49, %dma_start3A_50] : memref<125x128xf32, #tpu.memory_space<vmem>> -> memref<120x128xf32, #tpu.memory_space<vmem>>
      %dma_start3A_52 = arith.constant 0 : i32
      %dma_start3A_53 = tpu.memref_slice %arg11[%add3A_19, %dma_start3A_52] : memref<10112x128xf32, #tpu.memory_space<vmem_shared>> -> memref<120x128xf32, #tpu.memory_space<vmem_shared>>
      %dma_start3A_54 = arith.constant 0 : i32
      %dma_start3A_55 = tpu.memref_slice %arg11[%add3A_19, %dma_start3A_54] : memref<10112x128xf32, #tpu.memory_space<vmem_shared>> -> memref<120x128xf32, #tpu.memory_space<vmem_shared>>
      %dma_start3A_56 = arith.constant 0 : i32
      %dma_start3A_57 = arith.constant 0 : i32
      %dma_start3A_58 = tpu.memref_slice %arg9[%dma_start3A_56, %dma_start3A_57] : memref<125x128xf32, #tpu.memory_space<vmem>> -> memref<120x128xf32, #tpu.memory_space<vmem>>
      tpu.enqueue_dma source(%dma_start3A_58 : memref<120x128xf32, #tpu.memory_space<vmem>>) target(%dma_start3A_55 : memref<120x128xf32, #tpu.memory_space<vmem_shared>>) target_semaphore(%run_scoped3A : memref<!tpu.dma_semaphore, #tpu.memory_space<semaphore_mem>>)
      %dma_wait3A_59 = arith.constant 0 : i32
      %dma_wait3A_60 = arith.constant 0 : i32
      %dma_wait3A_61 = tpu.memref_slice %arg9[%dma_wait3A_59, %dma_wait3A_60] : memref<125x128xf32, #tpu.memory_space<vmem>> -> memref<120x128xf32, #tpu.memory_space<vmem>>
      %dma_wait3A_62 = arith.constant 0 : i32
      %dma_wait3A_63 = tpu.memref_slice %arg11[%add3A_19, %dma_wait3A_62] : memref<10112x128xf32, #tpu.memory_space<vmem_shared>> -> memref<120x128xf32, #tpu.memory_space<vmem_shared>>
      %dma_wait3A_64 = arith.constant 0 : i32
      %dma_wait3A_65 = tpu.memref_slice %arg11[%add3A_19, %dma_wait3A_64] : memref<10112x128xf32, #tpu.memory_space<vmem_shared>> -> memref<120x128xf32, #tpu.memory_space<vmem_shared>>
      %dma_wait3A_66 = arith.constant 0 : i32
      %dma_wait3A_67 = arith.constant 0 : i32
      %dma_wait3A_68 = tpu.memref_slice %arg9[%dma_wait3A_66, %dma_wait3A_67] : memref<125x128xf32, #tpu.memory_space<vmem>> -> memref<120x128xf32, #tpu.memory_space<vmem>>
      tpu.wait_dma2 semaphore(%run_scoped3A : memref<!tpu.dma_semaphore, #tpu.memory_space<semaphore_mem>>) src(%dma_wait3A_68 : memref<120x128xf32, #tpu.memory_space<vmem>>) dst(%dma_wait3A_65 : memref<120x128xf32, #tpu.memory_space<vmem_shared>>)
      tpu.yield
    }) : () -> ()
    %add3A_20 = arith.constant 600 : i32
    %add3A_21 = arith.addi %mul3A_9, %add3A_20 : i32
    "tpu.region"() ({
      %run_scoped3A = tpu.sem_alloc : memref<!tpu.dma_semaphore, #tpu.memory_space<semaphore_mem>>
      %dma_start3A_49 = arith.constant 0 : i32
      %dma_start3A_50 = arith.constant 0 : i32
      %dma_start3A_51 = tpu.memref_slice %arg9[%dma_start3A_49, %dma_start3A_50] : memref<125x128xf32, #tpu.memory_space<vmem>> -> memref<32x128xf32, #tpu.memory_space<vmem>>
      %dma_start3A_52 = arith.constant 0 : i32
      %dma_start3A_53 = tpu.memref_slice %arg11[%add3A_21, %dma_start3A_52] : memref<10112x128xf32, #tpu.memory_space<vmem_shared>> -> memref<32x128xf32, #tpu.memory_space<vmem_shared>>
      %dma_start3A_54 = arith.constant 0 : i32
      %dma_start3A_55 = tpu.memref_slice %arg11[%add3A_21, %dma_start3A_54] : memref<10112x128xf32, #tpu.memory_space<vmem_shared>> -> memref<32x128xf32, #tpu.memory_space<vmem_shared>>
      %dma_start3A_56 = arith.constant 0 : i32
      %dma_start3A_57 = arith.constant 0 : i32
      %dma_start3A_58 = tpu.memref_slice %arg9[%dma_start3A_56, %dma_start3A_57] : memref<125x128xf32, #tpu.memory_space<vmem>> -> memref<32x128xf32, #tpu.memory_space<vmem>>
      tpu.enqueue_dma source(%dma_start3A_58 : memref<32x128xf32, #tpu.memory_space<vmem>>) target(%dma_start3A_55 : memref<32x128xf32, #tpu.memory_space<vmem_shared>>) target_semaphore(%run_scoped3A : memref<!tpu.dma_semaphore, #tpu.memory_space<semaphore_mem>>)
      %dma_wait3A_59 = arith.constant 0 : i32
      %dma_wait3A_60 = arith.constant 0 : i32
      %dma_wait3A_61 = tpu.memref_slice %arg9[%dma_wait3A_59, %dma_wait3A_60] : memref<125x128xf32, #tpu.memory_space<vmem>> -> memref<32x128xf32, #tpu.memory_space<vmem>>
      %dma_wait3A_62 = arith.constant 0 : i32
      %dma_wait3A_63 = tpu.memref_slice %arg11[%add3A_21, %dma_wait3A_62] : memref<10112x128xf32, #tpu.memory_space<vmem_shared>> -> memref<32x128xf32, #tpu.memory_space<vmem_shared>>
      %dma_wait3A_64 = arith.constant 0 : i32
      %dma_wait3A_65 = tpu.memref_slice %arg11[%add3A_21, %dma_wait3A_64] : memref<10112x128xf32, #tpu.memory_space<vmem_shared>> -> memref<32x128xf32, #tpu.memory_space<vmem_shared>>
      %dma_wait3A_66 = arith.constant 0 : i32
      %dma_wait3A_67 = arith.constant 0 : i32
      %dma_wait3A_68 = tpu.memref_slice %arg9[%dma_wait3A_66, %dma_wait3A_67] : memref<125x128xf32, #tpu.memory_space<vmem>> -> memref<32x128xf32, #tpu.memory_space<vmem>>
      tpu.wait_dma2 semaphore(%run_scoped3A : memref<!tpu.dma_semaphore, #tpu.memory_space<semaphore_mem>>) src(%dma_wait3A_68 : memref<32x128xf32, #tpu.memory_space<vmem>>) dst(%dma_wait3A_65 : memref<32x128xf32, #tpu.memory_space<vmem_shared>>)
      tpu.yield
    }) : () -> ()
    %barrier3A = arith.constant 0 : index
    tpu.barrier barrier_id(%barrier3A)
    "tpu.region"() ({
      %run_scoped3A = tpu.sem_alloc : memref<!tpu.dma_semaphore, #tpu.memory_space<semaphore_mem>>
      %dma_start3A_49 = arith.constant 0 : i32
      %dma_start3A_50 = tpu.memref_slice %arg3[%mul3A_2, %dma_start3A_49] : memref<5120x125xi32, #tpu.memory_space<hbm>> -> memref<8x125xi32, #tpu.memory_space<hbm>>
      %dma_start3A_51 = arith.constant 0 : i32
      %dma_start3A_52 = tpu.memref_slice %arg3[%mul3A_2, %dma_start3A_51] : memref<5120x125xi32, #tpu.memory_space<hbm>> -> memref<8x125xi32, #tpu.memory_space<hbm>>
      tpu.enqueue_dma source(%dma_start3A_52 : memref<8x125xi32, #tpu.memory_space<hbm>>) target(%arg5 : memref<8x125xi32, #tpu.memory_space<vmem>>) target_semaphore(%run_scoped3A : memref<!tpu.dma_semaphore, #tpu.memory_space<semaphore_mem>>)
      %dma_wait3A_53 = arith.constant 0 : i32
      %dma_wait3A_54 = tpu.memref_slice %arg3[%mul3A_2, %dma_wait3A_53] : memref<5120x125xi32, #tpu.memory_space<hbm>> -> memref<8x125xi32, #tpu.memory_space<hbm>>
      %dma_wait3A_55 = arith.constant 0 : i32
      %dma_wait3A_56 = tpu.memref_slice %arg3[%mul3A_2, %dma_wait3A_55] : memref<5120x125xi32, #tpu.memory_space<hbm>> -> memref<8x125xi32, #tpu.memory_space<hbm>>
      tpu.wait_dma2 semaphore(%run_scoped3A : memref<!tpu.dma_semaphore, #tpu.memory_space<semaphore_mem>>) src(%dma_wait3A_56 : memref<8x125xi32, #tpu.memory_space<hbm>>) dst(%arg5 : memref<8x125xi32, #tpu.memory_space<vmem>>)
      tpu.yield
    }) : () -> ()
    %add3A_22 = arith.constant 2560 : i32
    %add3A_23 = arith.addi %add3A_22, %mul3A_2 : i32
    "tpu.region"() ({
      %run_scoped3A = tpu.sem_alloc : memref<!tpu.dma_semaphore, #tpu.memory_space<semaphore_mem>>
      %dma_start3A_49 = arith.constant 0 : i32
      %dma_start3A_50 = tpu.memref_slice %arg3[%add3A_23, %dma_start3A_49] : memref<5120x125xi32, #tpu.memory_space<hbm>> -> memref<8x125xi32, #tpu.memory_space<hbm>>
      %dma_start3A_51 = arith.constant 0 : i32
      %dma_start3A_52 = tpu.memref_slice %arg3[%add3A_23, %dma_start3A_51] : memref<5120x125xi32, #tpu.memory_space<hbm>> -> memref<8x125xi32, #tpu.memory_space<hbm>>
      tpu.enqueue_dma source(%dma_start3A_52 : memref<8x125xi32, #tpu.memory_space<hbm>>) target(%arg7 : memref<8x125xi32, #tpu.memory_space<vmem>>) target_semaphore(%run_scoped3A : memref<!tpu.dma_semaphore, #tpu.memory_space<semaphore_mem>>)
      %dma_wait3A_53 = arith.constant 0 : i32
      %dma_wait3A_54 = tpu.memref_slice %arg3[%add3A_23, %dma_wait3A_53] : memref<5120x125xi32, #tpu.memory_space<hbm>> -> memref<8x125xi32, #tpu.memory_space<hbm>>
      %dma_wait3A_55 = arith.constant 0 : i32
      %dma_wait3A_56 = tpu.memref_slice %arg3[%add3A_23, %dma_wait3A_55] : memref<5120x125xi32, #tpu.memory_space<hbm>> -> memref<8x125xi32, #tpu.memory_space<hbm>>
      tpu.wait_dma2 semaphore(%run_scoped3A : memref<!tpu.dma_semaphore, #tpu.memory_space<semaphore_mem>>) src(%dma_wait3A_56 : memref<8x125xi32, #tpu.memory_space<hbm>>) dst(%arg7 : memref<8x125xi32, #tpu.memory_space<vmem>>)
      tpu.yield
    }) : () -> ()
    %dma_start3A = arith.constant 0 : i32
    %dma_start3A_24 = arith.constant 0 : i32
    %dma_start3A_25 = tpu.memref_slice %arg5[%dma_start3A, %dma_start3A_24] : memref<8x125xi32, #tpu.memory_space<vmem>> -> memref<1x125xi32, #tpu.memory_space<vmem>>
    %dma_start3A_26 = tpu.memref_squeeze %dma_start3A_25 : memref<1x125xi32, #tpu.memory_space<vmem>> -> memref<125xi32, #tpu.memory_space<vmem>>
    %dma_start3A_27 = arith.constant 0 : i32
    %dma_start3A_28 = arith.constant 0 : i32
    %dma_start3A_29 = tpu.memref_slice %arg2[%dma_start3A_27, %dma_start3A_28] : memref<10000x128xf32, #tpu.memory_space<hbm>> -> memref<10000x128xf32, #tpu.memory_space<hbm>>
    tpu.enqueue_indirect_dma source(%dma_start3A_29 : memref<10000x128xf32, #tpu.memory_space<hbm>>) target(%arg9 : memref<125x128xf32, #tpu.memory_space<vmem>>) offsets(%dma_start3A_26 : memref<125xi32, #tpu.memory_space<vmem>>) semaphore(%arg12 : memref<!tpu.dma_semaphore, #tpu.memory_space<semaphore_mem>>)
    %scan3A_30 = arith.constant 0 : i32
    %scan3A_31 = arith.constant 0 : i32
    %scan3A_32 = arith.constant 10 : i32
    %scan3A_33 = arith.addi %scan3A_31, %scan3A_32 : i32
    %scan3A_34 = arith.constant 1 : i32
    scf.for %scan3A_49 = %scan3A_31 to %scan3A_33 step %scan3A_34  : i32 {
      %rem3A = arith.constant 2 : i32
      %rem3A_50 = arith.remsi %scan3A_49, %rem3A : i32
      %eq3A_51 = arith.constant 0 : i32
      %eq3A_52 = arith.cmpi eq, %rem3A_50, %eq3A_51 : i32
      %convert_element_type3A_53 = arith.extui %eq3A_52 : i1 to i32
      %cond3A_54 = arith.constant 0 : i32
      %cond3A_55 = arith.cmpi ne, %convert_element_type3A_53, %cond3A_54 : i32
      scf.if %cond3A_55 {
        %add3A_60 = arith.constant 1 : i32
        %add3A_61 = arith.addi %scan3A_49, %add3A_60 : i32
        %lt3A_62 = arith.constant 10 : i32
        %lt3A_63 = arith.cmpi slt, %add3A_61, %lt3A_62 : i32
        %convert_element_type3A_64 = arith.extui %lt3A_63 : i1 to i32
        %cond3A_65 = arith.constant 0 : i32
        %cond3A_66 = arith.cmpi ne, %convert_element_type3A_64, %cond3A_65 : i32
        scf.if %cond3A_66 {
          %add3A_306 = arith.constant 1 : i32
          %add3A_307 = arith.addi %scan3A_49, %add3A_306 : i32
          %mul3A_308 = arith.constant 8 : i32
          %mul3A_309 = arith.muli %add3A_307, %mul3A_308 : i32
          %add3A_310 = arith.addi %mul3A_2, %mul3A_309 : i32
          %dma_start3A_311 = arith.constant 0 : i32
          %dma_start3A_312 = tpu.memref_slice %arg3[%add3A_310, %dma_start3A_311] : memref<5120x125xi32, #tpu.memory_space<hbm>> -> memref<8x125xi32, #tpu.memory_space<hbm>>
          %dma_start3A_313 = arith.constant 0 : i32
          %dma_start3A_314 = tpu.memref_slice %arg3[%add3A_310, %dma_start3A_313] : memref<5120x125xi32, #tpu.memory_space<hbm>> -> memref<8x125xi32, #tpu.memory_space<hbm>>
          tpu.enqueue_dma source(%dma_start3A_314 : memref<8x125xi32, #tpu.memory_space<hbm>>) target(%arg6 : memref<8x125xi32, #tpu.memory_space<vmem>>) target_semaphore(%arg16 : memref<!tpu.dma_semaphore, #tpu.memory_space<semaphore_mem>>)
          %add3A_315 = arith.constant 2560 : i32
          %add3A_316 = arith.addi %add3A_315, %mul3A_2 : i32
          %mul3A_317 = arith.constant 8 : i32
          %mul3A_318 = arith.muli %add3A_307, %mul3A_317 : i32
          %add3A_319 = arith.addi %add3A_316, %mul3A_318 : i32
          %dma_start3A_320 = arith.constant 0 : i32
          %dma_start3A_321 = tpu.memref_slice %arg3[%add3A_319, %dma_start3A_320] : memref<5120x125xi32, #tpu.memory_space<hbm>> -> memref<8x125xi32, #tpu.memory_space<hbm>>
          %dma_start3A_322 = arith.constant 0 : i32
          %dma_start3A_323 = tpu.memref_slice %arg3[%add3A_319, %dma_start3A_322] : memref<5120x125xi32, #tpu.memory_space<hbm>> -> memref<8x125xi32, #tpu.memory_space<hbm>>
          tpu.enqueue_dma source(%dma_start3A_323 : memref<8x125xi32, #tpu.memory_space<hbm>>) target(%arg8 : memref<8x125xi32, #tpu.memory_space<vmem>>) target_semaphore(%arg16 : memref<!tpu.dma_semaphore, #tpu.memory_space<semaphore_mem>>)
        } else {
        }
        %mul3A_67 = arith.constant 8 : i32
        %mul3A_68 = arith.muli %scan3A_49, %mul3A_67 : i32
        %add3A_69 = arith.constant 0 : i32
        %add3A_70 = arith.addi %mul3A_68, %add3A_69 : i32
        %dma_wait3A_71 = arith.constant 0 : i32
        %dma_wait3A_72 = arith.constant 0 : i32
        %dma_wait3A_73 = tpu.memref_slice %arg5[%dma_wait3A_71, %dma_wait3A_72] : memref<8x125xi32, #tpu.memory_space<vmem>> -> memref<1x125xi32, #tpu.memory_space<vmem>>
        %dma_wait3A_74 = tpu.memref_squeeze %dma_wait3A_73 : memref<1x125xi32, #tpu.memory_space<vmem>> -> memref<125xi32, #tpu.memory_space<vmem>>
        %dma_wait3A_75 = arith.constant 0 : i32
        %dma_wait3A_76 = arith.constant 0 : i32
        %dma_wait3A_77 = tpu.memref_slice %arg2[%dma_wait3A_75, %dma_wait3A_76] : memref<10000x128xf32, #tpu.memory_space<hbm>> -> memref<10000x128xf32, #tpu.memory_space<hbm>>
        tpu.wait_indirect_dma semaphore(%arg12 : memref<!tpu.dma_semaphore, #tpu.memory_space<semaphore_mem>>) src(%dma_wait3A_77 : memref<10000x128xf32, #tpu.memory_space<hbm>>) dst(%arg9 : memref<125x128xf32, #tpu.memory_space<vmem>>)
        %ge3A = arith.constant 1 : i32
        %ge3A_78 = arith.cmpi sge, %add3A_70, %ge3A : i32
        %convert_element_type3A_79 = arith.extui %ge3A_78 : i1 to i32
        %cond3A_80 = arith.constant 0 : i32
        %cond3A_81 = arith.cmpi ne, %convert_element_type3A_79, %cond3A_80 : i32
        scf.if %cond3A_81 {
          %dma_wait3A_306 = arith.constant 0 : i32
          %dma_wait3A_307 = arith.constant 0 : i32
          %dma_wait3A_308 = tpu.memref_slice %arg7[%dma_wait3A_306, %dma_wait3A_307] : memref<8x125xi32, #tpu.memory_space<vmem>> -> memref<1x125xi32, #tpu.memory_space<vmem>>
          %dma_wait3A_309 = tpu.memref_squeeze %dma_wait3A_308 : memref<1x125xi32, #tpu.memory_space<vmem>> -> memref<125xi32, #tpu.memory_space<vmem>>
          %dma_wait3A_310 = arith.constant 0 : i32
          %dma_wait3A_311 = arith.constant 0 : i32
          %dma_wait3A_312 = tpu.memref_slice %arg11[%dma_wait3A_310, %dma_wait3A_311] : memref<10112x128xf32, #tpu.memory_space<vmem_shared>> -> memref<10112x128xf32, #tpu.memory_space<vmem_shared>>
          tpu.wait_indirect_dma semaphore(%arg15 : memref<!tpu.dma_semaphore, #tpu.memory_space<semaphore_mem>>) src(%arg10 : memref<125x128xf32, #tpu.memory_space<vmem>>) dst(%dma_wait3A_312 : memref<10112x128xf32, #tpu.memory_space<vmem_shared>>)
        } else {
        }
        %dma_start3A_82 = arith.constant 1 : i32
        %dma_start3A_83 = arith.constant 0 : i32
        %dma_start3A_84 = tpu.memref_slice %arg5[%dma_start3A_82, %dma_start3A_83] : memref<8x125xi32, #tpu.memory_space<vmem>> -> memref<1x125xi32, #tpu.memory_space<vmem>>
        %dma_start3A_85 = tpu.memref_squeeze %dma_start3A_84 : memref<1x125xi32, #tpu.memory_space<vmem>> -> memref<125xi32, #tpu.memory_space<vmem>>
        %dma_start3A_86 = arith.constant 0 : i32
        %dma_start3A_87 = arith.constant 0 : i32
        %dma_start3A_88 = tpu.memref_slice %arg2[%dma_start3A_86, %dma_start3A_87] : memref<10000x128xf32, #tpu.memory_space<hbm>> -> memref<10000x128xf32, #tpu.memory_space<hbm>>
        tpu.enqueue_indirect_dma source(%dma_start3A_88 : memref<10000x128xf32, #tpu.memory_space<hbm>>) target(%arg10 : memref<125x128xf32, #tpu.memory_space<vmem>>) offsets(%dma_start3A_85 : memref<125xi32, #tpu.memory_space<vmem>>) semaphore(%arg13 : memref<!tpu.dma_semaphore, #tpu.memory_space<semaphore_mem>>)
        %dma_start3A_89 = arith.constant 0 : i32
        %dma_start3A_90 = arith.constant 0 : i32
        %dma_start3A_91 = tpu.memref_slice %arg7[%dma_start3A_89, %dma_start3A_90] : memref<8x125xi32, #tpu.memory_space<vmem>> -> memref<1x125xi32, #tpu.memory_space<vmem>>
        %dma_start3A_92 = tpu.memref_squeeze %dma_start3A_91 : memref<1x125xi32, #tpu.memory_space<vmem>> -> memref<125xi32, #tpu.memory_space<vmem>>
        %dma_start3A_93 = arith.constant 0 : i32
        %dma_start3A_94 = arith.constant 0 : i32
        %dma_start3A_95 = tpu.memref_slice %arg11[%dma_start3A_93, %dma_start3A_94] : memref<10112x128xf32, #tpu.memory_space<vmem_shared>> -> memref<10112x128xf32, #tpu.memory_space<vmem_shared>>
        tpu.enqueue_indirect_dma source(%arg9 : memref<125x128xf32, #tpu.memory_space<vmem>>) target(%dma_start3A_95 : memref<10112x128xf32, #tpu.memory_space<vmem_shared>>) offsets(%dma_start3A_92 : memref<125xi32, #tpu.memory_space<vmem>>) semaphore(%arg14 : memref<!tpu.dma_semaphore, #tpu.memory_space<semaphore_mem>>) {add = true}
        %mul3A_96 = arith.constant 8 : i32
        %mul3A_97 = arith.muli %scan3A_49, %mul3A_96 : i32
        %add3A_98 = arith.constant 1 : i32
        %add3A_99 = arith.addi %mul3A_97, %add3A_98 : i32
        %dma_wait3A_100 = arith.constant 0 : i32
        %dma_wait3A_101 = arith.constant 0 : i32
        %dma_wait3A_102 = tpu.memref_slice %arg5[%dma_wait3A_100, %dma_wait3A_101] : memref<8x125xi32, #tpu.memory_space<vmem>> -> memref<1x125xi32, #tpu.memory_space<vmem>>
        %dma_wait3A_103 = tpu.memref_squeeze %dma_wait3A_102 : memref<1x125xi32, #tpu.memory_space<vmem>> -> memref<125xi32, #tpu.memory_space<vmem>>
        %dma_wait3A_104 = arith.constant 0 : i32
        %dma_wait3A_105 = arith.constant 0 : i32
        %dma_wait3A_106 = tpu.memref_slice %arg2[%dma_wait3A_104, %dma_wait3A_105] : memref<10000x128xf32, #tpu.memory_space<hbm>> -> memref<10000x128xf32, #tpu.memory_space<hbm>>
        tpu.wait_indirect_dma semaphore(%arg13 : memref<!tpu.dma_semaphore, #tpu.memory_space<semaphore_mem>>) src(%dma_wait3A_106 : memref<10000x128xf32, #tpu.memory_space<hbm>>) dst(%arg10 : memref<125x128xf32, #tpu.memory_space<vmem>>)
        %ge3A_107 = arith.constant 1 : i32
        %ge3A_108 = arith.cmpi sge, %add3A_99, %ge3A_107 : i32
        %convert_element_type3A_109 = arith.extui %ge3A_108 : i1 to i32
        %cond3A_110 = arith.constant 0 : i32
        %cond3A_111 = arith.cmpi ne, %convert_element_type3A_109, %cond3A_110 : i32
        scf.if %cond3A_111 {
          %dma_wait3A_306 = arith.constant 0 : i32
          %dma_wait3A_307 = arith.constant 0 : i32
          %dma_wait3A_308 = tpu.memref_slice %arg7[%dma_wait3A_306, %dma_wait3A_307] : memref<8x125xi32, #tpu.memory_space<vmem>> -> memref<1x125xi32, #tpu.memory_space<vmem>>
          %dma_wait3A_309 = tpu.memref_squeeze %dma_wait3A_308 : memref<1x125xi32, #tpu.memory_space<vmem>> -> memref<125xi32, #tpu.memory_space<vmem>>
          %dma_wait3A_310 = arith.constant 0 : i32
          %dma_wait3A_311 = arith.constant 0 : i32
          %dma_wait3A_312 = tpu.memref_slice %arg11[%dma_wait3A_310, %dma_wait3A_311] : memref<10112x128xf32, #tpu.memory_space<vmem_shared>> -> memref<10112x128xf32, #tpu.memory_space<vmem_shared>>
          tpu.wait_indirect_dma semaphore(%arg14 : memref<!tpu.dma_semaphore, #tpu.memory_space<semaphore_mem>>) src(%arg9 : memref<125x128xf32, #tpu.memory_space<vmem>>) dst(%dma_wait3A_312 : memref<10112x128xf32, #tpu.memory_space<vmem_shared>>)
        } else {
        }
        %dma_start3A_112 = arith.constant 2 : i32
        %dma_start3A_113 = arith.constant 0 : i32
        %dma_start3A_114 = tpu.memref_slice %arg5[%dma_start3A_112, %dma_start3A_113] : memref<8x125xi32, #tpu.memory_space<vmem>> -> memref<1x125xi32, #tpu.memory_space<vmem>>
        %dma_start3A_115 = tpu.memref_squeeze %dma_start3A_114 : memref<1x125xi32, #tpu.memory_space<vmem>> -> memref<125xi32, #tpu.memory_space<vmem>>
        %dma_start3A_116 = arith.constant 0 : i32
        %dma_start3A_117 = arith.constant 0 : i32
        %dma_start3A_118 = tpu.memref_slice %arg2[%dma_start3A_116, %dma_start3A_117] : memref<10000x128xf32, #tpu.memory_space<hbm>> -> memref<10000x128xf32, #tpu.memory_space<hbm>>
        tpu.enqueue_indirect_dma source(%dma_start3A_118 : memref<10000x128xf32, #tpu.memory_space<hbm>>) target(%arg9 : memref<125x128xf32, #tpu.memory_space<vmem>>) offsets(%dma_start3A_115 : memref<125xi32, #tpu.memory_space<vmem>>) semaphore(%arg12 : memref<!tpu.dma_semaphore, #tpu.memory_space<semaphore_mem>>)
        %dma_start3A_119 = arith.constant 1 : i32
        %dma_start3A_120 = arith.constant 0 : i32
        %dma_start3A_121 = tpu.memref_slice %arg7[%dma_start3A_119, %dma_start3A_120] : memref<8x125xi32, #tpu.memory_space<vmem>> -> memref<1x125xi32, #tpu.memory_space<vmem>>
        %dma_start3A_122 = tpu.memref_squeeze %dma_start3A_121 : memref<1x125xi32, #tpu.memory_space<vmem>> -> memref<125xi32, #tpu.memory_space<vmem>>
        %dma_start3A_123 = arith.constant 0 : i32
        %dma_start3A_124 = arith.constant 0 : i32
        %dma_start3A_125 = tpu.memref_slice %arg11[%dma_start3A_123, %dma_start3A_124] : memref<10112x128xf32, #tpu.memory_space<vmem_shared>> -> memref<10112x128xf32, #tpu.memory_space<vmem_shared>>
        tpu.enqueue_indirect_dma source(%arg10 : memref<125x128xf32, #tpu.memory_space<vmem>>) target(%dma_start3A_125 : memref<10112x128xf32, #tpu.memory_space<vmem_shared>>) offsets(%dma_start3A_122 : memref<125xi32, #tpu.memory_space<vmem>>) semaphore(%arg15 : memref<!tpu.dma_semaphore, #tpu.memory_space<semaphore_mem>>) {add = true}
        %mul3A_126 = arith.constant 8 : i32
        %mul3A_127 = arith.muli %scan3A_49, %mul3A_126 : i32
        %add3A_128 = arith.constant 2 : i32
        %add3A_129 = arith.addi %mul3A_127, %add3A_128 : i32
        %dma_wait3A_130 = arith.constant 0 : i32
        %dma_wait3A_131 = arith.constant 0 : i32
        %dma_wait3A_132 = tpu.memref_slice %arg5[%dma_wait3A_130, %dma_wait3A_131] : memref<8x125xi32, #tpu.memory_space<vmem>> -> memref<1x125xi32, #tpu.memory_space<vmem>>
        %dma_wait3A_133 = tpu.memref_squeeze %dma_wait3A_132 : memref<1x125xi32, #tpu.memory_space<vmem>> -> memref<125xi32, #tpu.memory_space<vmem>>
        %dma_wait3A_134 = arith.constant 0 : i32
        %dma_wait3A_135 = arith.constant 0 : i32
        %dma_wait3A_136 = tpu.memref_slice %arg2[%dma_wait3A_134, %dma_wait3A_135] : memref<10000x128xf32, #tpu.memory_space<hbm>> -> memref<10000x128xf32, #tpu.memory_space<hbm>>
        tpu.wait_indirect_dma semaphore(%arg12 : memref<!tpu.dma_semaphore, #tpu.memory_space<semaphore_mem>>) src(%dma_wait3A_136 : memref<10000x128xf32, #tpu.memory_space<hbm>>) dst(%arg9 : memref<125x128xf32, #tpu.memory_space<vmem>>)
        %ge3A_137 = arith.constant 1 : i32
        %ge3A_138 = arith.cmpi sge, %add3A_129, %ge3A_137 : i32
        %convert_element_type3A_139 = arith.extui %ge3A_138 : i1 to i32
        %cond3A_140 = arith.constant 0 : i32
        %cond3A_141 = arith.cmpi ne, %convert_element_type3A_139, %cond3A_140 : i32
        scf.if %cond3A_141 {
          %dma_wait3A_306 = arith.constant 0 : i32
          %dma_wait3A_307 = arith.constant 0 : i32
          %dma_wait3A_308 = tpu.memref_slice %arg7[%dma_wait3A_306, %dma_wait3A_307] : memref<8x125xi32, #tpu.memory_space<vmem>> -> memref<1x125xi32, #tpu.memory_space<vmem>>
          %dma_wait3A_309 = tpu.memref_squeeze %dma_wait3A_308 : memref<1x125xi32, #tpu.memory_space<vmem>> -> memref<125xi32, #tpu.memory_space<vmem>>
          %dma_wait3A_310 = arith.constant 0 : i32
          %dma_wait3A_311 = arith.constant 0 : i32
          %dma_wait3A_312 = tpu.memref_slice %arg11[%dma_wait3A_310, %dma_wait3A_311] : memref<10112x128xf32, #tpu.memory_space<vmem_shared>> -> memref<10112x128xf32, #tpu.memory_space<vmem_shared>>
          tpu.wait_indirect_dma semaphore(%arg15 : memref<!tpu.dma_semaphore, #tpu.memory_space<semaphore_mem>>) src(%arg10 : memref<125x128xf32, #tpu.memory_space<vmem>>) dst(%dma_wait3A_312 : memref<10112x128xf32, #tpu.memory_space<vmem_shared>>)
        } else {
        }
        %dma_start3A_142 = arith.constant 3 : i32
        %dma_start3A_143 = arith.constant 0 : i32
        %dma_start3A_144 = tpu.memref_slice %arg5[%dma_start3A_142, %dma_start3A_143] : memref<8x125xi32, #tpu.memory_space<vmem>> -> memref<1x125xi32, #tpu.memory_space<vmem>>
        %dma_start3A_145 = tpu.memref_squeeze %dma_start3A_144 : memref<1x125xi32, #tpu.memory_space<vmem>> -> memref<125xi32, #tpu.memory_space<vmem>>
        %dma_start3A_146 = arith.constant 0 : i32
        %dma_start3A_147 = arith.constant 0 : i32
        %dma_start3A_148 = tpu.memref_slice %arg2[%dma_start3A_146, %dma_start3A_147] : memref<10000x128xf32, #tpu.memory_space<hbm>> -> memref<10000x128xf32, #tpu.memory_space<hbm>>
        tpu.enqueue_indirect_dma source(%dma_start3A_148 : memref<10000x128xf32, #tpu.memory_space<hbm>>) target(%arg10 : memref<125x128xf32, #tpu.memory_space<vmem>>) offsets(%dma_start3A_145 : memref<125xi32, #tpu.memory_space<vmem>>) semaphore(%arg13 : memref<!tpu.dma_semaphore, #tpu.memory_space<semaphore_mem>>)
        %dma_start3A_149 = arith.constant 2 : i32
        %dma_start3A_150 = arith.constant 0 : i32
        %dma_start3A_151 = tpu.memref_slice %arg7[%dma_start3A_149, %dma_start3A_150] : memref<8x125xi32, #tpu.memory_space<vmem>> -> memref<1x125xi32, #tpu.memory_space<vmem>>
        %dma_start3A_152 = tpu.memref_squeeze %dma_start3A_151 : memref<1x125xi32, #tpu.memory_space<vmem>> -> memref<125xi32, #tpu.memory_space<vmem>>
        %dma_start3A_153 = arith.constant 0 : i32
        %dma_start3A_154 = arith.constant 0 : i32
        %dma_start3A_155 = tpu.memref_slice %arg11[%dma_start3A_153, %dma_start3A_154] : memref<10112x128xf32, #tpu.memory_space<vmem_shared>> -> memref<10112x128xf32, #tpu.memory_space<vmem_shared>>
        tpu.enqueue_indirect_dma source(%arg9 : memref<125x128xf32, #tpu.memory_space<vmem>>) target(%dma_start3A_155 : memref<10112x128xf32, #tpu.memory_space<vmem_shared>>) offsets(%dma_start3A_152 : memref<125xi32, #tpu.memory_space<vmem>>) semaphore(%arg14 : memref<!tpu.dma_semaphore, #tpu.memory_space<semaphore_mem>>) {add = true}
        %mul3A_156 = arith.constant 8 : i32
        %mul3A_157 = arith.muli %scan3A_49, %mul3A_156 : i32
        %add3A_158 = arith.constant 3 : i32
        %add3A_159 = arith.addi %mul3A_157, %add3A_158 : i32
        %dma_wait3A_160 = arith.constant 0 : i32
        %dma_wait3A_161 = arith.constant 0 : i32
        %dma_wait3A_162 = tpu.memref_slice %arg5[%dma_wait3A_160, %dma_wait3A_161] : memref<8x125xi32, #tpu.memory_space<vmem>> -> memref<1x125xi32, #tpu.memory_space<vmem>>
        %dma_wait3A_163 = tpu.memref_squeeze %dma_wait3A_162 : memref<1x125xi32, #tpu.memory_space<vmem>> -> memref<125xi32, #tpu.memory_space<vmem>>
        %dma_wait3A_164 = arith.constant 0 : i32
        %dma_wait3A_165 = arith.constant 0 : i32
        %dma_wait3A_166 = tpu.memref_slice %arg2[%dma_wait3A_164, %dma_wait3A_165] : memref<10000x128xf32, #tpu.memory_space<hbm>> -> memref<10000x128xf32, #tpu.memory_space<hbm>>
        tpu.wait_indirect_dma semaphore(%arg13 : memref<!tpu.dma_semaphore, #tpu.memory_space<semaphore_mem>>) src(%dma_wait3A_166 : memref<10000x128xf32, #tpu.memory_space<hbm>>) dst(%arg10 : memref<125x128xf32, #tpu.memory_space<vmem>>)
        %ge3A_167 = arith.constant 1 : i32
        %ge3A_168 = arith.cmpi sge, %add3A_159, %ge3A_167 : i32
        %convert_element_type3A_169 = arith.extui %ge3A_168 : i1 to i32
        %cond3A_170 = arith.constant 0 : i32
        %cond3A_171 = arith.cmpi ne, %convert_element_type3A_169, %cond3A_170 : i32
        scf.if %cond3A_171 {
          %dma_wait3A_306 = arith.constant 0 : i32
          %dma_wait3A_307 = arith.constant 0 : i32
          %dma_wait3A_308 = tpu.memref_slice %arg7[%dma_wait3A_306, %dma_wait3A_307] : memref<8x125xi32, #tpu.memory_space<vmem>> -> memref<1x125xi32, #tpu.memory_space<vmem>>
          %dma_wait3A_309 = tpu.memref_squeeze %dma_wait3A_308 : memref<1x125xi32, #tpu.memory_space<vmem>> -> memref<125xi32, #tpu.memory_space<vmem>>
          %dma_wait3A_310 = arith.constant 0 : i32
          %dma_wait3A_311 = arith.constant 0 : i32
          %dma_wait3A_312 = tpu.memref_slice %arg11[%dma_wait3A_310, %dma_wait3A_311] : memref<10112x128xf32, #tpu.memory_space<vmem_shared>> -> memref<10112x128xf32, #tpu.memory_space<vmem_shared>>
          tpu.wait_indirect_dma semaphore(%arg14 : memref<!tpu.dma_semaphore, #tpu.memory_space<semaphore_mem>>) src(%arg9 : memref<125x128xf32, #tpu.memory_space<vmem>>) dst(%dma_wait3A_312 : memref<10112x128xf32, #tpu.memory_space<vmem_shared>>)
        } else {
        }
        %dma_start3A_172 = arith.constant 4 : i32
        %dma_start3A_173 = arith.constant 0 : i32
        %dma_start3A_174 = tpu.memref_slice %arg5[%dma_start3A_172, %dma_start3A_173] : memref<8x125xi32, #tpu.memory_space<vmem>> -> memref<1x125xi32, #tpu.memory_space<vmem>>
        %dma_start3A_175 = tpu.memref_squeeze %dma_start3A_174 : memref<1x125xi32, #tpu.memory_space<vmem>> -> memref<125xi32, #tpu.memory_space<vmem>>
        %dma_start3A_176 = arith.constant 0 : i32
        %dma_start3A_177 = arith.constant 0 : i32
        %dma_start3A_178 = tpu.memref_slice %arg2[%dma_start3A_176, %dma_start3A_177] : memref<10000x128xf32, #tpu.memory_space<hbm>> -> memref<10000x128xf32, #tpu.memory_space<hbm>>
        tpu.enqueue_indirect_dma source(%dma_start3A_178 : memref<10000x128xf32, #tpu.memory_space<hbm>>) target(%arg9 : memref<125x128xf32, #tpu.memory_space<vmem>>) offsets(%dma_start3A_175 : memref<125xi32, #tpu.memory_space<vmem>>) semaphore(%arg12 : memref<!tpu.dma_semaphore, #tpu.memory_space<semaphore_mem>>)
        %dma_start3A_179 = arith.constant 3 : i32
        %dma_start3A_180 = arith.constant 0 : i32
        %dma_start3A_181 = tpu.memref_slice %arg7[%dma_start3A_179, %dma_start3A_180] : memref<8x125xi32, #tpu.memory_space<vmem>> -> memref<1x125xi32, #tpu.memory_space<vmem>>
        %dma_start3A_182 = tpu.memref_squeeze %dma_start3A_181 : memref<1x125xi32, #tpu.memory_space<vmem>> -> memref<125xi32, #tpu.memory_space<vmem>>
        %dma_start3A_183 = arith.constant 0 : i32
        %dma_start3A_184 = arith.constant 0 : i32
        %dma_start3A_185 = tpu.memref_slice %arg11[%dma_start3A_183, %dma_start3A_184] : memref<10112x128xf32, #tpu.memory_space<vmem_shared>> -> memref<10112x128xf32, #tpu.memory_space<vmem_shared>>
        tpu.enqueue_indirect_dma source(%arg10 : memref<125x128xf32, #tpu.memory_space<vmem>>) target(%dma_start3A_185 : memref<10112x128xf32, #tpu.memory_space<vmem_shared>>) offsets(%dma_start3A_182 : memref<125xi32, #tpu.memory_space<vmem>>) semaphore(%arg15 : memref<!tpu.dma_semaphore, #tpu.memory_space<semaphore_mem>>) {add = true}
        %mul3A_186 = arith.constant 8 : i32
        %mul3A_187 = arith.muli %scan3A_49, %mul3A_186 : i32
        %add3A_188 = arith.constant 4 : i32
        %add3A_189 = arith.addi %mul3A_187, %add3A_188 : i32
        %dma_wait3A_190 = arith.constant 0 : i32
        %dma_wait3A_191 = arith.constant 0 : i32
        %dma_wait3A_192 = tpu.memref_slice %arg5[%dma_wait3A_190, %dma_wait3A_191] : memref<8x125xi32, #tpu.memory_space<vmem>> -> memref<1x125xi32, #tpu.memory_space<vmem>>
        %dma_wait3A_193 = tpu.memref_squeeze %dma_wait3A_192 : memref<1x125xi32, #tpu.memory_space<vmem>> -> memref<125xi32, #tpu.memory_space<vmem>>
        %dma_wait3A_194 = arith.constant 0 : i32
        %dma_wait3A_195 = arith.constant 0 : i32
        %dma_wait3A_196 = tpu.memref_slice %arg2[%dma_wait3A_194, %dma_wait3A_195] : memref<10000x128xf32, #tpu.memory_space<hbm>> -> memref<10000x128xf32, #tpu.memory_space<hbm>>
        tpu.wait_indirect_dma semaphore(%arg12 : memref<!tpu.dma_semaphore, #tpu.memory_space<semaphore_mem>>) src(%dma_wait3A_196 : memref<10000x128xf32, #tpu.memory_space<hbm>>) dst(%arg9 : memref<125x128xf32, #tpu.memory_space<vmem>>)
        %ge3A_197 = arith.constant 1 : i32
        %ge3A_198 = arith.cmpi sge, %add3A_189, %ge3A_197 : i32
        %convert_element_type3A_199 = arith.extui %ge3A_198 : i1 to i32
        %cond3A_200 = arith.constant 0 : i32
        %cond3A_201 = arith.cmpi ne, %convert_element_type3A_199, %cond3A_200 : i32
        scf.if %cond3A_201 {
          %dma_wait3A_306 = arith.constant 0 : i32
          %dma_wait3A_307 = arith.constant 0 : i32
          %dma_wait3A_308 = tpu.memref_slice %arg7[%dma_wait3A_306, %dma_wait3A_307] : memref<8x125xi32, #tpu.memory_space<vmem>> -> memref<1x125xi32, #tpu.memory_space<vmem>>
          %dma_wait3A_309 = tpu.memref_squeeze %dma_wait3A_308 : memref<1x125xi32, #tpu.memory_space<vmem>> -> memref<125xi32, #tpu.memory_space<vmem>>
          %dma_wait3A_310 = arith.constant 0 : i32
          %dma_wait3A_311 = arith.constant 0 : i32
          %dma_wait3A_312 = tpu.memref_slice %arg11[%dma_wait3A_310, %dma_wait3A_311] : memref<10112x128xf32, #tpu.memory_space<vmem_shared>> -> memref<10112x128xf32, #tpu.memory_space<vmem_shared>>
          tpu.wait_indirect_dma semaphore(%arg15 : memref<!tpu.dma_semaphore, #tpu.memory_space<semaphore_mem>>) src(%arg10 : memref<125x128xf32, #tpu.memory_space<vmem>>) dst(%dma_wait3A_312 : memref<10112x128xf32, #tpu.memory_space<vmem_shared>>)
        } else {
        }
        %dma_start3A_202 = arith.constant 5 : i32
        %dma_start3A_203 = arith.constant 0 : i32
        %dma_start3A_204 = tpu.memref_slice %arg5[%dma_start3A_202, %dma_start3A_203] : memref<8x125xi32, #tpu.memory_space<vmem>> -> memref<1x125xi32, #tpu.memory_space<vmem>>
        %dma_start3A_205 = tpu.memref_squeeze %dma_start3A_204 : memref<1x125xi32, #tpu.memory_space<vmem>> -> memref<125xi32, #tpu.memory_space<vmem>>
        %dma_start3A_206 = arith.constant 0 : i32
        %dma_start3A_207 = arith.constant 0 : i32
        %dma_start3A_208 = tpu.memref_slice %arg2[%dma_start3A_206, %dma_start3A_207] : memref<10000x128xf32, #tpu.memory_space<hbm>> -> memref<10000x128xf32, #tpu.memory_space<hbm>>
        tpu.enqueue_indirect_dma source(%dma_start3A_208 : memref<10000x128xf32, #tpu.memory_space<hbm>>) target(%arg10 : memref<125x128xf32, #tpu.memory_space<vmem>>) offsets(%dma_start3A_205 : memref<125xi32, #tpu.memory_space<vmem>>) semaphore(%arg13 : memref<!tpu.dma_semaphore, #tpu.memory_space<semaphore_mem>>)
        %dma_start3A_209 = arith.constant 4 : i32
        %dma_start3A_210 = arith.constant 0 : i32
        %dma_start3A_211 = tpu.memref_slice %arg7[%dma_start3A_209, %dma_start3A_210] : memref<8x125xi32, #tpu.memory_space<vmem>> -> memref<1x125xi32, #tpu.memory_space<vmem>>
        %dma_start3A_212 = tpu.memref_squeeze %dma_start3A_211 : memref<1x125xi32, #tpu.memory_space<vmem>> -> memref<125xi32, #tpu.memory_space<vmem>>
        %dma_start3A_213 = arith.constant 0 : i32
        %dma_start3A_214 = arith.constant 0 : i32
        %dma_start3A_215 = tpu.memref_slice %arg11[%dma_start3A_213, %dma_start3A_214] : memref<10112x128xf32, #tpu.memory_space<vmem_shared>> -> memref<10112x128xf32, #tpu.memory_space<vmem_shared>>
        tpu.enqueue_indirect_dma source(%arg9 : memref<125x128xf32, #tpu.memory_space<vmem>>) target(%dma_start3A_215 : memref<10112x128xf32, #tpu.memory_space<vmem_shared>>) offsets(%dma_start3A_212 : memref<125xi32, #tpu.memory_space<vmem>>) semaphore(%arg14 : memref<!tpu.dma_semaphore, #tpu.memory_space<semaphore_mem>>) {add = true}
        %mul3A_216 = arith.constant 8 : i32
        %mul3A_217 = arith.muli %scan3A_49, %mul3A_216 : i32
        %add3A_218 = arith.constant 5 : i32
        %add3A_219 = arith.addi %mul3A_217, %add3A_218 : i32
        %dma_wait3A_220 = arith.constant 0 : i32
        %dma_wait3A_221 = arith.constant 0 : i32
        %dma_wait3A_222 = tpu.memref_slice %arg5[%dma_wait3A_220, %dma_wait3A_221] : memref<8x125xi32, #tpu.memory_space<vmem>> -> memref<1x125xi32, #tpu.memory_space<vmem>>
        %dma_wait3A_223 = tpu.memref_squeeze %dma_wait3A_222 : memref<1x125xi32, #tpu.memory_space<vmem>> -> memref<125xi32, #tpu.memory_space<vmem>>
        %dma_wait3A_224 = arith.constant 0 : i32
        %dma_wait3A_225 = arith.constant 0 : i32
        %dma_wait3A_226 = tpu.memref_slice %arg2[%dma_wait3A_224, %dma_wait3A_225] : memref<10000x128xf32, #tpu.memory_space<hbm>> -> memref<10000x128xf32, #tpu.memory_space<hbm>>
        tpu.wait_indirect_dma semaphore(%arg13 : memref<!tpu.dma_semaphore, #tpu.memory_space<semaphore_mem>>) src(%dma_wait3A_226 : memref<10000x128xf32, #tpu.memory_space<hbm>>) dst(%arg10 : memref<125x128xf32, #tpu.memory_space<vmem>>)
        %ge3A_227 = arith.constant 1 : i32
        %ge3A_228 = arith.cmpi sge, %add3A_219, %ge3A_227 : i32
        %convert_element_type3A_229 = arith.extui %ge3A_228 : i1 to i32
        %cond3A_230 = arith.constant 0 : i32
        %cond3A_231 = arith.cmpi ne, %convert_element_type3A_229, %cond3A_230 : i32
        scf.if %cond3A_231 {
          %dma_wait3A_306 = arith.constant 0 : i32
          %dma_wait3A_307 = arith.constant 0 : i32
          %dma_wait3A_308 = tpu.memref_slice %arg7[%dma_wait3A_306, %dma_wait3A_307] : memref<8x125xi32, #tpu.memory_space<vmem>> -> memref<1x125xi32, #tpu.memory_space<vmem>>
          %dma_wait3A_309 = tpu.memref_squeeze %dma_wait3A_308 : memref<1x125xi32, #tpu.memory_space<vmem>> -> memref<125xi32, #tpu.memory_space<vmem>>
          %dma_wait3A_310 = arith.constant 0 : i32
          %dma_wait3A_311 = arith.constant 0 : i32
          %dma_wait3A_312 = tpu.memref_slice %arg11[%dma_wait3A_310, %dma_wait3A_311] : memref<10112x128xf32, #tpu.memory_space<vmem_shared>> -> memref<10112x128xf32, #tpu.memory_space<vmem_shared>>
          tpu.wait_indirect_dma semaphore(%arg14 : memref<!tpu.dma_semaphore, #tpu.memory_space<semaphore_mem>>) src(%arg9 : memref<125x128xf32, #tpu.memory_space<vmem>>) dst(%dma_wait3A_312 : memref<10112x128xf32, #tpu.memory_space<vmem_shared>>)
        } else {
        }
        %dma_start3A_232 = arith.constant 6 : i32
        %dma_start3A_233 = arith.constant 0 : i32
        %dma_start3A_234 = tpu.memref_slice %arg5[%dma_start3A_232, %dma_start3A_233] : memref<8x125xi32, #tpu.memory_space<vmem>> -> memref<1x125xi32, #tpu.memory_space<vmem>>
        %dma_start3A_235 = tpu.memref_squeeze %dma_start3A_234 : memref<1x125xi32, #tpu.memory_space<vmem>> -> memref<125xi32, #tpu.memory_space<vmem>>
        %dma_start3A_236 = arith.constant 0 : i32
        %dma_start3A_237 = arith.constant 0 : i32
        %dma_start3A_238 = tpu.memref_slice %arg2[%dma_start3A_236, %dma_start3A_237] : memref<10000x128xf32, #tpu.memory_space<hbm>> -> memref<10000x128xf32, #tpu.memory_space<hbm>>
        tpu.enqueue_indirect_dma source(%dma_start3A_238 : memref<10000x128xf32, #tpu.memory_space<hbm>>) target(%arg9 : memref<125x128xf32, #tpu.memory_space<vmem>>) offsets(%dma_start3A_235 : memref<125xi32, #tpu.memory_space<vmem>>) semaphore(%arg12 : memref<!tpu.dma_semaphore, #tpu.memory_space<semaphore_mem>>)
        %dma_start3A_239 = arith.constant 5 : i32
        %dma_start3A_240 = arith.constant 0 : i32
        %dma_start3A_241 = tpu.memref_slice %arg7[%dma_start3A_239, %dma_start3A_240] : memref<8x125xi32, #tpu.memory_space<vmem>> -> memref<1x125xi32, #tpu.memory_space<vmem>>
        %dma_start3A_242 = tpu.memref_squeeze %dma_start3A_241 : memref<1x125xi32, #tpu.memory_space<vmem>> -> memref<125xi32, #tpu.memory_space<vmem>>
        %dma_start3A_243 = arith.constant 0 : i32
        %dma_start3A_244 = arith.constant 0 : i32
        %dma_start3A_245 = tpu.memref_slice %arg11[%dma_start3A_243, %dma_start3A_244] : memref<10112x128xf32, #tpu.memory_space<vmem_shared>> -> memref<10112x128xf32, #tpu.memory_space<vmem_shared>>
        tpu.enqueue_indirect_dma source(%arg10 : memref<125x128xf32, #tpu.memory_space<vmem>>) target(%dma_start3A_245 : memref<10112x128xf32, #tpu.memory_space<vmem_shared>>) offsets(%dma_start3A_242 : memref<125xi32, #tpu.memory_space<vmem>>) semaphore(%arg15 : memref<!tpu.dma_semaphore, #tpu.memory_space<semaphore_mem>>) {add = true}
        %mul3A_246 = arith.constant 8 : i32
        %mul3A_247 = arith.muli %scan3A_49, %mul3A_246 : i32
        %add3A_248 = arith.constant 6 : i32
        %add3A_249 = arith.addi %mul3A_247, %add3A_248 : i32
        %dma_wait3A_250 = arith.constant 0 : i32
        %dma_wait3A_251 = arith.constant 0 : i32
        %dma_wait3A_252 = tpu.memref_slice %arg5[%dma_wait3A_250, %dma_wait3A_251] : memref<8x125xi32, #tpu.memory_space<vmem>> -> memref<1x125xi32, #tpu.memory_space<vmem>>
        %dma_wait3A_253 = tpu.memref_squeeze %dma_wait3A_252 : memref<1x125xi32, #tpu.memory_space<vmem>> -> memref<125xi32, #tpu.memory_space<vmem>>
        %dma_wait3A_254 = arith.constant 0 : i32
        %dma_wait3A_255 = arith.constant 0 : i32
        %dma_wait3A_256 = tpu.memref_slice %arg2[%dma_wait3A_254, %dma_wait3A_255] : memref<10000x128xf32, #tpu.memory_space<hbm>> -> memref<10000x128xf32, #tpu.memory_space<hbm>>
        tpu.wait_indirect_dma semaphore(%arg12 : memref<!tpu.dma_semaphore, #tpu.memory_space<semaphore_mem>>) src(%dma_wait3A_256 : memref<10000x128xf32, #tpu.memory_space<hbm>>) dst(%arg9 : memref<125x128xf32, #tpu.memory_space<vmem>>)
        %ge3A_257 = arith.constant 1 : i32
        %ge3A_258 = arith.cmpi sge, %add3A_249, %ge3A_257 : i32
        %convert_element_type3A_259 = arith.extui %ge3A_258 : i1 to i32
        %cond3A_260 = arith.constant 0 : i32
        %cond3A_261 = arith.cmpi ne, %convert_element_type3A_259, %cond3A_260 : i32
        scf.if %cond3A_261 {
          %dma_wait3A_306 = arith.constant 0 : i32
          %dma_wait3A_307 = arith.constant 0 : i32
          %dma_wait3A_308 = tpu.memref_slice %arg7[%dma_wait3A_306, %dma_wait3A_307] : memref<8x125xi32, #tpu.memory_space<vmem>> -> memref<1x125xi32, #tpu.memory_space<vmem>>
          %dma_wait3A_309 = tpu.memref_squeeze %dma_wait3A_308 : memref<1x125xi32, #tpu.memory_space<vmem>> -> memref<125xi32, #tpu.memory_space<vmem>>
          %dma_wait3A_310 = arith.constant 0 : i32
          %dma_wait3A_311 = arith.constant 0 : i32
          %dma_wait3A_312 = tpu.memref_slice %arg11[%dma_wait3A_310, %dma_wait3A_311] : memref<10112x128xf32, #tpu.memory_space<vmem_shared>> -> memref<10112x128xf32, #tpu.memory_space<vmem_shared>>
          tpu.wait_indirect_dma semaphore(%arg15 : memref<!tpu.dma_semaphore, #tpu.memory_space<semaphore_mem>>) src(%arg10 : memref<125x128xf32, #tpu.memory_space<vmem>>) dst(%dma_wait3A_312 : memref<10112x128xf32, #tpu.memory_space<vmem_shared>>)
        } else {
        }
        %dma_start3A_262 = arith.constant 7 : i32
        %dma_start3A_263 = arith.constant 0 : i32
        %dma_start3A_264 = tpu.memref_slice %arg5[%dma_start3A_262, %dma_start3A_263] : memref<8x125xi32, #tpu.memory_space<vmem>> -> memref<1x125xi32, #tpu.memory_space<vmem>>
        %dma_start3A_265 = tpu.memref_squeeze %dma_start3A_264 : memref<1x125xi32, #tpu.memory_space<vmem>> -> memref<125xi32, #tpu.memory_space<vmem>>
        %dma_start3A_266 = arith.constant 0 : i32
        %dma_start3A_267 = arith.constant 0 : i32
        %dma_start3A_268 = tpu.memref_slice %arg2[%dma_start3A_266, %dma_start3A_267] : memref<10000x128xf32, #tpu.memory_space<hbm>> -> memref<10000x128xf32, #tpu.memory_space<hbm>>
        tpu.enqueue_indirect_dma source(%dma_start3A_268 : memref<10000x128xf32, #tpu.memory_space<hbm>>) target(%arg10 : memref<125x128xf32, #tpu.memory_space<vmem>>) offsets(%dma_start3A_265 : memref<125xi32, #tpu.memory_space<vmem>>) semaphore(%arg13 : memref<!tpu.dma_semaphore, #tpu.memory_space<semaphore_mem>>)
        %dma_start3A_269 = arith.constant 6 : i32
        %dma_start3A_270 = arith.constant 0 : i32
        %dma_start3A_271 = tpu.memref_slice %arg7[%dma_start3A_269, %dma_start3A_270] : memref<8x125xi32, #tpu.memory_space<vmem>> -> memref<1x125xi32, #tpu.memory_space<vmem>>
        %dma_start3A_272 = tpu.memref_squeeze %dma_start3A_271 : memref<1x125xi32, #tpu.memory_space<vmem>> -> memref<125xi32, #tpu.memory_space<vmem>>
        %dma_start3A_273 = arith.constant 0 : i32
        %dma_start3A_274 = arith.constant 0 : i32
        %dma_start3A_275 = tpu.memref_slice %arg11[%dma_start3A_273, %dma_start3A_274] : memref<10112x128xf32, #tpu.memory_space<vmem_shared>> -> memref<10112x128xf32, #tpu.memory_space<vmem_shared>>
        tpu.enqueue_indirect_dma source(%arg9 : memref<125x128xf32, #tpu.memory_space<vmem>>) target(%dma_start3A_275 : memref<10112x128xf32, #tpu.memory_space<vmem_shared>>) offsets(%dma_start3A_272 : memref<125xi32, #tpu.memory_space<vmem>>) semaphore(%arg14 : memref<!tpu.dma_semaphore, #tpu.memory_space<semaphore_mem>>) {add = true}
        %mul3A_276 = arith.constant 8 : i32
        %mul3A_277 = arith.muli %scan3A_49, %mul3A_276 : i32
        %add3A_278 = arith.constant 7 : i32
        %add3A_279 = arith.addi %mul3A_277, %add3A_278 : i32
        %dma_wait3A_280 = arith.constant 0 : i32
        %dma_wait3A_281 = arith.constant 0 : i32
        %dma_wait3A_282 = tpu.memref_slice %arg5[%dma_wait3A_280, %dma_wait3A_281] : memref<8x125xi32, #tpu.memory_space<vmem>> -> memref<1x125xi32, #tpu.memory_space<vmem>>
        %dma_wait3A_283 = tpu.memref_squeeze %dma_wait3A_282 : memref<1x125xi32, #tpu.memory_space<vmem>> -> memref<125xi32, #tpu.memory_space<vmem>>
        %dma_wait3A_284 = arith.constant 0 : i32
        %dma_wait3A_285 = arith.constant 0 : i32
        %dma_wait3A_286 = tpu.memref_slice %arg2[%dma_wait3A_284, %dma_wait3A_285] : memref<10000x128xf32, #tpu.memory_space<hbm>> -> memref<10000x128xf32, #tpu.memory_space<hbm>>
        tpu.wait_indirect_dma semaphore(%arg13 : memref<!tpu.dma_semaphore, #tpu.memory_space<semaphore_mem>>) src(%dma_wait3A_286 : memref<10000x128xf32, #tpu.memory_space<hbm>>) dst(%arg10 : memref<125x128xf32, #tpu.memory_space<vmem>>)
        %ge3A_287 = arith.constant 1 : i32
        %ge3A_288 = arith.cmpi sge, %add3A_279, %ge3A_287 : i32
        %convert_element_type3A_289 = arith.extui %ge3A_288 : i1 to i32
        %cond3A_290 = arith.constant 0 : i32
        %cond3A_291 = arith.cmpi ne, %convert_element_type3A_289, %cond3A_290 : i32
        scf.if %cond3A_291 {
          %dma_wait3A_306 = arith.constant 0 : i32
          %dma_wait3A_307 = arith.constant 0 : i32
          %dma_wait3A_308 = tpu.memref_slice %arg7[%dma_wait3A_306, %dma_wait3A_307] : memref<8x125xi32, #tpu.memory_space<vmem>> -> memref<1x125xi32, #tpu.memory_space<vmem>>
          %dma_wait3A_309 = tpu.memref_squeeze %dma_wait3A_308 : memref<1x125xi32, #tpu.memory_space<vmem>> -> memref<125xi32, #tpu.memory_space<vmem>>
          %dma_wait3A_310 = arith.constant 0 : i32
          %dma_wait3A_311 = arith.constant 0 : i32
          %dma_wait3A_312 = tpu.memref_slice %arg11[%dma_wait3A_310, %dma_wait3A_311] : memref<10112x128xf32, #tpu.memory_space<vmem_shared>> -> memref<10112x128xf32, #tpu.memory_space<vmem_shared>>
          tpu.wait_indirect_dma semaphore(%arg14 : memref<!tpu.dma_semaphore, #tpu.memory_space<semaphore_mem>>) src(%arg9 : memref<125x128xf32, #tpu.memory_space<vmem>>) dst(%dma_wait3A_312 : memref<10112x128xf32, #tpu.memory_space<vmem_shared>>)
        } else {
        }
        %add3A_292 = arith.constant 1 : i32
        %add3A_293 = arith.addi %scan3A_49, %add3A_292 : i32
        %lt3A_294 = arith.constant 10 : i32
        %lt3A_295 = arith.cmpi slt, %add3A_293, %lt3A_294 : i32
        %convert_element_type3A_296 = arith.extui %lt3A_295 : i1 to i32
        %cond3A_297 = arith.constant 0 : i32
        %cond3A_298 = arith.cmpi ne, %convert_element_type3A_296, %cond3A_297 : i32
        scf.if %cond3A_298 {
          %dma_wait3A_306 = arith.constant 0 : i32
          %dma_wait3A_307 = arith.constant 0 : i32
          %dma_wait3A_308 = tpu.memref_slice %arg3[%dma_wait3A_306, %dma_wait3A_307] : memref<5120x125xi32, #tpu.memory_space<hbm>> -> memref<8x125xi32, #tpu.memory_space<hbm>>
          %dma_wait3A_309 = arith.constant 0 : i32
          %dma_wait3A_310 = arith.constant 0 : i32
          %dma_wait3A_311 = tpu.memref_slice %arg3[%dma_wait3A_309, %dma_wait3A_310] : memref<5120x125xi32, #tpu.memory_space<hbm>> -> memref<8x125xi32, #tpu.memory_space<hbm>>
          tpu.wait_dma2 semaphore(%arg16 : memref<!tpu.dma_semaphore, #tpu.memory_space<semaphore_mem>>) src(%dma_wait3A_311 : memref<8x125xi32, #tpu.memory_space<hbm>>) dst(%arg5 : memref<8x125xi32, #tpu.memory_space<vmem>>)
          %dma_wait3A_312 = arith.constant 0 : i32
          %dma_wait3A_313 = arith.constant 0 : i32
          %dma_wait3A_314 = tpu.memref_slice %arg3[%dma_wait3A_312, %dma_wait3A_313] : memref<5120x125xi32, #tpu.memory_space<hbm>> -> memref<8x125xi32, #tpu.memory_space<hbm>>
          %dma_wait3A_315 = arith.constant 0 : i32
          %dma_wait3A_316 = arith.constant 0 : i32
          %dma_wait3A_317 = tpu.memref_slice %arg3[%dma_wait3A_315, %dma_wait3A_316] : memref<5120x125xi32, #tpu.memory_space<hbm>> -> memref<8x125xi32, #tpu.memory_space<hbm>>
          tpu.wait_dma2 semaphore(%arg16 : memref<!tpu.dma_semaphore, #tpu.memory_space<semaphore_mem>>) src(%dma_wait3A_317 : memref<8x125xi32, #tpu.memory_space<hbm>>) dst(%arg7 : memref<8x125xi32, #tpu.memory_space<vmem>>)
          %dma_start3A_318 = arith.constant 0 : i32
          %dma_start3A_319 = arith.constant 0 : i32
          %dma_start3A_320 = tpu.memref_slice %arg6[%dma_start3A_318, %dma_start3A_319] : memref<8x125xi32, #tpu.memory_space<vmem>> -> memref<1x125xi32, #tpu.memory_space<vmem>>
          %dma_start3A_321 = tpu.memref_squeeze %dma_start3A_320 : memref<1x125xi32, #tpu.memory_space<vmem>> -> memref<125xi32, #tpu.memory_space<vmem>>
          %dma_start3A_322 = arith.constant 0 : i32
          %dma_start3A_323 = arith.constant 0 : i32
          %dma_start3A_324 = tpu.memref_slice %arg2[%dma_start3A_322, %dma_start3A_323] : memref<10000x128xf32, #tpu.memory_space<hbm>> -> memref<10000x128xf32, #tpu.memory_space<hbm>>
          tpu.enqueue_indirect_dma source(%dma_start3A_324 : memref<10000x128xf32, #tpu.memory_space<hbm>>) target(%arg9 : memref<125x128xf32, #tpu.memory_space<vmem>>) offsets(%dma_start3A_321 : memref<125xi32, #tpu.memory_space<vmem>>) semaphore(%arg12 : memref<!tpu.dma_semaphore, #tpu.memory_space<semaphore_mem>>)
        } else {
        }
        %dma_start3A_299 = arith.constant 7 : i32
        %dma_start3A_300 = arith.constant 0 : i32
        %dma_start3A_301 = tpu.memref_slice %arg7[%dma_start3A_299, %dma_start3A_300] : memref<8x125xi32, #tpu.memory_space<vmem>> -> memref<1x125xi32, #tpu.memory_space<vmem>>
        %dma_start3A_302 = tpu.memref_squeeze %dma_start3A_301 : memref<1x125xi32, #tpu.memory_space<vmem>> -> memref<125xi32, #tpu.memory_space<vmem>>
        %dma_start3A_303 = arith.constant 0 : i32
        %dma_start3A_304 = arith.constant 0 : i32
        %dma_start3A_305 = tpu.memref_slice %arg11[%dma_start3A_303, %dma_start3A_304] : memref<10112x128xf32, #tpu.memory_space<vmem_shared>> -> memref<10112x128xf32, #tpu.memory_space<vmem_shared>>
        tpu.enqueue_indirect_dma source(%arg10 : memref<125x128xf32, #tpu.memory_space<vmem>>) target(%dma_start3A_305 : memref<10112x128xf32, #tpu.memory_space<vmem_shared>>) offsets(%dma_start3A_302 : memref<125xi32, #tpu.memory_space<vmem>>) semaphore(%arg15 : memref<!tpu.dma_semaphore, #tpu.memory_space<semaphore_mem>>) {add = true}
      } else {
      }
      %not3A = arith.constant true
      %not3A_56 = arith.xori %eq3A_52, %not3A : i1
      %convert_element_type3A_57 = arith.extui %not3A_56 : i1 to i32
      %cond3A_58 = arith.constant 0 : i32
      %cond3A_59 = arith.cmpi ne, %convert_element_type3A_57, %cond3A_58 : i32
      scf.if %cond3A_59 {
        %add3A_60 = arith.constant 1 : i32
        %add3A_61 = arith.addi %scan3A_49, %add3A_60 : i32
        %lt3A_62 = arith.constant 10 : i32
        %lt3A_63 = arith.cmpi slt, %add3A_61, %lt3A_62 : i32
        %convert_element_type3A_64 = arith.extui %lt3A_63 : i1 to i32
        %cond3A_65 = arith.constant 0 : i32
        %cond3A_66 = arith.cmpi ne, %convert_element_type3A_64, %cond3A_65 : i32
        scf.if %cond3A_66 {
          %add3A_306 = arith.constant 1 : i32
          %add3A_307 = arith.addi %scan3A_49, %add3A_306 : i32
          %mul3A_308 = arith.constant 8 : i32
          %mul3A_309 = arith.muli %add3A_307, %mul3A_308 : i32
          %add3A_310 = arith.addi %mul3A_2, %mul3A_309 : i32
          %dma_start3A_311 = arith.constant 0 : i32
          %dma_start3A_312 = tpu.memref_slice %arg3[%add3A_310, %dma_start3A_311] : memref<5120x125xi32, #tpu.memory_space<hbm>> -> memref<8x125xi32, #tpu.memory_space<hbm>>
          %dma_start3A_313 = arith.constant 0 : i32
          %dma_start3A_314 = tpu.memref_slice %arg3[%add3A_310, %dma_start3A_313] : memref<5120x125xi32, #tpu.memory_space<hbm>> -> memref<8x125xi32, #tpu.memory_space<hbm>>
          tpu.enqueue_dma source(%dma_start3A_314 : memref<8x125xi32, #tpu.memory_space<hbm>>) target(%arg5 : memref<8x125xi32, #tpu.memory_space<vmem>>) target_semaphore(%arg16 : memref<!tpu.dma_semaphore, #tpu.memory_space<semaphore_mem>>)
          %add3A_315 = arith.constant 2560 : i32
          %add3A_316 = arith.addi %add3A_315, %mul3A_2 : i32
          %mul3A_317 = arith.constant 8 : i32
          %mul3A_318 = arith.muli %add3A_307, %mul3A_317 : i32
          %add3A_319 = arith.addi %add3A_316, %mul3A_318 : i32
          %dma_start3A_320 = arith.constant 0 : i32
          %dma_start3A_321 = tpu.memref_slice %arg3[%add3A_319, %dma_start3A_320] : memref<5120x125xi32, #tpu.memory_space<hbm>> -> memref<8x125xi32, #tpu.memory_space<hbm>>
          %dma_start3A_322 = arith.constant 0 : i32
          %dma_start3A_323 = tpu.memref_slice %arg3[%add3A_319, %dma_start3A_322] : memref<5120x125xi32, #tpu.memory_space<hbm>> -> memref<8x125xi32, #tpu.memory_space<hbm>>
          tpu.enqueue_dma source(%dma_start3A_323 : memref<8x125xi32, #tpu.memory_space<hbm>>) target(%arg7 : memref<8x125xi32, #tpu.memory_space<vmem>>) target_semaphore(%arg16 : memref<!tpu.dma_semaphore, #tpu.memory_space<semaphore_mem>>)
        } else {
        }
        %mul3A_67 = arith.constant 8 : i32
        %mul3A_68 = arith.muli %scan3A_49, %mul3A_67 : i32
        %add3A_69 = arith.constant 0 : i32
        %add3A_70 = arith.addi %mul3A_68, %add3A_69 : i32
        %dma_wait3A_71 = arith.constant 0 : i32
        %dma_wait3A_72 = arith.constant 0 : i32
        %dma_wait3A_73 = tpu.memref_slice %arg5[%dma_wait3A_71, %dma_wait3A_72] : memref<8x125xi32, #tpu.memory_space<vmem>> -> memref<1x125xi32, #tpu.memory_space<vmem>>
        %dma_wait3A_74 = tpu.memref_squeeze %dma_wait3A_73 : memref<1x125xi32, #tpu.memory_space<vmem>> -> memref<125xi32, #tpu.memory_space<vmem>>
        %dma_wait3A_75 = arith.constant 0 : i32
        %dma_wait3A_76 = arith.constant 0 : i32
        %dma_wait3A_77 = tpu.memref_slice %arg2[%dma_wait3A_75, %dma_wait3A_76] : memref<10000x128xf32, #tpu.memory_space<hbm>> -> memref<10000x128xf32, #tpu.memory_space<hbm>>
        tpu.wait_indirect_dma semaphore(%arg12 : memref<!tpu.dma_semaphore, #tpu.memory_space<semaphore_mem>>) src(%dma_wait3A_77 : memref<10000x128xf32, #tpu.memory_space<hbm>>) dst(%arg9 : memref<125x128xf32, #tpu.memory_space<vmem>>)
        %ge3A = arith.constant 1 : i32
        %ge3A_78 = arith.cmpi sge, %add3A_70, %ge3A : i32
        %convert_element_type3A_79 = arith.extui %ge3A_78 : i1 to i32
        %cond3A_80 = arith.constant 0 : i32
        %cond3A_81 = arith.cmpi ne, %convert_element_type3A_79, %cond3A_80 : i32
        scf.if %cond3A_81 {
          %dma_wait3A_306 = arith.constant 0 : i32
          %dma_wait3A_307 = arith.constant 0 : i32
          %dma_wait3A_308 = tpu.memref_slice %arg7[%dma_wait3A_306, %dma_wait3A_307] : memref<8x125xi32, #tpu.memory_space<vmem>> -> memref<1x125xi32, #tpu.memory_space<vmem>>
          %dma_wait3A_309 = tpu.memref_squeeze %dma_wait3A_308 : memref<1x125xi32, #tpu.memory_space<vmem>> -> memref<125xi32, #tpu.memory_space<vmem>>
          %dma_wait3A_310 = arith.constant 0 : i32
          %dma_wait3A_311 = arith.constant 0 : i32
          %dma_wait3A_312 = tpu.memref_slice %arg11[%dma_wait3A_310, %dma_wait3A_311] : memref<10112x128xf32, #tpu.memory_space<vmem_shared>> -> memref<10112x128xf32, #tpu.memory_space<vmem_shared>>
          tpu.wait_indirect_dma semaphore(%arg15 : memref<!tpu.dma_semaphore, #tpu.memory_space<semaphore_mem>>) src(%arg10 : memref<125x128xf32, #tpu.memory_space<vmem>>) dst(%dma_wait3A_312 : memref<10112x128xf32, #tpu.memory_space<vmem_shared>>)
        } else {
        }
        %dma_start3A_82 = arith.constant 1 : i32
        %dma_start3A_83 = arith.constant 0 : i32
        %dma_start3A_84 = tpu.memref_slice %arg6[%dma_start3A_82, %dma_start3A_83] : memref<8x125xi32, #tpu.memory_space<vmem>> -> memref<1x125xi32, #tpu.memory_space<vmem>>
        %dma_start3A_85 = tpu.memref_squeeze %dma_start3A_84 : memref<1x125xi32, #tpu.memory_space<vmem>> -> memref<125xi32, #tpu.memory_space<vmem>>
        %dma_start3A_86 = arith.constant 0 : i32
        %dma_start3A_87 = arith.constant 0 : i32
        %dma_start3A_88 = tpu.memref_slice %arg2[%dma_start3A_86, %dma_start3A_87] : memref<10000x128xf32, #tpu.memory_space<hbm>> -> memref<10000x128xf32, #tpu.memory_space<hbm>>
        tpu.enqueue_indirect_dma source(%dma_start3A_88 : memref<10000x128xf32, #tpu.memory_space<hbm>>) target(%arg10 : memref<125x128xf32, #tpu.memory_space<vmem>>) offsets(%dma_start3A_85 : memref<125xi32, #tpu.memory_space<vmem>>) semaphore(%arg13 : memref<!tpu.dma_semaphore, #tpu.memory_space<semaphore_mem>>)
        %dma_start3A_89 = arith.constant 0 : i32
        %dma_start3A_90 = arith.constant 0 : i32
        %dma_start3A_91 = tpu.memref_slice %arg8[%dma_start3A_89, %dma_start3A_90] : memref<8x125xi32, #tpu.memory_space<vmem>> -> memref<1x125xi32, #tpu.memory_space<vmem>>
        %dma_start3A_92 = tpu.memref_squeeze %dma_start3A_91 : memref<1x125xi32, #tpu.memory_space<vmem>> -> memref<125xi32, #tpu.memory_space<vmem>>
        %dma_start3A_93 = arith.constant 0 : i32
        %dma_start3A_94 = arith.constant 0 : i32
        %dma_start3A_95 = tpu.memref_slice %arg11[%dma_start3A_93, %dma_start3A_94] : memref<10112x128xf32, #tpu.memory_space<vmem_shared>> -> memref<10112x128xf32, #tpu.memory_space<vmem_shared>>
        tpu.enqueue_indirect_dma source(%arg9 : memref<125x128xf32, #tpu.memory_space<vmem>>) target(%dma_start3A_95 : memref<10112x128xf32, #tpu.memory_space<vmem_shared>>) offsets(%dma_start3A_92 : memref<125xi32, #tpu.memory_space<vmem>>) semaphore(%arg14 : memref<!tpu.dma_semaphore, #tpu.memory_space<semaphore_mem>>) {add = true}
        %mul3A_96 = arith.constant 8 : i32
        %mul3A_97 = arith.muli %scan3A_49, %mul3A_96 : i32
        %add3A_98 = arith.constant 1 : i32
        %add3A_99 = arith.addi %mul3A_97, %add3A_98 : i32
        %dma_wait3A_100 = arith.constant 0 : i32
        %dma_wait3A_101 = arith.constant 0 : i32
        %dma_wait3A_102 = tpu.memref_slice %arg5[%dma_wait3A_100, %dma_wait3A_101] : memref<8x125xi32, #tpu.memory_space<vmem>> -> memref<1x125xi32, #tpu.memory_space<vmem>>
        %dma_wait3A_103 = tpu.memref_squeeze %dma_wait3A_102 : memref<1x125xi32, #tpu.memory_space<vmem>> -> memref<125xi32, #tpu.memory_space<vmem>>
        %dma_wait3A_104 = arith.constant 0 : i32
        %dma_wait3A_105 = arith.constant 0 : i32
        %dma_wait3A_106 = tpu.memref_slice %arg2[%dma_wait3A_104, %dma_wait3A_105] : memref<10000x128xf32, #tpu.memory_space<hbm>> -> memref<10000x128xf32, #tpu.memory_space<hbm>>
        tpu.wait_indirect_dma semaphore(%arg13 : memref<!tpu.dma_semaphore, #tpu.memory_space<semaphore_mem>>) src(%dma_wait3A_106 : memref<10000x128xf32, #tpu.memory_space<hbm>>) dst(%arg10 : memref<125x128xf32, #tpu.memory_space<vmem>>)
        %ge3A_107 = arith.constant 1 : i32
        %ge3A_108 = arith.cmpi sge, %add3A_99, %ge3A_107 : i32
        %convert_element_type3A_109 = arith.extui %ge3A_108 : i1 to i32
        %cond3A_110 = arith.constant 0 : i32
        %cond3A_111 = arith.cmpi ne, %convert_element_type3A_109, %cond3A_110 : i32
        scf.if %cond3A_111 {
          %dma_wait3A_306 = arith.constant 0 : i32
          %dma_wait3A_307 = arith.constant 0 : i32
          %dma_wait3A_308 = tpu.memref_slice %arg7[%dma_wait3A_306, %dma_wait3A_307] : memref<8x125xi32, #tpu.memory_space<vmem>> -> memref<1x125xi32, #tpu.memory_space<vmem>>
          %dma_wait3A_309 = tpu.memref_squeeze %dma_wait3A_308 : memref<1x125xi32, #tpu.memory_space<vmem>> -> memref<125xi32, #tpu.memory_space<vmem>>
          %dma_wait3A_310 = arith.constant 0 : i32
          %dma_wait3A_311 = arith.constant 0 : i32
          %dma_wait3A_312 = tpu.memref_slice %arg11[%dma_wait3A_310, %dma_wait3A_311] : memref<10112x128xf32, #tpu.memory_space<vmem_shared>> -> memref<10112x128xf32, #tpu.memory_space<vmem_shared>>
          tpu.wait_indirect_dma semaphore(%arg14 : memref<!tpu.dma_semaphore, #tpu.memory_space<semaphore_mem>>) src(%arg9 : memref<125x128xf32, #tpu.memory_space<vmem>>) dst(%dma_wait3A_312 : memref<10112x128xf32, #tpu.memory_space<vmem_shared>>)
        } else {
        }
        %dma_start3A_112 = arith.constant 2 : i32
        %dma_start3A_113 = arith.constant 0 : i32
        %dma_start3A_114 = tpu.memref_slice %arg6[%dma_start3A_112, %dma_start3A_113] : memref<8x125xi32, #tpu.memory_space<vmem>> -> memref<1x125xi32, #tpu.memory_space<vmem>>
        %dma_start3A_115 = tpu.memref_squeeze %dma_start3A_114 : memref<1x125xi32, #tpu.memory_space<vmem>> -> memref<125xi32, #tpu.memory_space<vmem>>
        %dma_start3A_116 = arith.constant 0 : i32
        %dma_start3A_117 = arith.constant 0 : i32
        %dma_start3A_118 = tpu.memref_slice %arg2[%dma_start3A_116, %dma_start3A_117] : memref<10000x128xf32, #tpu.memory_space<hbm>> -> memref<10000x128xf32, #tpu.memory_space<hbm>>
        tpu.enqueue_indirect_dma source(%dma_start3A_118 : memref<10000x128xf32, #tpu.memory_space<hbm>>) target(%arg9 : memref<125x128xf32, #tpu.memory_space<vmem>>) offsets(%dma_start3A_115 : memref<125xi32, #tpu.memory_space<vmem>>) semaphore(%arg12 : memref<!tpu.dma_semaphore, #tpu.memory_space<semaphore_mem>>)
        %dma_start3A_119 = arith.constant 1 : i32
        %dma_start3A_120 = arith.constant 0 : i32
        %dma_start3A_121 = tpu.memref_slice %arg8[%dma_start3A_119, %dma_start3A_120] : memref<8x125xi32, #tpu.memory_space<vmem>> -> memref<1x125xi32, #tpu.memory_space<vmem>>
        %dma_start3A_122 = tpu.memref_squeeze %dma_start3A_121 : memref<1x125xi32, #tpu.memory_space<vmem>> -> memref<125xi32, #tpu.memory_space<vmem>>
        %dma_start3A_123 = arith.constant 0 : i32
        %dma_start3A_124 = arith.constant 0 : i32
        %dma_start3A_125 = tpu.memref_slice %arg11[%dma_start3A_123, %dma_start3A_124] : memref<10112x128xf32, #tpu.memory_space<vmem_shared>> -> memref<10112x128xf32, #tpu.memory_space<vmem_shared>>
        tpu.enqueue_indirect_dma source(%arg10 : memref<125x128xf32, #tpu.memory_space<vmem>>) target(%dma_start3A_125 : memref<10112x128xf32, #tpu.memory_space<vmem_shared>>) offsets(%dma_start3A_122 : memref<125xi32, #tpu.memory_space<vmem>>) semaphore(%arg15 : memref<!tpu.dma_semaphore, #tpu.memory_space<semaphore_mem>>) {add = true}
        %mul3A_126 = arith.constant 8 : i32
        %mul3A_127 = arith.muli %scan3A_49, %mul3A_126 : i32
        %add3A_128 = arith.constant 2 : i32
        %add3A_129 = arith.addi %mul3A_127, %add3A_128 : i32
        %dma_wait3A_130 = arith.constant 0 : i32
        %dma_wait3A_131 = arith.constant 0 : i32
        %dma_wait3A_132 = tpu.memref_slice %arg5[%dma_wait3A_130, %dma_wait3A_131] : memref<8x125xi32, #tpu.memory_space<vmem>> -> memref<1x125xi32, #tpu.memory_space<vmem>>
        %dma_wait3A_133 = tpu.memref_squeeze %dma_wait3A_132 : memref<1x125xi32, #tpu.memory_space<vmem>> -> memref<125xi32, #tpu.memory_space<vmem>>
        %dma_wait3A_134 = arith.constant 0 : i32
        %dma_wait3A_135 = arith.constant 0 : i32
        %dma_wait3A_136 = tpu.memref_slice %arg2[%dma_wait3A_134, %dma_wait3A_135] : memref<10000x128xf32, #tpu.memory_space<hbm>> -> memref<10000x128xf32, #tpu.memory_space<hbm>>
        tpu.wait_indirect_dma semaphore(%arg12 : memref<!tpu.dma_semaphore, #tpu.memory_space<semaphore_mem>>) src(%dma_wait3A_136 : memref<10000x128xf32, #tpu.memory_space<hbm>>) dst(%arg9 : memref<125x128xf32, #tpu.memory_space<vmem>>)
        %ge3A_137 = arith.constant 1 : i32
        %ge3A_138 = arith.cmpi sge, %add3A_129, %ge3A_137 : i32
        %convert_element_type3A_139 = arith.extui %ge3A_138 : i1 to i32
        %cond3A_140 = arith.constant 0 : i32
        %cond3A_141 = arith.cmpi ne, %convert_element_type3A_139, %cond3A_140 : i32
        scf.if %cond3A_141 {
          %dma_wait3A_306 = arith.constant 0 : i32
          %dma_wait3A_307 = arith.constant 0 : i32
          %dma_wait3A_308 = tpu.memref_slice %arg7[%dma_wait3A_306, %dma_wait3A_307] : memref<8x125xi32, #tpu.memory_space<vmem>> -> memref<1x125xi32, #tpu.memory_space<vmem>>
          %dma_wait3A_309 = tpu.memref_squeeze %dma_wait3A_308 : memref<1x125xi32, #tpu.memory_space<vmem>> -> memref<125xi32, #tpu.memory_space<vmem>>
          %dma_wait3A_310 = arith.constant 0 : i32
          %dma_wait3A_311 = arith.constant 0 : i32
          %dma_wait3A_312 = tpu.memref_slice %arg11[%dma_wait3A_310, %dma_wait3A_311] : memref<10112x128xf32, #tpu.memory_space<vmem_shared>> -> memref<10112x128xf32, #tpu.memory_space<vmem_shared>>
          tpu.wait_indirect_dma semaphore(%arg15 : memref<!tpu.dma_semaphore, #tpu.memory_space<semaphore_mem>>) src(%arg10 : memref<125x128xf32, #tpu.memory_space<vmem>>) dst(%dma_wait3A_312 : memref<10112x128xf32, #tpu.memory_space<vmem_shared>>)
        } else {
        }
        %dma_start3A_142 = arith.constant 3 : i32
        %dma_start3A_143 = arith.constant 0 : i32
        %dma_start3A_144 = tpu.memref_slice %arg6[%dma_start3A_142, %dma_start3A_143] : memref<8x125xi32, #tpu.memory_space<vmem>> -> memref<1x125xi32, #tpu.memory_space<vmem>>
        %dma_start3A_145 = tpu.memref_squeeze %dma_start3A_144 : memref<1x125xi32, #tpu.memory_space<vmem>> -> memref<125xi32, #tpu.memory_space<vmem>>
        %dma_start3A_146 = arith.constant 0 : i32
        %dma_start3A_147 = arith.constant 0 : i32
        %dma_start3A_148 = tpu.memref_slice %arg2[%dma_start3A_146, %dma_start3A_147] : memref<10000x128xf32, #tpu.memory_space<hbm>> -> memref<10000x128xf32, #tpu.memory_space<hbm>>
        tpu.enqueue_indirect_dma source(%dma_start3A_148 : memref<10000x128xf32, #tpu.memory_space<hbm>>) target(%arg10 : memref<125x128xf32, #tpu.memory_space<vmem>>) offsets(%dma_start3A_145 : memref<125xi32, #tpu.memory_space<vmem>>) semaphore(%arg13 : memref<!tpu.dma_semaphore, #tpu.memory_space<semaphore_mem>>)
        %dma_start3A_149 = arith.constant 2 : i32
        %dma_start3A_150 = arith.constant 0 : i32
        %dma_start3A_151 = tpu.memref_slice %arg8[%dma_start3A_149, %dma_start3A_150] : memref<8x125xi32, #tpu.memory_space<vmem>> -> memref<1x125xi32, #tpu.memory_space<vmem>>
        %dma_start3A_152 = tpu.memref_squeeze %dma_start3A_151 : memref<1x125xi32, #tpu.memory_space<vmem>> -> memref<125xi32, #tpu.memory_space<vmem>>
        %dma_start3A_153 = arith.constant 0 : i32
        %dma_start3A_154 = arith.constant 0 : i32
        %dma_start3A_155 = tpu.memref_slice %arg11[%dma_start3A_153, %dma_start3A_154] : memref<10112x128xf32, #tpu.memory_space<vmem_shared>> -> memref<10112x128xf32, #tpu.memory_space<vmem_shared>>
        tpu.enqueue_indirect_dma source(%arg9 : memref<125x128xf32, #tpu.memory_space<vmem>>) target(%dma_start3A_155 : memref<10112x128xf32, #tpu.memory_space<vmem_shared>>) offsets(%dma_start3A_152 : memref<125xi32, #tpu.memory_space<vmem>>) semaphore(%arg14 : memref<!tpu.dma_semaphore, #tpu.memory_space<semaphore_mem>>) {add = true}
        %mul3A_156 = arith.constant 8 : i32
        %mul3A_157 = arith.muli %scan3A_49, %mul3A_156 : i32
        %add3A_158 = arith.constant 3 : i32
        %add3A_159 = arith.addi %mul3A_157, %add3A_158 : i32
        %dma_wait3A_160 = arith.constant 0 : i32
        %dma_wait3A_161 = arith.constant 0 : i32
        %dma_wait3A_162 = tpu.memref_slice %arg5[%dma_wait3A_160, %dma_wait3A_161] : memref<8x125xi32, #tpu.memory_space<vmem>> -> memref<1x125xi32, #tpu.memory_space<vmem>>
        %dma_wait3A_163 = tpu.memref_squeeze %dma_wait3A_162 : memref<1x125xi32, #tpu.memory_space<vmem>> -> memref<125xi32, #tpu.memory_space<vmem>>
        %dma_wait3A_164 = arith.constant 0 : i32
        %dma_wait3A_165 = arith.constant 0 : i32
        %dma_wait3A_166 = tpu.memref_slice %arg2[%dma_wait3A_164, %dma_wait3A_165] : memref<10000x128xf32, #tpu.memory_space<hbm>> -> memref<10000x128xf32, #tpu.memory_space<hbm>>
        tpu.wait_indirect_dma semaphore(%arg13 : memref<!tpu.dma_semaphore, #tpu.memory_space<semaphore_mem>>) src(%dma_wait3A_166 : memref<10000x128xf32, #tpu.memory_space<hbm>>) dst(%arg10 : memref<125x128xf32, #tpu.memory_space<vmem>>)
        %ge3A_167 = arith.constant 1 : i32
        %ge3A_168 = arith.cmpi sge, %add3A_159, %ge3A_167 : i32
        %convert_element_type3A_169 = arith.extui %ge3A_168 : i1 to i32
        %cond3A_170 = arith.constant 0 : i32
        %cond3A_171 = arith.cmpi ne, %convert_element_type3A_169, %cond3A_170 : i32
        scf.if %cond3A_171 {
          %dma_wait3A_306 = arith.constant 0 : i32
          %dma_wait3A_307 = arith.constant 0 : i32
          %dma_wait3A_308 = tpu.memref_slice %arg7[%dma_wait3A_306, %dma_wait3A_307] : memref<8x125xi32, #tpu.memory_space<vmem>> -> memref<1x125xi32, #tpu.memory_space<vmem>>
          %dma_wait3A_309 = tpu.memref_squeeze %dma_wait3A_308 : memref<1x125xi32, #tpu.memory_space<vmem>> -> memref<125xi32, #tpu.memory_space<vmem>>
          %dma_wait3A_310 = arith.constant 0 : i32
          %dma_wait3A_311 = arith.constant 0 : i32
          %dma_wait3A_312 = tpu.memref_slice %arg11[%dma_wait3A_310, %dma_wait3A_311] : memref<10112x128xf32, #tpu.memory_space<vmem_shared>> -> memref<10112x128xf32, #tpu.memory_space<vmem_shared>>
          tpu.wait_indirect_dma semaphore(%arg14 : memref<!tpu.dma_semaphore, #tpu.memory_space<semaphore_mem>>) src(%arg9 : memref<125x128xf32, #tpu.memory_space<vmem>>) dst(%dma_wait3A_312 : memref<10112x128xf32, #tpu.memory_space<vmem_shared>>)
        } else {
        }
        %dma_start3A_172 = arith.constant 4 : i32
        %dma_start3A_173 = arith.constant 0 : i32
        %dma_start3A_174 = tpu.memref_slice %arg6[%dma_start3A_172, %dma_start3A_173] : memref<8x125xi32, #tpu.memory_space<vmem>> -> memref<1x125xi32, #tpu.memory_space<vmem>>
        %dma_start3A_175 = tpu.memref_squeeze %dma_start3A_174 : memref<1x125xi32, #tpu.memory_space<vmem>> -> memref<125xi32, #tpu.memory_space<vmem>>
        %dma_start3A_176 = arith.constant 0 : i32
        %dma_start3A_177 = arith.constant 0 : i32
        %dma_start3A_178 = tpu.memref_slice %arg2[%dma_start3A_176, %dma_start3A_177] : memref<10000x128xf32, #tpu.memory_space<hbm>> -> memref<10000x128xf32, #tpu.memory_space<hbm>>
        tpu.enqueue_indirect_dma source(%dma_start3A_178 : memref<10000x128xf32, #tpu.memory_space<hbm>>) target(%arg9 : memref<125x128xf32, #tpu.memory_space<vmem>>) offsets(%dma_start3A_175 : memref<125xi32, #tpu.memory_space<vmem>>) semaphore(%arg12 : memref<!tpu.dma_semaphore, #tpu.memory_space<semaphore_mem>>)
        %dma_start3A_179 = arith.constant 3 : i32
        %dma_start3A_180 = arith.constant 0 : i32
        %dma_start3A_181 = tpu.memref_slice %arg8[%dma_start3A_179, %dma_start3A_180] : memref<8x125xi32, #tpu.memory_space<vmem>> -> memref<1x125xi32, #tpu.memory_space<vmem>>
        %dma_start3A_182 = tpu.memref_squeeze %dma_start3A_181 : memref<1x125xi32, #tpu.memory_space<vmem>> -> memref<125xi32, #tpu.memory_space<vmem>>
        %dma_start3A_183 = arith.constant 0 : i32
        %dma_start3A_184 = arith.constant 0 : i32
        %dma_start3A_185 = tpu.memref_slice %arg11[%dma_start3A_183, %dma_start3A_184] : memref<10112x128xf32, #tpu.memory_space<vmem_shared>> -> memref<10112x128xf32, #tpu.memory_space<vmem_shared>>
        tpu.enqueue_indirect_dma source(%arg10 : memref<125x128xf32, #tpu.memory_space<vmem>>) target(%dma_start3A_185 : memref<10112x128xf32, #tpu.memory_space<vmem_shared>>) offsets(%dma_start3A_182 : memref<125xi32, #tpu.memory_space<vmem>>) semaphore(%arg15 : memref<!tpu.dma_semaphore, #tpu.memory_space<semaphore_mem>>) {add = true}
        %mul3A_186 = arith.constant 8 : i32
        %mul3A_187 = arith.muli %scan3A_49, %mul3A_186 : i32
        %add3A_188 = arith.constant 4 : i32
        %add3A_189 = arith.addi %mul3A_187, %add3A_188 : i32
        %dma_wait3A_190 = arith.constant 0 : i32
        %dma_wait3A_191 = arith.constant 0 : i32
        %dma_wait3A_192 = tpu.memref_slice %arg5[%dma_wait3A_190, %dma_wait3A_191] : memref<8x125xi32, #tpu.memory_space<vmem>> -> memref<1x125xi32, #tpu.memory_space<vmem>>
        %dma_wait3A_193 = tpu.memref_squeeze %dma_wait3A_192 : memref<1x125xi32, #tpu.memory_space<vmem>> -> memref<125xi32, #tpu.memory_space<vmem>>
        %dma_wait3A_194 = arith.constant 0 : i32
        %dma_wait3A_195 = arith.constant 0 : i32
        %dma_wait3A_196 = tpu.memref_slice %arg2[%dma_wait3A_194, %dma_wait3A_195] : memref<10000x128xf32, #tpu.memory_space<hbm>> -> memref<10000x128xf32, #tpu.memory_space<hbm>>
        tpu.wait_indirect_dma semaphore(%arg12 : memref<!tpu.dma_semaphore, #tpu.memory_space<semaphore_mem>>) src(%dma_wait3A_196 : memref<10000x128xf32, #tpu.memory_space<hbm>>) dst(%arg9 : memref<125x128xf32, #tpu.memory_space<vmem>>)
        %ge3A_197 = arith.constant 1 : i32
        %ge3A_198 = arith.cmpi sge, %add3A_189, %ge3A_197 : i32
        %convert_element_type3A_199 = arith.extui %ge3A_198 : i1 to i32
        %cond3A_200 = arith.constant 0 : i32
        %cond3A_201 = arith.cmpi ne, %convert_element_type3A_199, %cond3A_200 : i32
        scf.if %cond3A_201 {
          %dma_wait3A_306 = arith.constant 0 : i32
          %dma_wait3A_307 = arith.constant 0 : i32
          %dma_wait3A_308 = tpu.memref_slice %arg7[%dma_wait3A_306, %dma_wait3A_307] : memref<8x125xi32, #tpu.memory_space<vmem>> -> memref<1x125xi32, #tpu.memory_space<vmem>>
          %dma_wait3A_309 = tpu.memref_squeeze %dma_wait3A_308 : memref<1x125xi32, #tpu.memory_space<vmem>> -> memref<125xi32, #tpu.memory_space<vmem>>
          %dma_wait3A_310 = arith.constant 0 : i32
          %dma_wait3A_311 = arith.constant 0 : i32
          %dma_wait3A_312 = tpu.memref_slice %arg11[%dma_wait3A_310, %dma_wait3A_311] : memref<10112x128xf32, #tpu.memory_space<vmem_shared>> -> memref<10112x128xf32, #tpu.memory_space<vmem_shared>>
          tpu.wait_indirect_dma semaphore(%arg15 : memref<!tpu.dma_semaphore, #tpu.memory_space<semaphore_mem>>) src(%arg10 : memref<125x128xf32, #tpu.memory_space<vmem>>) dst(%dma_wait3A_312 : memref<10112x128xf32, #tpu.memory_space<vmem_shared>>)
        } else {
        }
        %dma_start3A_202 = arith.constant 5 : i32
        %dma_start3A_203 = arith.constant 0 : i32
        %dma_start3A_204 = tpu.memref_slice %arg6[%dma_start3A_202, %dma_start3A_203] : memref<8x125xi32, #tpu.memory_space<vmem>> -> memref<1x125xi32, #tpu.memory_space<vmem>>
        %dma_start3A_205 = tpu.memref_squeeze %dma_start3A_204 : memref<1x125xi32, #tpu.memory_space<vmem>> -> memref<125xi32, #tpu.memory_space<vmem>>
        %dma_start3A_206 = arith.constant 0 : i32
        %dma_start3A_207 = arith.constant 0 : i32
        %dma_start3A_208 = tpu.memref_slice %arg2[%dma_start3A_206, %dma_start3A_207] : memref<10000x128xf32, #tpu.memory_space<hbm>> -> memref<10000x128xf32, #tpu.memory_space<hbm>>
        tpu.enqueue_indirect_dma source(%dma_start3A_208 : memref<10000x128xf32, #tpu.memory_space<hbm>>) target(%arg10 : memref<125x128xf32, #tpu.memory_space<vmem>>) offsets(%dma_start3A_205 : memref<125xi32, #tpu.memory_space<vmem>>) semaphore(%arg13 : memref<!tpu.dma_semaphore, #tpu.memory_space<semaphore_mem>>)
        %dma_start3A_209 = arith.constant 4 : i32
        %dma_start3A_210 = arith.constant 0 : i32
        %dma_start3A_211 = tpu.memref_slice %arg8[%dma_start3A_209, %dma_start3A_210] : memref<8x125xi32, #tpu.memory_space<vmem>> -> memref<1x125xi32, #tpu.memory_space<vmem>>
        %dma_start3A_212 = tpu.memref_squeeze %dma_start3A_211 : memref<1x125xi32, #tpu.memory_space<vmem>> -> memref<125xi32, #tpu.memory_space<vmem>>
        %dma_start3A_213 = arith.constant 0 : i32
        %dma_start3A_214 = arith.constant 0 : i32
        %dma_start3A_215 = tpu.memref_slice %arg11[%dma_start3A_213, %dma_start3A_214] : memref<10112x128xf32, #tpu.memory_space<vmem_shared>> -> memref<10112x128xf32, #tpu.memory_space<vmem_shared>>
        tpu.enqueue_indirect_dma source(%arg9 : memref<125x128xf32, #tpu.memory_space<vmem>>) target(%dma_start3A_215 : memref<10112x128xf32, #tpu.memory_space<vmem_shared>>) offsets(%dma_start3A_212 : memref<125xi32, #tpu.memory_space<vmem>>) semaphore(%arg14 : memref<!tpu.dma_semaphore, #tpu.memory_space<semaphore_mem>>) {add = true}
        %mul3A_216 = arith.constant 8 : i32
        %mul3A_217 = arith.muli %scan3A_49, %mul3A_216 : i32
        %add3A_218 = arith.constant 5 : i32
        %add3A_219 = arith.addi %mul3A_217, %add3A_218 : i32
        %dma_wait3A_220 = arith.constant 0 : i32
        %dma_wait3A_221 = arith.constant 0 : i32
        %dma_wait3A_222 = tpu.memref_slice %arg5[%dma_wait3A_220, %dma_wait3A_221] : memref<8x125xi32, #tpu.memory_space<vmem>> -> memref<1x125xi32, #tpu.memory_space<vmem>>
        %dma_wait3A_223 = tpu.memref_squeeze %dma_wait3A_222 : memref<1x125xi32, #tpu.memory_space<vmem>> -> memref<125xi32, #tpu.memory_space<vmem>>
        %dma_wait3A_224 = arith.constant 0 : i32
        %dma_wait3A_225 = arith.constant 0 : i32
        %dma_wait3A_226 = tpu.memref_slice %arg2[%dma_wait3A_224, %dma_wait3A_225] : memref<10000x128xf32, #tpu.memory_space<hbm>> -> memref<10000x128xf32, #tpu.memory_space<hbm>>
        tpu.wait_indirect_dma semaphore(%arg13 : memref<!tpu.dma_semaphore, #tpu.memory_space<semaphore_mem>>) src(%dma_wait3A_226 : memref<10000x128xf32, #tpu.memory_space<hbm>>) dst(%arg10 : memref<125x128xf32, #tpu.memory_space<vmem>>)
        %ge3A_227 = arith.constant 1 : i32
        %ge3A_228 = arith.cmpi sge, %add3A_219, %ge3A_227 : i32
        %convert_element_type3A_229 = arith.extui %ge3A_228 : i1 to i32
        %cond3A_230 = arith.constant 0 : i32
        %cond3A_231 = arith.cmpi ne, %convert_element_type3A_229, %cond3A_230 : i32
        scf.if %cond3A_231 {
          %dma_wait3A_306 = arith.constant 0 : i32
          %dma_wait3A_307 = arith.constant 0 : i32
          %dma_wait3A_308 = tpu.memref_slice %arg7[%dma_wait3A_306, %dma_wait3A_307] : memref<8x125xi32, #tpu.memory_space<vmem>> -> memref<1x125xi32, #tpu.memory_space<vmem>>
          %dma_wait3A_309 = tpu.memref_squeeze %dma_wait3A_308 : memref<1x125xi32, #tpu.memory_space<vmem>> -> memref<125xi32, #tpu.memory_space<vmem>>
          %dma_wait3A_310 = arith.constant 0 : i32
          %dma_wait3A_311 = arith.constant 0 : i32
          %dma_wait3A_312 = tpu.memref_slice %arg11[%dma_wait3A_310, %dma_wait3A_311] : memref<10112x128xf32, #tpu.memory_space<vmem_shared>> -> memref<10112x128xf32, #tpu.memory_space<vmem_shared>>
          tpu.wait_indirect_dma semaphore(%arg14 : memref<!tpu.dma_semaphore, #tpu.memory_space<semaphore_mem>>) src(%arg9 : memref<125x128xf32, #tpu.memory_space<vmem>>) dst(%dma_wait3A_312 : memref<10112x128xf32, #tpu.memory_space<vmem_shared>>)
        } else {
        }
        %dma_start3A_232 = arith.constant 6 : i32
        %dma_start3A_233 = arith.constant 0 : i32
        %dma_start3A_234 = tpu.memref_slice %arg6[%dma_start3A_232, %dma_start3A_233] : memref<8x125xi32, #tpu.memory_space<vmem>> -> memref<1x125xi32, #tpu.memory_space<vmem>>
        %dma_start3A_235 = tpu.memref_squeeze %dma_start3A_234 : memref<1x125xi32, #tpu.memory_space<vmem>> -> memref<125xi32, #tpu.memory_space<vmem>>
        %dma_start3A_236 = arith.constant 0 : i32
        %dma_start3A_237 = arith.constant 0 : i32
        %dma_start3A_238 = tpu.memref_slice %arg2[%dma_start3A_236, %dma_start3A_237] : memref<10000x128xf32, #tpu.memory_space<hbm>> -> memref<10000x128xf32, #tpu.memory_space<hbm>>
        tpu.enqueue_indirect_dma source(%dma_start3A_238 : memref<10000x128xf32, #tpu.memory_space<hbm>>) target(%arg9 : memref<125x128xf32, #tpu.memory_space<vmem>>) offsets(%dma_start3A_235 : memref<125xi32, #tpu.memory_space<vmem>>) semaphore(%arg12 : memref<!tpu.dma_semaphore, #tpu.memory_space<semaphore_mem>>)
        %dma_start3A_239 = arith.constant 5 : i32
        %dma_start3A_240 = arith.constant 0 : i32
        %dma_start3A_241 = tpu.memref_slice %arg8[%dma_start3A_239, %dma_start3A_240] : memref<8x125xi32, #tpu.memory_space<vmem>> -> memref<1x125xi32, #tpu.memory_space<vmem>>
        %dma_start3A_242 = tpu.memref_squeeze %dma_start3A_241 : memref<1x125xi32, #tpu.memory_space<vmem>> -> memref<125xi32, #tpu.memory_space<vmem>>
        %dma_start3A_243 = arith.constant 0 : i32
        %dma_start3A_244 = arith.constant 0 : i32
        %dma_start3A_245 = tpu.memref_slice %arg11[%dma_start3A_243, %dma_start3A_244] : memref<10112x128xf32, #tpu.memory_space<vmem_shared>> -> memref<10112x128xf32, #tpu.memory_space<vmem_shared>>
        tpu.enqueue_indirect_dma source(%arg10 : memref<125x128xf32, #tpu.memory_space<vmem>>) target(%dma_start3A_245 : memref<10112x128xf32, #tpu.memory_space<vmem_shared>>) offsets(%dma_start3A_242 : memref<125xi32, #tpu.memory_space<vmem>>) semaphore(%arg15 : memref<!tpu.dma_semaphore, #tpu.memory_space<semaphore_mem>>) {add = true}
        %mul3A_246 = arith.constant 8 : i32
        %mul3A_247 = arith.muli %scan3A_49, %mul3A_246 : i32
        %add3A_248 = arith.constant 6 : i32
        %add3A_249 = arith.addi %mul3A_247, %add3A_248 : i32
        %dma_wait3A_250 = arith.constant 0 : i32
        %dma_wait3A_251 = arith.constant 0 : i32
        %dma_wait3A_252 = tpu.memref_slice %arg5[%dma_wait3A_250, %dma_wait3A_251] : memref<8x125xi32, #tpu.memory_space<vmem>> -> memref<1x125xi32, #tpu.memory_space<vmem>>
        %dma_wait3A_253 = tpu.memref_squeeze %dma_wait3A_252 : memref<1x125xi32, #tpu.memory_space<vmem>> -> memref<125xi32, #tpu.memory_space<vmem>>
        %dma_wait3A_254 = arith.constant 0 : i32
        %dma_wait3A_255 = arith.constant 0 : i32
        %dma_wait3A_256 = tpu.memref_slice %arg2[%dma_wait3A_254, %dma_wait3A_255] : memref<10000x128xf32, #tpu.memory_space<hbm>> -> memref<10000x128xf32, #tpu.memory_space<hbm>>
        tpu.wait_indirect_dma semaphore(%arg12 : memref<!tpu.dma_semaphore, #tpu.memory_space<semaphore_mem>>) src(%dma_wait3A_256 : memref<10000x128xf32, #tpu.memory_space<hbm>>) dst(%arg9 : memref<125x128xf32, #tpu.memory_space<vmem>>)
        %ge3A_257 = arith.constant 1 : i32
        %ge3A_258 = arith.cmpi sge, %add3A_249, %ge3A_257 : i32
        %convert_element_type3A_259 = arith.extui %ge3A_258 : i1 to i32
        %cond3A_260 = arith.constant 0 : i32
        %cond3A_261 = arith.cmpi ne, %convert_element_type3A_259, %cond3A_260 : i32
        scf.if %cond3A_261 {
          %dma_wait3A_306 = arith.constant 0 : i32
          %dma_wait3A_307 = arith.constant 0 : i32
          %dma_wait3A_308 = tpu.memref_slice %arg7[%dma_wait3A_306, %dma_wait3A_307] : memref<8x125xi32, #tpu.memory_space<vmem>> -> memref<1x125xi32, #tpu.memory_space<vmem>>
          %dma_wait3A_309 = tpu.memref_squeeze %dma_wait3A_308 : memref<1x125xi32, #tpu.memory_space<vmem>> -> memref<125xi32, #tpu.memory_space<vmem>>
          %dma_wait3A_310 = arith.constant 0 : i32
          %dma_wait3A_311 = arith.constant 0 : i32
          %dma_wait3A_312 = tpu.memref_slice %arg11[%dma_wait3A_310, %dma_wait3A_311] : memref<10112x128xf32, #tpu.memory_space<vmem_shared>> -> memref<10112x128xf32, #tpu.memory_space<vmem_shared>>
          tpu.wait_indirect_dma semaphore(%arg15 : memref<!tpu.dma_semaphore, #tpu.memory_space<semaphore_mem>>) src(%arg10 : memref<125x128xf32, #tpu.memory_space<vmem>>) dst(%dma_wait3A_312 : memref<10112x128xf32, #tpu.memory_space<vmem_shared>>)
        } else {
        }
        %dma_start3A_262 = arith.constant 7 : i32
        %dma_start3A_263 = arith.constant 0 : i32
        %dma_start3A_264 = tpu.memref_slice %arg6[%dma_start3A_262, %dma_start3A_263] : memref<8x125xi32, #tpu.memory_space<vmem>> -> memref<1x125xi32, #tpu.memory_space<vmem>>
        %dma_start3A_265 = tpu.memref_squeeze %dma_start3A_264 : memref<1x125xi32, #tpu.memory_space<vmem>> -> memref<125xi32, #tpu.memory_space<vmem>>
        %dma_start3A_266 = arith.constant 0 : i32
        %dma_start3A_267 = arith.constant 0 : i32
        %dma_start3A_268 = tpu.memref_slice %arg2[%dma_start3A_266, %dma_start3A_267] : memref<10000x128xf32, #tpu.memory_space<hbm>> -> memref<10000x128xf32, #tpu.memory_space<hbm>>
        tpu.enqueue_indirect_dma source(%dma_start3A_268 : memref<10000x128xf32, #tpu.memory_space<hbm>>) target(%arg10 : memref<125x128xf32, #tpu.memory_space<vmem>>) offsets(%dma_start3A_265 : memref<125xi32, #tpu.memory_space<vmem>>) semaphore(%arg13 : memref<!tpu.dma_semaphore, #tpu.memory_space<semaphore_mem>>)
        %dma_start3A_269 = arith.constant 6 : i32
        %dma_start3A_270 = arith.constant 0 : i32
        %dma_start3A_271 = tpu.memref_slice %arg8[%dma_start3A_269, %dma_start3A_270] : memref<8x125xi32, #tpu.memory_space<vmem>> -> memref<1x125xi32, #tpu.memory_space<vmem>>
        %dma_start3A_272 = tpu.memref_squeeze %dma_start3A_271 : memref<1x125xi32, #tpu.memory_space<vmem>> -> memref<125xi32, #tpu.memory_space<vmem>>
        %dma_start3A_273 = arith.constant 0 : i32
        %dma_start3A_274 = arith.constant 0 : i32
        %dma_start3A_275 = tpu.memref_slice %arg11[%dma_start3A_273, %dma_start3A_274] : memref<10112x128xf32, #tpu.memory_space<vmem_shared>> -> memref<10112x128xf32, #tpu.memory_space<vmem_shared>>
        tpu.enqueue_indirect_dma source(%arg9 : memref<125x128xf32, #tpu.memory_space<vmem>>) target(%dma_start3A_275 : memref<10112x128xf32, #tpu.memory_space<vmem_shared>>) offsets(%dma_start3A_272 : memref<125xi32, #tpu.memory_space<vmem>>) semaphore(%arg14 : memref<!tpu.dma_semaphore, #tpu.memory_space<semaphore_mem>>) {add = true}
        %mul3A_276 = arith.constant 8 : i32
        %mul3A_277 = arith.muli %scan3A_49, %mul3A_276 : i32
        %add3A_278 = arith.constant 7 : i32
        %add3A_279 = arith.addi %mul3A_277, %add3A_278 : i32
        %dma_wait3A_280 = arith.constant 0 : i32
        %dma_wait3A_281 = arith.constant 0 : i32
        %dma_wait3A_282 = tpu.memref_slice %arg5[%dma_wait3A_280, %dma_wait3A_281] : memref<8x125xi32, #tpu.memory_space<vmem>> -> memref<1x125xi32, #tpu.memory_space<vmem>>
        %dma_wait3A_283 = tpu.memref_squeeze %dma_wait3A_282 : memref<1x125xi32, #tpu.memory_space<vmem>> -> memref<125xi32, #tpu.memory_space<vmem>>
        %dma_wait3A_284 = arith.constant 0 : i32
        %dma_wait3A_285 = arith.constant 0 : i32
        %dma_wait3A_286 = tpu.memref_slice %arg2[%dma_wait3A_284, %dma_wait3A_285] : memref<10000x128xf32, #tpu.memory_space<hbm>> -> memref<10000x128xf32, #tpu.memory_space<hbm>>
        tpu.wait_indirect_dma semaphore(%arg13 : memref<!tpu.dma_semaphore, #tpu.memory_space<semaphore_mem>>) src(%dma_wait3A_286 : memref<10000x128xf32, #tpu.memory_space<hbm>>) dst(%arg10 : memref<125x128xf32, #tpu.memory_space<vmem>>)
        %ge3A_287 = arith.constant 1 : i32
        %ge3A_288 = arith.cmpi sge, %add3A_279, %ge3A_287 : i32
        %convert_element_type3A_289 = arith.extui %ge3A_288 : i1 to i32
        %cond3A_290 = arith.constant 0 : i32
        %cond3A_291 = arith.cmpi ne, %convert_element_type3A_289, %cond3A_290 : i32
        scf.if %cond3A_291 {
          %dma_wait3A_306 = arith.constant 0 : i32
          %dma_wait3A_307 = arith.constant 0 : i32
          %dma_wait3A_308 = tpu.memref_slice %arg7[%dma_wait3A_306, %dma_wait3A_307] : memref<8x125xi32, #tpu.memory_space<vmem>> -> memref<1x125xi32, #tpu.memory_space<vmem>>
          %dma_wait3A_309 = tpu.memref_squeeze %dma_wait3A_308 : memref<1x125xi32, #tpu.memory_space<vmem>> -> memref<125xi32, #tpu.memory_space<vmem>>
          %dma_wait3A_310 = arith.constant 0 : i32
          %dma_wait3A_311 = arith.constant 0 : i32
          %dma_wait3A_312 = tpu.memref_slice %arg11[%dma_wait3A_310, %dma_wait3A_311] : memref<10112x128xf32, #tpu.memory_space<vmem_shared>> -> memref<10112x128xf32, #tpu.memory_space<vmem_shared>>
          tpu.wait_indirect_dma semaphore(%arg14 : memref<!tpu.dma_semaphore, #tpu.memory_space<semaphore_mem>>) src(%arg9 : memref<125x128xf32, #tpu.memory_space<vmem>>) dst(%dma_wait3A_312 : memref<10112x128xf32, #tpu.memory_space<vmem_shared>>)
        } else {
        }
        %add3A_292 = arith.constant 1 : i32
        %add3A_293 = arith.addi %scan3A_49, %add3A_292 : i32
        %lt3A_294 = arith.constant 10 : i32
        %lt3A_295 = arith.cmpi slt, %add3A_293, %lt3A_294 : i32
        %convert_element_type3A_296 = arith.extui %lt3A_295 : i1 to i32
        %cond3A_297 = arith.constant 0 : i32
        %cond3A_298 = arith.cmpi ne, %convert_element_type3A_296, %cond3A_297 : i32
        scf.if %cond3A_298 {
          %dma_wait3A_306 = arith.constant 0 : i32
          %dma_wait3A_307 = arith.constant 0 : i32
          %dma_wait3A_308 = tpu.memref_slice %arg3[%dma_wait3A_306, %dma_wait3A_307] : memref<5120x125xi32, #tpu.memory_space<hbm>> -> memref<8x125xi32, #tpu.memory_space<hbm>>
          %dma_wait3A_309 = arith.constant 0 : i32
          %dma_wait3A_310 = arith.constant 0 : i32
          %dma_wait3A_311 = tpu.memref_slice %arg3[%dma_wait3A_309, %dma_wait3A_310] : memref<5120x125xi32, #tpu.memory_space<hbm>> -> memref<8x125xi32, #tpu.memory_space<hbm>>
          tpu.wait_dma2 semaphore(%arg16 : memref<!tpu.dma_semaphore, #tpu.memory_space<semaphore_mem>>) src(%dma_wait3A_311 : memref<8x125xi32, #tpu.memory_space<hbm>>) dst(%arg5 : memref<8x125xi32, #tpu.memory_space<vmem>>)
          %dma_wait3A_312 = arith.constant 0 : i32
          %dma_wait3A_313 = arith.constant 0 : i32
          %dma_wait3A_314 = tpu.memref_slice %arg3[%dma_wait3A_312, %dma_wait3A_313] : memref<5120x125xi32, #tpu.memory_space<hbm>> -> memref<8x125xi32, #tpu.memory_space<hbm>>
          %dma_wait3A_315 = arith.constant 0 : i32
          %dma_wait3A_316 = arith.constant 0 : i32
          %dma_wait3A_317 = tpu.memref_slice %arg3[%dma_wait3A_315, %dma_wait3A_316] : memref<5120x125xi32, #tpu.memory_space<hbm>> -> memref<8x125xi32, #tpu.memory_space<hbm>>
          tpu.wait_dma2 semaphore(%arg16 : memref<!tpu.dma_semaphore, #tpu.memory_space<semaphore_mem>>) src(%dma_wait3A_317 : memref<8x125xi32, #tpu.memory_space<hbm>>) dst(%arg7 : memref<8x125xi32, #tpu.memory_space<vmem>>)
          %dma_start3A_318 = arith.constant 0 : i32
          %dma_start3A_319 = arith.constant 0 : i32
          %dma_start3A_320 = tpu.memref_slice %arg5[%dma_start3A_318, %dma_start3A_319] : memref<8x125xi32, #tpu.memory_space<vmem>> -> memref<1x125xi32, #tpu.memory_space<vmem>>
          %dma_start3A_321 = tpu.memref_squeeze %dma_start3A_320 : memref<1x125xi32, #tpu.memory_space<vmem>> -> memref<125xi32, #tpu.memory_space<vmem>>
          %dma_start3A_322 = arith.constant 0 : i32
          %dma_start3A_323 = arith.constant 0 : i32
          %dma_start3A_324 = tpu.memref_slice %arg2[%dma_start3A_322, %dma_start3A_323] : memref<10000x128xf32, #tpu.memory_space<hbm>> -> memref<10000x128xf32, #tpu.memory_space<hbm>>
          tpu.enqueue_indirect_dma source(%dma_start3A_324 : memref<10000x128xf32, #tpu.memory_space<hbm>>) target(%arg9 : memref<125x128xf32, #tpu.memory_space<vmem>>) offsets(%dma_start3A_321 : memref<125xi32, #tpu.memory_space<vmem>>) semaphore(%arg12 : memref<!tpu.dma_semaphore, #tpu.memory_space<semaphore_mem>>)
        } else {
        }
        %dma_start3A_299 = arith.constant 7 : i32
        %dma_start3A_300 = arith.constant 0 : i32
        %dma_start3A_301 = tpu.memref_slice %arg8[%dma_start3A_299, %dma_start3A_300] : memref<8x125xi32, #tpu.memory_space<vmem>> -> memref<1x125xi32, #tpu.memory_space<vmem>>
        %dma_start3A_302 = tpu.memref_squeeze %dma_start3A_301 : memref<1x125xi32, #tpu.memory_space<vmem>> -> memref<125xi32, #tpu.memory_space<vmem>>
        %dma_start3A_303 = arith.constant 0 : i32
        %dma_start3A_304 = arith.constant 0 : i32
        %dma_start3A_305 = tpu.memref_slice %arg11[%dma_start3A_303, %dma_start3A_304] : memref<10112x128xf32, #tpu.memory_space<vmem_shared>> -> memref<10112x128xf32, #tpu.memory_space<vmem_shared>>
        tpu.enqueue_indirect_dma source(%arg10 : memref<125x128xf32, #tpu.memory_space<vmem>>) target(%dma_start3A_305 : memref<10112x128xf32, #tpu.memory_space<vmem_shared>>) offsets(%dma_start3A_302 : memref<125xi32, #tpu.memory_space<vmem>>) semaphore(%arg15 : memref<!tpu.dma_semaphore, #tpu.memory_space<semaphore_mem>>) {add = true}
      } else {
      }
    }
    %scan3A_35 = arith.constant 10 : i32
    %dma_wait3A = arith.constant 0 : i32
    %dma_wait3A_36 = arith.constant 0 : i32
    %dma_wait3A_37 = tpu.memref_slice %arg7[%dma_wait3A, %dma_wait3A_36] : memref<8x125xi32, #tpu.memory_space<vmem>> -> memref<1x125xi32, #tpu.memory_space<vmem>>
    %dma_wait3A_38 = tpu.memref_squeeze %dma_wait3A_37 : memref<1x125xi32, #tpu.memory_space<vmem>> -> memref<125xi32, #tpu.memory_space<vmem>>
    %dma_wait3A_39 = arith.constant 0 : i32
    %dma_wait3A_40 = arith.constant 0 : i32
    %dma_wait3A_41 = tpu.memref_slice %arg11[%dma_wait3A_39, %dma_wait3A_40] : memref<10112x128xf32, #tpu.memory_space<vmem_shared>> -> memref<10112x128xf32, #tpu.memory_space<vmem_shared>>
    tpu.wait_indirect_dma semaphore(%arg15 : memref<!tpu.dma_semaphore, #tpu.memory_space<semaphore_mem>>) src(%arg10 : memref<125x128xf32, #tpu.memory_space<vmem>>) dst(%dma_wait3A_41 : memref<10112x128xf32, #tpu.memory_space<vmem_shared>>)
    %barrier3A_42 = arith.constant 0 : index
    tpu.barrier barrier_id(%barrier3A_42)
    %lt3A = arith.constant 15 : i32
    %lt3A_43 = arith.cmpi slt, %arg1, %lt3A : i32
    %convert_element_type3A = arith.extui %lt3A_43 : i1 to i32
    %cond3A = arith.constant 0 : i32
    %cond3A_44 = arith.cmpi ne, %convert_element_type3A, %cond3A : i32
    scf.if %cond3A_44 {
      "tpu.region"() ({
        %run_scoped3A = tpu.sem_alloc : memref<!tpu.dma_semaphore, #tpu.memory_space<semaphore_mem>>
        %dma_start3A_49 = arith.constant 0 : i32
        %dma_start3A_50 = tpu.memref_slice %arg4[%arg0, %mul3A_9, %dma_start3A_49] : memref<2x10000x128xf32, #tpu.memory_space<hbm>> -> memref<1x632x128xf32, #tpu.memory_space<hbm>>
        %dma_start3A_51 = tpu.memref_squeeze %dma_start3A_50 : memref<1x632x128xf32, #tpu.memory_space<hbm>> -> memref<632x128xf32, #tpu.memory_space<hbm>>
        %dma_start3A_52 = arith.constant 0 : i32
        %dma_start3A_53 = tpu.memref_slice %arg11[%mul3A_9, %dma_start3A_52] : memref<10112x128xf32, #tpu.memory_space<vmem_shared>> -> memref<632x128xf32, #tpu.memory_space<vmem_shared>>
        tpu.enqueue_dma source(%dma_start3A_53 : memref<632x128xf32, #tpu.memory_space<vmem_shared>>) target(%dma_start3A_51 : memref<632x128xf32, #tpu.memory_space<hbm>>) target_semaphore(%run_scoped3A : memref<!tpu.dma_semaphore, #tpu.memory_space<semaphore_mem>>)
        %dma_wait3A_54 = arith.constant 0 : i32
        %dma_wait3A_55 = tpu.memref_slice %arg4[%arg0, %mul3A_9, %dma_wait3A_54] : memref<2x10000x128xf32, #tpu.memory_space<hbm>> -> memref<1x632x128xf32, #tpu.memory_space<hbm>>
        %dma_wait3A_56 = tpu.memref_squeeze %dma_wait3A_55 : memref<1x632x128xf32, #tpu.memory_space<hbm>> -> memref<632x128xf32, #tpu.memory_space<hbm>>
        %dma_wait3A_57 = arith.constant 0 : i32
        %dma_wait3A_58 = tpu.memref_slice %arg11[%mul3A_9, %dma_wait3A_57] : memref<10112x128xf32, #tpu.memory_space<vmem_shared>> -> memref<632x128xf32, #tpu.memory_space<vmem_shared>>
        tpu.wait_dma2 semaphore(%run_scoped3A : memref<!tpu.dma_semaphore, #tpu.memory_space<semaphore_mem>>) src(%dma_wait3A_58 : memref<632x128xf32, #tpu.memory_space<vmem_shared>>) dst(%dma_wait3A_56 : memref<632x128xf32, #tpu.memory_space<hbm>>)
        tpu.yield
      }) : () -> ()
    } else {
    }
    %eq3A = arith.constant 15 : i32
    %eq3A_45 = arith.cmpi eq, %arg1, %eq3A : i32
    %convert_element_type3A_46 = arith.extui %eq3A_45 : i1 to i32
    %cond3A_47 = arith.constant 0 : i32
    %cond3A_48 = arith.cmpi ne, %convert_element_type3A_46, %cond3A_47 : i32
    scf.if %cond3A_48 {
      "tpu.region"() ({
        %run_scoped3A = tpu.sem_alloc : memref<!tpu.dma_semaphore, #tpu.memory_space<semaphore_mem>>
        %dma_start3A_49 = arith.constant 0 : i32
        %dma_start3A_50 = tpu.memref_slice %arg4[%arg0, %mul3A_9, %dma_start3A_49] : memref<2x10000x128xf32, #tpu.memory_space<hbm>> -> memref<1x520x128xf32, #tpu.memory_space<hbm>>
        %dma_start3A_51 = tpu.memref_squeeze %dma_start3A_50 : memref<1x520x128xf32, #tpu.memory_space<hbm>> -> memref<520x128xf32, #tpu.memory_space<hbm>>
        %dma_start3A_52 = arith.constant 0 : i32
        %dma_start3A_53 = tpu.memref_slice %arg11[%mul3A_9, %dma_start3A_52] : memref<10112x128xf32, #tpu.memory_space<vmem_shared>> -> memref<520x128xf32, #tpu.memory_space<vmem_shared>>
        tpu.enqueue_dma source(%dma_start3A_53 : memref<520x128xf32, #tpu.memory_space<vmem_shared>>) target(%dma_start3A_51 : memref<520x128xf32, #tpu.memory_space<hbm>>) target_semaphore(%run_scoped3A : memref<!tpu.dma_semaphore, #tpu.memory_space<semaphore_mem>>)
        %dma_wait3A_54 = arith.constant 0 : i32
        %dma_wait3A_55 = tpu.memref_slice %arg4[%arg0, %mul3A_9, %dma_wait3A_54] : memref<2x10000x128xf32, #tpu.memory_space<hbm>> -> memref<1x520x128xf32, #tpu.memory_space<hbm>>
        %dma_wait3A_56 = tpu.memref_squeeze %dma_wait3A_55 : memref<1x520x128xf32, #tpu.memory_space<hbm>> -> memref<520x128xf32, #tpu.memory_space<hbm>>
        %dma_wait3A_57 = arith.constant 0 : i32
        %dma_wait3A_58 = tpu.memref_slice %arg11[%mul3A_9, %dma_wait3A_57] : memref<10112x128xf32, #tpu.memory_space<vmem_shared>> -> memref<520x128xf32, #tpu.memory_space<vmem_shared>>
        tpu.wait_dma2 semaphore(%run_scoped3A : memref<!tpu.dma_semaphore, #tpu.memory_space<semaphore_mem>>) src(%dma_wait3A_58 : memref<520x128xf32, #tpu.memory_space<vmem_shared>>) dst(%dma_wait3A_56 : memref<520x128xf32, #tpu.memory_space<hbm>>)
        tpu.yield
      }) : () -> ()
    } else {
    }
    return
  }
}

#map = affine_map<(d0, d1) -> (0, 0)>
#map1 = affine_map<(d0, d1) -> (0, 0, 0)>
module attributes {stable_mosaic.version = 14 : i64} {
  func.func @seg_sum(%arg0: i32, %arg1: i32, %arg2: memref<10000x128xf32, #tpu.memory_space<hbm>>, %arg3: memref<5120x125xi32, #tpu.memory_space<hbm>>, %arg4: memref<2x10000x128xf32, #tpu.memory_space<hbm>>, %arg5: memref<8x125xi32, #tpu.memory_space<vmem>>, %arg6: memref<8x125xi32, #tpu.memory_space<vmem>>, %arg7: memref<8x125xi32, #tpu.memory_space<vmem>>, %arg8: memref<8x125xi32, #tpu.memory_space<vmem>>, %arg9: memref<125x128xf32, #tpu.memory_space<vmem>>, %arg10: memref<125x128xf32, #tpu.memory_space<vmem>>, %arg11: memref<10112x128xf32, #tpu.memory_space<vmem_shared>>, %arg12: memref<!tpu.dma_semaphore, #tpu.memory_space<semaphore_mem>>, %arg13: memref<!tpu.dma_semaphore, #tpu.memory_space<semaphore_mem>>, %arg14: memref<!tpu.dma_semaphore, #tpu.memory_space<semaphore_mem>>, %arg15: memref<!tpu.dma_semaphore, #tpu.memory_space<semaphore_mem>>, %arg16: memref<!tpu.dma_semaphore, #tpu.memory_space<semaphore_mem>>) attributes {dimension_semantics = [#tpu.dimension_semantics<core_parallel>, #tpu.dimension_semantics<subcore_parallel>], iteration_bounds = array<i64: 2, 16>, scalar_prefetch = 0 : i64, scratch_operands = 12 : i64, tpu.core_type = #tpu.core_type<sc_vector_subcore>, window_params = [{transform_indices = #map}, {transform_indices = #map}, {transform_indices = #map1}]} {
    %mul3A = arith.constant 2 : i32
    %mul3A_0 = arith.muli %arg1, %mul3A : i32
    %add3A = arith.addi %mul3A_0, %arg0 : i32
    %mul3A_1 = arith.constant 80 : i32
    %mul3A_2 = arith.muli %add3A, %mul3A_1 : i32
    %scan3A = arith.constant 0 : i32
    %scan3A_3 = arith.constant 0 : i32
    %scan3A_4 = arith.constant 125 : i32
    %scan3A_5 = arith.addi %scan3A_3, %scan3A_4 : i32
    %scan3A_6 = arith.constant 1 : i32
    scf.for %scan3A_49 = %scan3A_3 to %scan3A_5 step %scan3A_6  : i32 {
      %broadcast_in_dim3A = arith.constant 0.000000e+00 : f32
      %broadcast_in_dim3A_50 = vector.broadcast %broadcast_in_dim3A : f32 to vector<16xf32>
      %swap3A = arith.index_cast %scan3A_49 : i32 to index
      %swap3A_51 = arith.constant 0 : index
      %swap3A_52 = tpu.vector_load %arg9[%swap3A, %swap3A_51] {strides = array<i32>} : memref<125x128xf32, #tpu.memory_space<vmem>>, vector<1x16xf32>,
      %swap3A_53 = vector.shape_cast %swap3A_52 : vector<1x16xf32> to vector<16xf32>
      %swap3A_54 = vector.shape_cast %broadcast_in_dim3A_50 : vector<16xf32> to vector<1x16xf32>
      tpu.vector_store %arg9[%swap3A, %swap3A_51], %swap3A_54 {strides = array<i32>} : memref<125x128xf32, #tpu.memory_space<vmem>>, vector<1x16xf32>,
      %broadcast_in_dim3A_55 = arith.constant 0.000000e+00 : f32
      %broadcast_in_dim3A_56 = vector.broadcast %broadcast_in_dim3A_55 : f32 to vector<16xf32>
      %swap3A_57 = arith.index_cast %scan3A_49 : i32 to index
      %swap3A_58 = arith.constant 16 : index
      %swap3A_59 = tpu.vector_load %arg9[%swap3A_57, %swap3A_58] {strides = array<i32>} : memref<125x128xf32, #tpu.memory_space<vmem>>, vector<1x16xf32>,
      %swap3A_60 = vector.shape_cast %swap3A_59 : vector<1x16xf32> to vector<16xf32>
      %swap3A_61 = vector.shape_cast %broadcast_in_dim3A_56 : vector<16xf32> to vector<1x16xf32>
      tpu.vector_store %arg9[%swap3A_57, %swap3A_58], %swap3A_61 {strides = array<i32>} : memref<125x128xf32, #tpu.memory_space<vmem>>, vector<1x16xf32>,
      %broadcast_in_dim3A_62 = arith.constant 0.000000e+00 : f32
      %broadcast_in_dim3A_63 = vector.broadcast %broadcast_in_dim3A_62 : f32 to vector<16xf32>
      %swap3A_64 = arith.index_cast %scan3A_49 : i32 to index
      %swap3A_65 = arith.constant 32 : index
      %swap3A_66 = tpu.vector_load %arg9[%swap3A_64, %swap3A_65] {strides = array<i32>} : memref<125x128xf32, #tpu.memory_space<vmem>>, vector<1x16xf32>,
      %swap3A_67 = vector.shape_cast %swap3A_66 : vector<1x16xf32> to vector<16xf32>
      %swap3A_68 = vector.shape_cast %broadcast_in_dim3A_63 : vector<16xf32> to vector<1x16xf32>
      tpu.vector_store %arg9[%swap3A_64, %swap3A_65], %swap3A_68 {strides = array<i32>} : memref<125x128xf32, #tpu.memory_space<vmem>>, vector<1x16xf32>,
      %broadcast_in_dim3A_69 = arith.constant 0.000000e+00 : f32
      %broadcast_in_dim3A_70 = vector.broadcast %broadcast_in_dim3A_69 : f32 to vector<16xf32>
      %swap3A_71 = arith.index_cast %scan3A_49 : i32 to index
      %swap3A_72 = arith.constant 48 : index
      %swap3A_73 = tpu.vector_load %arg9[%swap3A_71, %swap3A_72] {strides = array<i32>} : memref<125x128xf32, #tpu.memory_space<vmem>>, vector<1x16xf32>,
      %swap3A_74 = vector.shape_cast %swap3A_73 : vector<1x16xf32> to vector<16xf32>
      %swap3A_75 = vector.shape_cast %broadcast_in_dim3A_70 : vector<16xf32> to vector<1x16xf32>
      tpu.vector_store %arg9[%swap3A_71, %swap3A_72], %swap3A_75 {strides = array<i32>} : memref<125x128xf32, #tpu.memory_space<vmem>>, vector<1x16xf32>,
      %broadcast_in_dim3A_76 = arith.constant 0.000000e+00 : f32
      %broadcast_in_dim3A_77 = vector.broadcast %broadcast_in_dim3A_76 : f32 to vector<16xf32>
      %swap3A_78 = arith.index_cast %scan3A_49 : i32 to index
      %swap3A_79 = arith.constant 64 : index
      %swap3A_80 = tpu.vector_load %arg9[%swap3A_78, %swap3A_79] {strides = array<i32>} : memref<125x128xf32, #tpu.memory_space<vmem>>, vector<1x16xf32>,
      %swap3A_81 = vector.shape_cast %swap3A_80 : vector<1x16xf32> to vector<16xf32>
      %swap3A_82 = vector.shape_cast %broadcast_in_dim3A_77 : vector<16xf32> to vector<1x16xf32>
      tpu.vector_store %arg9[%swap3A_78, %swap3A_79], %swap3A_82 {strides = array<i32>} : memref<125x128xf32, #tpu.memory_space<vmem>>, vector<1x16xf32>,
      %broadcast_in_dim3A_83 = arith.constant 0.000000e+00 : f32
      %broadcast_in_dim3A_84 = vector.broadcast %broadcast_in_dim3A_83 : f32 to vector<16xf32>
      %swap3A_85 = arith.index_cast %scan3A_49 : i32 to index
      %swap3A_86 = arith.constant 80 : index
      %swap3A_87 = tpu.vector_load %arg9[%swap3A_85, %swap3A_86] {strides = array<i32>} : memref<125x128xf32, #tpu.memory_space<vmem>>, vector<1x16xf32>,
      %swap3A_88 = vector.shape_cast %swap3A_87 : vector<1x16xf32> to vector<16xf32>
      %swap3A_89 = vector.shape_cast %broadcast_in_dim3A_84 : vector<16xf32> to vector<1x16xf32>
      tpu.vector_store %arg9[%swap3A_85, %swap3A_86], %swap3A_89 {strides = array<i32>} : memref<125x128xf32, #tpu.memory_space<vmem>>, vector<1x16xf32>,
      %broadcast_in_dim3A_90 = arith.constant 0.000000e+00 : f32
      %broadcast_in_dim3A_91 = vector.broadcast %broadcast_in_dim3A_90 : f32 to vector<16xf32>
      %swap3A_92 = arith.index_cast %scan3A_49 : i32 to index
      %swap3A_93 = arith.constant 96 : index
      %swap3A_94 = tpu.vector_load %arg9[%swap3A_92, %swap3A_93] {strides = array<i32>} : memref<125x128xf32, #tpu.memory_space<vmem>>, vector<1x16xf32>,
      %swap3A_95 = vector.shape_cast %swap3A_94 : vector<1x16xf32> to vector<16xf32>
      %swap3A_96 = vector.shape_cast %broadcast_in_dim3A_91 : vector<16xf32> to vector<1x16xf32>
      tpu.vector_store %arg9[%swap3A_92, %swap3A_93], %swap3A_96 {strides = array<i32>} : memref<125x128xf32, #tpu.memory_space<vmem>>, vector<1x16xf32>,
      %broadcast_in_dim3A_97 = arith.constant 0.000000e+00 : f32
      %broadcast_in_dim3A_98 = vector.broadcast %broadcast_in_dim3A_97 : f32 to vector<16xf32>
      %swap3A_99 = arith.index_cast %scan3A_49 : i32 to index
      %swap3A_100 = arith.constant 112 : index
      %swap3A_101 = tpu.vector_load %arg9[%swap3A_99, %swap3A_100] {strides = array<i32>} : memref<125x128xf32, #tpu.memory_space<vmem>>, vector<1x16xf32>,
      %swap3A_102 = vector.shape_cast %swap3A_101 : vector<1x16xf32> to vector<16xf32>
      %swap3A_103 = vector.shape_cast %broadcast_in_dim3A_98 : vector<16xf32> to vector<1x16xf32>
      tpu.vector_store %arg9[%swap3A_99, %swap3A_100], %swap3A_103 {strides = array<i32>} : memref<125x128xf32, #tpu.memory_space<vmem>>, vector<1x16xf32>,
    }
    %scan3A_7 = arith.constant 125 : i32
    %mul3A_8 = arith.constant 632 : i32
    %mul3A_9 = arith.muli %arg1, %mul3A_8 : i32
    %add3A_10 = arith.constant 0 : i32
    %add3A_11 = arith.addi %mul3A_9, %add3A_10 : i32
    "tpu.region"() ({
      %run_scoped3A = tpu.sem_alloc : memref<!tpu.dma_semaphore, #tpu.memory_space<semaphore_mem>>
      %dma_start3A_49 = arith.constant 0 : i32
      %dma_start3A_50 = arith.constant 0 : i32
      %dma_start3A_51 = tpu.memref_slice %arg9[%dma_start3A_49, %dma_start3A_50] : memref<125x128xf32, #tpu.memory_space<vmem>> -> memref<120x128xf32, #tpu.memory_space<vmem>>
      %dma_start3A_52 = arith.constant 0 : i32
      %dma_start3A_53 = tpu.memref_slice %arg11[%add3A_11, %dma_start3A_52] : memref<10112x128xf32, #tpu.memory_space<vmem_shared>> -> memref<120x128xf32, #tpu.memory_space<vmem_shared>>
      %dma_start3A_54 = arith.constant 0 : i32
      %dma_start3A_55 = tpu.memref_slice %arg11[%add3A_11, %dma_start3A_54] : memref<10112x128xf32, #tpu.memory_space<vmem_shared>> -> memref<120x128xf32, #tpu.memory_space<vmem_shared>>
      %dma_start3A_56 = arith.constant 0 : i32
      %dma_start3A_57 = arith.constant 0 : i32
      %dma_start3A_58 = tpu.memref_slice %arg9[%dma_start3A_56, %dma_start3A_57] : memref<125x128xf32, #tpu.memory_space<vmem>> -> memref<120x128xf32, #tpu.memory_space<vmem>>
      tpu.enqueue_dma source(%dma_start3A_58 : memref<120x128xf32, #tpu.memory_space<vmem>>) target(%dma_start3A_55 : memref<120x128xf32, #tpu.memory_space<vmem_shared>>) target_semaphore(%run_scoped3A : memref<!tpu.dma_semaphore, #tpu.memory_space<semaphore_mem>>)
      %dma_wait3A_59 = arith.constant 0 : i32
      %dma_wait3A_60 = arith.constant 0 : i32
      %dma_wait3A_61 = tpu.memref_slice %arg9[%dma_wait3A_59, %dma_wait3A_60] : memref<125x128xf32, #tpu.memory_space<vmem>> -> memref<120x128xf32, #tpu.memory_space<vmem>>
      %dma_wait3A_62 = arith.constant 0 : i32
      %dma_wait3A_63 = tpu.memref_slice %arg11[%add3A_11, %dma_wait3A_62] : memref<10112x128xf32, #tpu.memory_space<vmem_shared>> -> memref<120x128xf32, #tpu.memory_space<vmem_shared>>
      %dma_wait3A_64 = arith.constant 0 : i32
      %dma_wait3A_65 = tpu.memref_slice %arg11[%add3A_11, %dma_wait3A_64] : memref<10112x128xf32, #tpu.memory_space<vmem_shared>> -> memref<120x128xf32, #tpu.memory_space<vmem_shared>>
      %dma_wait3A_66 = arith.constant 0 : i32
      %dma_wait3A_67 = arith.constant 0 : i32
      %dma_wait3A_68 = tpu.memref_slice %arg9[%dma_wait3A_66, %dma_wait3A_67] : memref<125x128xf32, #tpu.memory_space<vmem>> -> memref<120x128xf32, #tpu.memory_space<vmem>>
      tpu.wait_dma2 semaphore(%run_scoped3A : memref<!tpu.dma_semaphore, #tpu.memory_space<semaphore_mem>>) src(%dma_wait3A_68 : memref<120x128xf32, #tpu.memory_space<vmem>>) dst(%dma_wait3A_65 : memref<120x128xf32, #tpu.memory_space<vmem_shared>>)
      tpu.yield
    }) : () -> ()
    %add3A_12 = arith.constant 120 : i32
    %add3A_13 = arith.addi %mul3A_9, %add3A_12 : i32
    "tpu.region"() ({
      %run_scoped3A = tpu.sem_alloc : memref<!tpu.dma_semaphore, #tpu.memory_space<semaphore_mem>>
      %dma_start3A_49 = arith.constant 0 : i32
      %dma_start3A_50 = arith.constant 0 : i32
      %dma_start3A_51 = tpu.memref_slice %arg9[%dma_start3A_49, %dma_start3A_50] : memref<125x128xf32, #tpu.memory_space<vmem>> -> memref<120x128xf32, #tpu.memory_space<vmem>>
      %dma_start3A_52 = arith.constant 0 : i32
      %dma_start3A_53 = tpu.memref_slice %arg11[%add3A_13, %dma_start3A_52] : memref<10112x128xf32, #tpu.memory_space<vmem_shared>> -> memref<120x128xf32, #tpu.memory_space<vmem_shared>>
      %dma_start3A_54 = arith.constant 0 : i32
      %dma_start3A_55 = tpu.memref_slice %arg11[%add3A_13, %dma_start3A_54] : memref<10112x128xf32, #tpu.memory_space<vmem_shared>> -> memref<120x128xf32, #tpu.memory_space<vmem_shared>>
      %dma_start3A_56 = arith.constant 0 : i32
      %dma_start3A_57 = arith.constant 0 : i32
      %dma_start3A_58 = tpu.memref_slice %arg9[%dma_start3A_56, %dma_start3A_57] : memref<125x128xf32, #tpu.memory_space<vmem>> -> memref<120x128xf32, #tpu.memory_space<vmem>>
      tpu.enqueue_dma source(%dma_start3A_58 : memref<120x128xf32, #tpu.memory_space<vmem>>) target(%dma_start3A_55 : memref<120x128xf32, #tpu.memory_space<vmem_shared>>) target_semaphore(%run_scoped3A : memref<!tpu.dma_semaphore, #tpu.memory_space<semaphore_mem>>)
      %dma_wait3A_59 = arith.constant 0 : i32
      %dma_wait3A_60 = arith.constant 0 : i32
      %dma_wait3A_61 = tpu.memref_slice %arg9[%dma_wait3A_59, %dma_wait3A_60] : memref<125x128xf32, #tpu.memory_space<vmem>> -> memref<120x128xf32, #tpu.memory_space<vmem>>
      %dma_wait3A_62 = arith.constant 0 : i32
      %dma_wait3A_63 = tpu.memref_slice %arg11[%add3A_13, %dma_wait3A_62] : memref<10112x128xf32, #tpu.memory_space<vmem_shared>> -> memref<120x128xf32, #tpu.memory_space<vmem_shared>>
      %dma_wait3A_64 = arith.constant 0 : i32
      %dma_wait3A_65 = tpu.memref_slice %arg11[%add3A_13, %dma_wait3A_64] : memref<10112x128xf32, #tpu.memory_space<vmem_shared>> -> memref<120x128xf32, #tpu.memory_space<vmem_shared>>
      %dma_wait3A_66 = arith.constant 0 : i32
      %dma_wait3A_67 = arith.constant 0 : i32
      %dma_wait3A_68 = tpu.memref_slice %arg9[%dma_wait3A_66, %dma_wait3A_67] : memref<125x128xf32, #tpu.memory_space<vmem>> -> memref<120x128xf32, #tpu.memory_space<vmem>>
      tpu.wait_dma2 semaphore(%run_scoped3A : memref<!tpu.dma_semaphore, #tpu.memory_space<semaphore_mem>>) src(%dma_wait3A_68 : memref<120x128xf32, #tpu.memory_space<vmem>>) dst(%dma_wait3A_65 : memref<120x128xf32, #tpu.memory_space<vmem_shared>>)
      tpu.yield
    }) : () -> ()
    %add3A_14 = arith.constant 240 : i32
    %add3A_15 = arith.addi %mul3A_9, %add3A_14 : i32
    "tpu.region"() ({
      %run_scoped3A = tpu.sem_alloc : memref<!tpu.dma_semaphore, #tpu.memory_space<semaphore_mem>>
      %dma_start3A_49 = arith.constant 0 : i32
      %dma_start3A_50 = arith.constant 0 : i32
      %dma_start3A_51 = tpu.memref_slice %arg9[%dma_start3A_49, %dma_start3A_50] : memref<125x128xf32, #tpu.memory_space<vmem>> -> memref<120x128xf32, #tpu.memory_space<vmem>>
      %dma_start3A_52 = arith.constant 0 : i32
      %dma_start3A_53 = tpu.memref_slice %arg11[%add3A_15, %dma_start3A_52] : memref<10112x128xf32, #tpu.memory_space<vmem_shared>> -> memref<120x128xf32, #tpu.memory_space<vmem_shared>>
      %dma_start3A_54 = arith.constant 0 : i32
      %dma_start3A_55 = tpu.memref_slice %arg11[%add3A_15, %dma_start3A_54] : memref<10112x128xf32, #tpu.memory_space<vmem_shared>> -> memref<120x128xf32, #tpu.memory_space<vmem_shared>>
      %dma_start3A_56 = arith.constant 0 : i32
      %dma_start3A_57 = arith.constant 0 : i32
      %dma_start3A_58 = tpu.memref_slice %arg9[%dma_start3A_56, %dma_start3A_57] : memref<125x128xf32, #tpu.memory_space<vmem>> -> memref<120x128xf32, #tpu.memory_space<vmem>>
      tpu.enqueue_dma source(%dma_start3A_58 : memref<120x128xf32, #tpu.memory_space<vmem>>) target(%dma_start3A_55 : memref<120x128xf32, #tpu.memory_space<vmem_shared>>) target_semaphore(%run_scoped3A : memref<!tpu.dma_semaphore, #tpu.memory_space<semaphore_mem>>)
      %dma_wait3A_59 = arith.constant 0 : i32
      %dma_wait3A_60 = arith.constant 0 : i32
      %dma_wait3A_61 = tpu.memref_slice %arg9[%dma_wait3A_59, %dma_wait3A_60] : memref<125x128xf32, #tpu.memory_space<vmem>> -> memref<120x128xf32, #tpu.memory_space<vmem>>
      %dma_wait3A_62 = arith.constant 0 : i32
      %dma_wait3A_63 = tpu.memref_slice %arg11[%add3A_15, %dma_wait3A_62] : memref<10112x128xf32, #tpu.memory_space<vmem_shared>> -> memref<120x128xf32, #tpu.memory_space<vmem_shared>>
      %dma_wait3A_64 = arith.constant 0 : i32
      %dma_wait3A_65 = tpu.memref_slice %arg11[%add3A_15, %dma_wait3A_64] : memref<10112x128xf32, #tpu.memory_space<vmem_shared>> -> memref<120x128xf32, #tpu.memory_space<vmem_shared>>
      %dma_wait3A_66 = arith.constant 0 : i32
      %dma_wait3A_67 = arith.constant 0 : i32
      %dma_wait3A_68 = tpu.memref_slice %arg9[%dma_wait3A_66, %dma_wait3A_67] : memref<125x128xf32, #tpu.memory_space<vmem>> -> memref<120x128xf32, #tpu.memory_space<vmem>>
      tpu.wait_dma2 semaphore(%run_scoped3A : memref<!tpu.dma_semaphore, #tpu.memory_space<semaphore_mem>>) src(%dma_wait3A_68 : memref<120x128xf32, #tpu.memory_space<vmem>>) dst(%dma_wait3A_65 : memref<120x128xf32, #tpu.memory_space<vmem_shared>>)
      tpu.yield
    }) : () -> ()
    %add3A_16 = arith.constant 360 : i32
    %add3A_17 = arith.addi %mul3A_9, %add3A_16 : i32
    "tpu.region"() ({
      %run_scoped3A = tpu.sem_alloc : memref<!tpu.dma_semaphore, #tpu.memory_space<semaphore_mem>>
      %dma_start3A_49 = arith.constant 0 : i32
      %dma_start3A_50 = arith.constant 0 : i32
      %dma_start3A_51 = tpu.memref_slice %arg9[%dma_start3A_49, %dma_start3A_50] : memref<125x128xf32, #tpu.memory_space<vmem>> -> memref<120x128xf32, #tpu.memory_space<vmem>>
      %dma_start3A_52 = arith.constant 0 : i32
      %dma_start3A_53 = tpu.memref_slice %arg11[%add3A_17, %dma_start3A_52] : memref<10112x128xf32, #tpu.memory_space<vmem_shared>> -> memref<120x128xf32, #tpu.memory_space<vmem_shared>>
      %dma_start3A_54 = arith.constant 0 : i32
      %dma_start3A_55 = tpu.memref_slice %arg11[%add3A_17, %dma_start3A_54] : memref<10112x128xf32, #tpu.memory_space<vmem_shared>> -> memref<120x128xf32, #tpu.memory_space<vmem_shared>>
      %dma_start3A_56 = arith.constant 0 : i32
      %dma_start3A_57 = arith.constant 0 : i32
      %dma_start3A_58 = tpu.memref_slice %arg9[%dma_start3A_56, %dma_start3A_57] : memref<125x128xf32, #tpu.memory_space<vmem>> -> memref<120x128xf32, #tpu.memory_space<vmem>>
      tpu.enqueue_dma source(%dma_start3A_58 : memref<120x128xf32, #tpu.memory_space<vmem>>) target(%dma_start3A_55 : memref<120x128xf32, #tpu.memory_space<vmem_shared>>) target_semaphore(%run_scoped3A : memref<!tpu.dma_semaphore, #tpu.memory_space<semaphore_mem>>)
      %dma_wait3A_59 = arith.constant 0 : i32
      %dma_wait3A_60 = arith.constant 0 : i32
      %dma_wait3A_61 = tpu.memref_slice %arg9[%dma_wait3A_59, %dma_wait3A_60] : memref<125x128xf32, #tpu.memory_space<vmem>> -> memref<120x128xf32, #tpu.memory_space<vmem>>
      %dma_wait3A_62 = arith.constant 0 : i32
      %dma_wait3A_63 = tpu.memref_slice %arg11[%add3A_17, %dma_wait3A_62] : memref<10112x128xf32, #tpu.memory_space<vmem_shared>> -> memref<120x128xf32, #tpu.memory_space<vmem_shared>>
      %dma_wait3A_64 = arith.constant 0 : i32
      %dma_wait3A_65 = tpu.memref_slice %arg11[%add3A_17, %dma_wait3A_64] : memref<10112x128xf32, #tpu.memory_space<vmem_shared>> -> memref<120x128xf32, #tpu.memory_space<vmem_shared>>
      %dma_wait3A_66 = arith.constant 0 : i32
      %dma_wait3A_67 = arith.constant 0 : i32
      %dma_wait3A_68 = tpu.memref_slice %arg9[%dma_wait3A_66, %dma_wait3A_67] : memref<125x128xf32, #tpu.memory_space<vmem>> -> memref<120x128xf32, #tpu.memory_space<vmem>>
      tpu.wait_dma2 semaphore(%run_scoped3A : memref<!tpu.dma_semaphore, #tpu.memory_space<semaphore_mem>>) src(%dma_wait3A_68 : memref<120x128xf32, #tpu.memory_space<vmem>>) dst(%dma_wait3A_65 : memref<120x128xf32, #tpu.memory_space<vmem_shared>>)
      tpu.yield
    }) : () -> ()
    %add3A_18 = arith.constant 480 : i32
    %add3A_19 = arith.addi %mul3A_9, %add3A_18 : i32
    "tpu.region"() ({
      %run_scoped3A = tpu.sem_alloc : memref<!tpu.dma_semaphore, #tpu.memory_space<semaphore_mem>>
      %dma_start3A_49 = arith.constant 0 : i32
      %dma_start3A_50 = arith.constant 0 : i32
      %dma_start3A_51 = tpu.memref_slice %arg9[%dma_start3A_49, %dma_start3A_50] : memref<125x128xf32, #tpu.memory_space<vmem>> -> memref<120x128xf32, #tpu.memory_space<vmem>>
      %dma_start3A_52 = arith.constant 0 : i32
      %dma_start3A_53 = tpu.memref_slice %arg11[%add3A_19, %dma_start3A_52] : memref<10112x128xf32, #tpu.memory_space<vmem_shared>> -> memref<120x128xf32, #tpu.memory_space<vmem_shared>>
      %dma_start3A_54 = arith.constant 0 : i32
      %dma_start3A_55 = tpu.memref_slice %arg11[%add3A_19, %dma_start3A_54] : memref<10112x128xf32, #tpu.memory_space<vmem_shared>> -> memref<120x128xf32, #tpu.memory_space<vmem_shared>>
      %dma_start3A_56 = arith.constant 0 : i32
      %dma_start3A_57 = arith.constant 0 : i32
      %dma_start3A_58 = tpu.memref_slice %arg9[%dma_start3A_56, %dma_start3A_57] : memref<125x128xf32, #tpu.memory_space<vmem>> -> memref<120x128xf32, #tpu.memory_space<vmem>>
      tpu.enqueue_dma source(%dma_start3A_58 : memref<120x128xf32, #tpu.memory_space<vmem>>) target(%dma_start3A_55 : memref<120x128xf32, #tpu.memory_space<vmem_shared>>) target_semaphore(%run_scoped3A : memref<!tpu.dma_semaphore, #tpu.memory_space<semaphore_mem>>)
      %dma_wait3A_59 = arith.constant 0 : i32
      %dma_wait3A_60 = arith.constant 0 : i32
      %dma_wait3A_61 = tpu.memref_slice %arg9[%dma_wait3A_59, %dma_wait3A_60] : memref<125x128xf32, #tpu.memory_space<vmem>> -> memref<120x128xf32, #tpu.memory_space<vmem>>
      %dma_wait3A_62 = arith.constant 0 : i32
      %dma_wait3A_63 = tpu.memref_slice %arg11[%add3A_19, %dma_wait3A_62] : memref<10112x128xf32, #tpu.memory_space<vmem_shared>> -> memref<120x128xf32, #tpu.memory_space<vmem_shared>>
      %dma_wait3A_64 = arith.constant 0 : i32
      %dma_wait3A_65 = tpu.memref_slice %arg11[%add3A_19, %dma_wait3A_64] : memref<10112x128xf32, #tpu.memory_space<vmem_shared>> -> memref<120x128xf32, #tpu.memory_space<vmem_shared>>
      %dma_wait3A_66 = arith.constant 0 : i32
      %dma_wait3A_67 = arith.constant 0 : i32
      %dma_wait3A_68 = tpu.memref_slice %arg9[%dma_wait3A_66, %dma_wait3A_67] : memref<125x128xf32, #tpu.memory_space<vmem>> -> memref<120x128xf32, #tpu.memory_space<vmem>>
      tpu.wait_dma2 semaphore(%run_scoped3A : memref<!tpu.dma_semaphore, #tpu.memory_space<semaphore_mem>>) src(%dma_wait3A_68 : memref<120x128xf32, #tpu.memory_space<vmem>>) dst(%dma_wait3A_65 : memref<120x128xf32, #tpu.memory_space<vmem_shared>>)
      tpu.yield
    }) : () -> ()
    %add3A_20 = arith.constant 600 : i32
    %add3A_21 = arith.addi %mul3A_9, %add3A_20 : i32
    "tpu.region"() ({
      %run_scoped3A = tpu.sem_alloc : memref<!tpu.dma_semaphore, #tpu.memory_space<semaphore_mem>>
      %dma_start3A_49 = arith.constant 0 : i32
      %dma_start3A_50 = arith.constant 0 : i32
      %dma_start3A_51 = tpu.memref_slice %arg9[%dma_start3A_49, %dma_start3A_50] : memref<125x128xf32, #tpu.memory_space<vmem>> -> memref<32x128xf32, #tpu.memory_space<vmem>>
      %dma_start3A_52 = arith.constant 0 : i32
      %dma_start3A_53 = tpu.memref_slice %arg11[%add3A_21, %dma_start3A_52] : memref<10112x128xf32, #tpu.memory_space<vmem_shared>> -> memref<32x128xf32, #tpu.memory_space<vmem_shared>>
      %dma_start3A_54 = arith.constant 0 : i32
      %dma_start3A_55 = tpu.memref_slice %arg11[%add3A_21, %dma_start3A_54] : memref<10112x128xf32, #tpu.memory_space<vmem_shared>> -> memref<32x128xf32, #tpu.memory_space<vmem_shared>>
      %dma_start3A_56 = arith.constant 0 : i32
      %dma_start3A_57 = arith.constant 0 : i32
      %dma_start3A_58 = tpu.memref_slice %arg9[%dma_start3A_56, %dma_start3A_57] : memref<125x128xf32, #tpu.memory_space<vmem>> -> memref<32x128xf32, #tpu.memory_space<vmem>>
      tpu.enqueue_dma source(%dma_start3A_58 : memref<32x128xf32, #tpu.memory_space<vmem>>) target(%dma_start3A_55 : memref<32x128xf32, #tpu.memory_space<vmem_shared>>) target_semaphore(%run_scoped3A : memref<!tpu.dma_semaphore, #tpu.memory_space<semaphore_mem>>)
      %dma_wait3A_59 = arith.constant 0 : i32
      %dma_wait3A_60 = arith.constant 0 : i32
      %dma_wait3A_61 = tpu.memref_slice %arg9[%dma_wait3A_59, %dma_wait3A_60] : memref<125x128xf32, #tpu.memory_space<vmem>> -> memref<32x128xf32, #tpu.memory_space<vmem>>
      %dma_wait3A_62 = arith.constant 0 : i32
      %dma_wait3A_63 = tpu.memref_slice %arg11[%add3A_21, %dma_wait3A_62] : memref<10112x128xf32, #tpu.memory_space<vmem_shared>> -> memref<32x128xf32, #tpu.memory_space<vmem_shared>>
      %dma_wait3A_64 = arith.constant 0 : i32
      %dma_wait3A_65 = tpu.memref_slice %arg11[%add3A_21, %dma_wait3A_64] : memref<10112x128xf32, #tpu.memory_space<vmem_shared>> -> memref<32x128xf32, #tpu.memory_space<vmem_shared>>
      %dma_wait3A_66 = arith.constant 0 : i32
      %dma_wait3A_67 = arith.constant 0 : i32
      %dma_wait3A_68 = tpu.memref_slice %arg9[%dma_wait3A_66, %dma_wait3A_67] : memref<125x128xf32, #tpu.memory_space<vmem>> -> memref<32x128xf32, #tpu.memory_space<vmem>>
      tpu.wait_dma2 semaphore(%run_scoped3A : memref<!tpu.dma_semaphore, #tpu.memory_space<semaphore_mem>>) src(%dma_wait3A_68 : memref<32x128xf32, #tpu.memory_space<vmem>>) dst(%dma_wait3A_65 : memref<32x128xf32, #tpu.memory_space<vmem_shared>>)
      tpu.yield
    }) : () -> ()
    %barrier3A = arith.constant 0 : index
    tpu.barrier barrier_id(%barrier3A)
    "tpu.region"() ({
      %run_scoped3A = tpu.sem_alloc : memref<!tpu.dma_semaphore, #tpu.memory_space<semaphore_mem>>
      %dma_start3A_49 = arith.constant 0 : i32
      %dma_start3A_50 = tpu.memref_slice %arg3[%mul3A_2, %dma_start3A_49] : memref<5120x125xi32, #tpu.memory_space<hbm>> -> memref<8x125xi32, #tpu.memory_space<hbm>>
      %dma_start3A_51 = arith.constant 0 : i32
      %dma_start3A_52 = tpu.memref_slice %arg3[%mul3A_2, %dma_start3A_51] : memref<5120x125xi32, #tpu.memory_space<hbm>> -> memref<8x125xi32, #tpu.memory_space<hbm>>
      tpu.enqueue_dma source(%dma_start3A_52 : memref<8x125xi32, #tpu.memory_space<hbm>>) target(%arg5 : memref<8x125xi32, #tpu.memory_space<vmem>>) target_semaphore(%run_scoped3A : memref<!tpu.dma_semaphore, #tpu.memory_space<semaphore_mem>>)
      %dma_wait3A_53 = arith.constant 0 : i32
      %dma_wait3A_54 = tpu.memref_slice %arg3[%mul3A_2, %dma_wait3A_53] : memref<5120x125xi32, #tpu.memory_space<hbm>> -> memref<8x125xi32, #tpu.memory_space<hbm>>
      %dma_wait3A_55 = arith.constant 0 : i32
      %dma_wait3A_56 = tpu.memref_slice %arg3[%mul3A_2, %dma_wait3A_55] : memref<5120x125xi32, #tpu.memory_space<hbm>> -> memref<8x125xi32, #tpu.memory_space<hbm>>
      tpu.wait_dma2 semaphore(%run_scoped3A : memref<!tpu.dma_semaphore, #tpu.memory_space<semaphore_mem>>) src(%dma_wait3A_56 : memref<8x125xi32, #tpu.memory_space<hbm>>) dst(%arg5 : memref<8x125xi32, #tpu.memory_space<vmem>>)
      tpu.yield
    }) : () -> ()
    %add3A_22 = arith.constant 2560 : i32
    %add3A_23 = arith.addi %add3A_22, %mul3A_2 : i32
    "tpu.region"() ({
      %run_scoped3A = tpu.sem_alloc : memref<!tpu.dma_semaphore, #tpu.memory_space<semaphore_mem>>
      %dma_start3A_49 = arith.constant 0 : i32
      %dma_start3A_50 = tpu.memref_slice %arg3[%add3A_23, %dma_start3A_49] : memref<5120x125xi32, #tpu.memory_space<hbm>> -> memref<8x125xi32, #tpu.memory_space<hbm>>
      %dma_start3A_51 = arith.constant 0 : i32
      %dma_start3A_52 = tpu.memref_slice %arg3[%add3A_23, %dma_start3A_51] : memref<5120x125xi32, #tpu.memory_space<hbm>> -> memref<8x125xi32, #tpu.memory_space<hbm>>
      tpu.enqueue_dma source(%dma_start3A_52 : memref<8x125xi32, #tpu.memory_space<hbm>>) target(%arg7 : memref<8x125xi32, #tpu.memory_space<vmem>>) target_semaphore(%run_scoped3A : memref<!tpu.dma_semaphore, #tpu.memory_space<semaphore_mem>>)
      %dma_wait3A_53 = arith.constant 0 : i32
      %dma_wait3A_54 = tpu.memref_slice %arg3[%add3A_23, %dma_wait3A_53] : memref<5120x125xi32, #tpu.memory_space<hbm>> -> memref<8x125xi32, #tpu.memory_space<hbm>>
      %dma_wait3A_55 = arith.constant 0 : i32
      %dma_wait3A_56 = tpu.memref_slice %arg3[%add3A_23, %dma_wait3A_55] : memref<5120x125xi32, #tpu.memory_space<hbm>> -> memref<8x125xi32, #tpu.memory_space<hbm>>
      tpu.wait_dma2 semaphore(%run_scoped3A : memref<!tpu.dma_semaphore, #tpu.memory_space<semaphore_mem>>) src(%dma_wait3A_56 : memref<8x125xi32, #tpu.memory_space<hbm>>) dst(%arg7 : memref<8x125xi32, #tpu.memory_space<vmem>>)
      tpu.yield
    }) : () -> ()
    %dma_start3A = arith.constant 0 : i32
    %dma_start3A_24 = arith.constant 0 : i32
    %dma_start3A_25 = tpu.memref_slice %arg5[%dma_start3A, %dma_start3A_24] : memref<8x125xi32, #tpu.memory_space<vmem>> -> memref<1x125xi32, #tpu.memory_space<vmem>>
    %dma_start3A_26 = tpu.memref_squeeze %dma_start3A_25 : memref<1x125xi32, #tpu.memory_space<vmem>> -> memref<125xi32, #tpu.memory_space<vmem>>
    %dma_start3A_27 = arith.constant 0 : i32
    %dma_start3A_28 = arith.constant 0 : i32
    %dma_start3A_29 = tpu.memref_slice %arg2[%dma_start3A_27, %dma_start3A_28] : memref<10000x128xf32, #tpu.memory_space<hbm>> -> memref<10000x128xf32, #tpu.memory_space<hbm>>
    tpu.enqueue_indirect_dma source(%dma_start3A_29 : memref<10000x128xf32, #tpu.memory_space<hbm>>) target(%arg9 : memref<125x128xf32, #tpu.memory_space<vmem>>) offsets(%dma_start3A_26 : memref<125xi32, #tpu.memory_space<vmem>>) semaphore(%arg12 : memref<!tpu.dma_semaphore, #tpu.memory_space<semaphore_mem>>)
    %scan3A_30 = arith.constant 0 : i32
    %scan3A_31 = arith.constant 0 : i32
    %scan3A_32 = arith.constant 10 : i32
    %scan3A_33 = arith.addi %scan3A_31, %scan3A_32 : i32
    %scan3A_34 = arith.constant 1 : i32
    scf.for %scan3A_49 = %scan3A_31 to %scan3A_33 step %scan3A_34  : i32 {
      %rem3A = arith.constant 2 : i32
      %rem3A_50 = arith.remsi %scan3A_49, %rem3A : i32
      %eq3A_51 = arith.constant 0 : i32
      %eq3A_52 = arith.cmpi eq, %rem3A_50, %eq3A_51 : i32
      %convert_element_type3A_53 = arith.extui %eq3A_52 : i1 to i32
      %cond3A_54 = arith.constant 0 : i32
      %cond3A_55 = arith.cmpi ne, %convert_element_type3A_53, %cond3A_54 : i32
      scf.if %cond3A_55 {
        %add3A_60 = arith.constant 1 : i32
        %add3A_61 = arith.addi %scan3A_49, %add3A_60 : i32
        %lt3A_62 = arith.constant 10 : i32
        %lt3A_63 = arith.cmpi slt, %add3A_61, %lt3A_62 : i32
        %convert_element_type3A_64 = arith.extui %lt3A_63 : i1 to i32
        %cond3A_65 = arith.constant 0 : i32
        %cond3A_66 = arith.cmpi ne, %convert_element_type3A_64, %cond3A_65 : i32
        scf.if %cond3A_66 {
          %add3A_306 = arith.constant 1 : i32
          %add3A_307 = arith.addi %scan3A_49, %add3A_306 : i32
          %mul3A_308 = arith.constant 8 : i32
          %mul3A_309 = arith.muli %add3A_307, %mul3A_308 : i32
          %add3A_310 = arith.addi %mul3A_2, %mul3A_309 : i32
          %dma_start3A_311 = arith.constant 0 : i32
          %dma_start3A_312 = tpu.memref_slice %arg3[%add3A_310, %dma_start3A_311] : memref<5120x125xi32, #tpu.memory_space<hbm>> -> memref<8x125xi32, #tpu.memory_space<hbm>>
          %dma_start3A_313 = arith.constant 0 : i32
          %dma_start3A_314 = tpu.memref_slice %arg3[%add3A_310, %dma_start3A_313] : memref<5120x125xi32, #tpu.memory_space<hbm>> -> memref<8x125xi32, #tpu.memory_space<hbm>>
          tpu.enqueue_dma source(%dma_start3A_314 : memref<8x125xi32, #tpu.memory_space<hbm>>) target(%arg6 : memref<8x125xi32, #tpu.memory_space<vmem>>) target_semaphore(%arg16 : memref<!tpu.dma_semaphore, #tpu.memory_space<semaphore_mem>>)
          %add3A_315 = arith.constant 2560 : i32
          %add3A_316 = arith.addi %add3A_315, %mul3A_2 : i32
          %mul3A_317 = arith.constant 8 : i32
          %mul3A_318 = arith.muli %add3A_307, %mul3A_317 : i32
          %add3A_319 = arith.addi %add3A_316, %mul3A_318 : i32
          %dma_start3A_320 = arith.constant 0 : i32
          %dma_start3A_321 = tpu.memref_slice %arg3[%add3A_319, %dma_start3A_320] : memref<5120x125xi32, #tpu.memory_space<hbm>> -> memref<8x125xi32, #tpu.memory_space<hbm>>
          %dma_start3A_322 = arith.constant 0 : i32
          %dma_start3A_323 = tpu.memref_slice %arg3[%add3A_319, %dma_start3A_322] : memref<5120x125xi32, #tpu.memory_space<hbm>> -> memref<8x125xi32, #tpu.memory_space<hbm>>
          tpu.enqueue_dma source(%dma_start3A_323 : memref<8x125xi32, #tpu.memory_space<hbm>>) target(%arg8 : memref<8x125xi32, #tpu.memory_space<vmem>>) target_semaphore(%arg16 : memref<!tpu.dma_semaphore, #tpu.memory_space<semaphore_mem>>)
        } else {
        }
        %mul3A_67 = arith.constant 8 : i32
        %mul3A_68 = arith.muli %scan3A_49, %mul3A_67 : i32
        %add3A_69 = arith.constant 0 : i32
        %add3A_70 = arith.addi %mul3A_68, %add3A_69 : i32
        %dma_wait3A_71 = arith.constant 0 : i32
        %dma_wait3A_72 = arith.constant 0 : i32
        %dma_wait3A_73 = tpu.memref_slice %arg5[%dma_wait3A_71, %dma_wait3A_72] : memref<8x125xi32, #tpu.memory_space<vmem>> -> memref<1x125xi32, #tpu.memory_space<vmem>>
        %dma_wait3A_74 = tpu.memref_squeeze %dma_wait3A_73 : memref<1x125xi32, #tpu.memory_space<vmem>> -> memref<125xi32, #tpu.memory_space<vmem>>
        %dma_wait3A_75 = arith.constant 0 : i32
        %dma_wait3A_76 = arith.constant 0 : i32
        %dma_wait3A_77 = tpu.memref_slice %arg2[%dma_wait3A_75, %dma_wait3A_76] : memref<10000x128xf32, #tpu.memory_space<hbm>> -> memref<10000x128xf32, #tpu.memory_space<hbm>>
        tpu.wait_indirect_dma semaphore(%arg12 : memref<!tpu.dma_semaphore, #tpu.memory_space<semaphore_mem>>) src(%dma_wait3A_77 : memref<10000x128xf32, #tpu.memory_space<hbm>>) dst(%arg9 : memref<125x128xf32, #tpu.memory_space<vmem>>)
        %ge3A = arith.constant 1 : i32
        %ge3A_78 = arith.cmpi sge, %add3A_70, %ge3A : i32
        %convert_element_type3A_79 = arith.extui %ge3A_78 : i1 to i32
        %cond3A_80 = arith.constant 0 : i32
        %cond3A_81 = arith.cmpi ne, %convert_element_type3A_79, %cond3A_80 : i32
        scf.if %cond3A_81 {
          %dma_wait3A_306 = arith.constant 0 : i32
          %dma_wait3A_307 = arith.constant 0 : i32
          %dma_wait3A_308 = tpu.memref_slice %arg7[%dma_wait3A_306, %dma_wait3A_307] : memref<8x125xi32, #tpu.memory_space<vmem>> -> memref<1x125xi32, #tpu.memory_space<vmem>>
          %dma_wait3A_309 = tpu.memref_squeeze %dma_wait3A_308 : memref<1x125xi32, #tpu.memory_space<vmem>> -> memref<125xi32, #tpu.memory_space<vmem>>
          %dma_wait3A_310 = arith.constant 0 : i32
          %dma_wait3A_311 = arith.constant 0 : i32
          %dma_wait3A_312 = tpu.memref_slice %arg11[%dma_wait3A_310, %dma_wait3A_311] : memref<10112x128xf32, #tpu.memory_space<vmem_shared>> -> memref<10112x128xf32, #tpu.memory_space<vmem_shared>>
          tpu.wait_indirect_dma semaphore(%arg15 : memref<!tpu.dma_semaphore, #tpu.memory_space<semaphore_mem>>) src(%arg10 : memref<125x128xf32, #tpu.memory_space<vmem>>) dst(%dma_wait3A_312 : memref<10112x128xf32, #tpu.memory_space<vmem_shared>>)
        } else {
        }
        %dma_start3A_82 = arith.constant 1 : i32
        %dma_start3A_83 = arith.constant 0 : i32
        %dma_start3A_84 = tpu.memref_slice %arg5[%dma_start3A_82, %dma_start3A_83] : memref<8x125xi32, #tpu.memory_space<vmem>> -> memref<1x125xi32, #tpu.memory_space<vmem>>
        %dma_start3A_85 = tpu.memref_squeeze %dma_start3A_84 : memref<1x125xi32, #tpu.memory_space<vmem>> -> memref<125xi32, #tpu.memory_space<vmem>>
        %dma_start3A_86 = arith.constant 0 : i32
        %dma_start3A_87 = arith.constant 0 : i32
        %dma_start3A_88 = tpu.memref_slice %arg2[%dma_start3A_86, %dma_start3A_87] : memref<10000x128xf32, #tpu.memory_space<hbm>> -> memref<10000x128xf32, #tpu.memory_space<hbm>>
        tpu.enqueue_indirect_dma source(%dma_start3A_88 : memref<10000x128xf32, #tpu.memory_space<hbm>>) target(%arg10 : memref<125x128xf32, #tpu.memory_space<vmem>>) offsets(%dma_start3A_85 : memref<125xi32, #tpu.memory_space<vmem>>) semaphore(%arg13 : memref<!tpu.dma_semaphore, #tpu.memory_space<semaphore_mem>>)
        %dma_start3A_89 = arith.constant 0 : i32
        %dma_start3A_90 = arith.constant 0 : i32
        %dma_start3A_91 = tpu.memref_slice %arg7[%dma_start3A_89, %dma_start3A_90] : memref<8x125xi32, #tpu.memory_space<vmem>> -> memref<1x125xi32, #tpu.memory_space<vmem>>
        %dma_start3A_92 = tpu.memref_squeeze %dma_start3A_91 : memref<1x125xi32, #tpu.memory_space<vmem>> -> memref<125xi32, #tpu.memory_space<vmem>>
        %dma_start3A_93 = arith.constant 0 : i32
        %dma_start3A_94 = arith.constant 0 : i32
        %dma_start3A_95 = tpu.memref_slice %arg11[%dma_start3A_93, %dma_start3A_94] : memref<10112x128xf32, #tpu.memory_space<vmem_shared>> -> memref<10112x128xf32, #tpu.memory_space<vmem_shared>>
        tpu.enqueue_indirect_dma source(%arg9 : memref<125x128xf32, #tpu.memory_space<vmem>>) target(%dma_start3A_95 : memref<10112x128xf32, #tpu.memory_space<vmem_shared>>) offsets(%dma_start3A_92 : memref<125xi32, #tpu.memory_space<vmem>>) semaphore(%arg14 : memref<!tpu.dma_semaphore, #tpu.memory_space<semaphore_mem>>) {add = true}
        %mul3A_96 = arith.constant 8 : i32
        %mul3A_97 = arith.muli %scan3A_49, %mul3A_96 : i32
        %add3A_98 = arith.constant 1 : i32
        %add3A_99 = arith.addi %mul3A_97, %add3A_98 : i32
        %dma_wait3A_100 = arith.constant 0 : i32
        %dma_wait3A_101 = arith.constant 0 : i32
        %dma_wait3A_102 = tpu.memref_slice %arg5[%dma_wait3A_100, %dma_wait3A_101] : memref<8x125xi32, #tpu.memory_space<vmem>> -> memref<1x125xi32, #tpu.memory_space<vmem>>
        %dma_wait3A_103 = tpu.memref_squeeze %dma_wait3A_102 : memref<1x125xi32, #tpu.memory_space<vmem>> -> memref<125xi32, #tpu.memory_space<vmem>>
        %dma_wait3A_104 = arith.constant 0 : i32
        %dma_wait3A_105 = arith.constant 0 : i32
        %dma_wait3A_106 = tpu.memref_slice %arg2[%dma_wait3A_104, %dma_wait3A_105] : memref<10000x128xf32, #tpu.memory_space<hbm>> -> memref<10000x128xf32, #tpu.memory_space<hbm>>
        tpu.wait_indirect_dma semaphore(%arg13 : memref<!tpu.dma_semaphore, #tpu.memory_space<semaphore_mem>>) src(%dma_wait3A_106 : memref<10000x128xf32, #tpu.memory_space<hbm>>) dst(%arg10 : memref<125x128xf32, #tpu.memory_space<vmem>>)
        %ge3A_107 = arith.constant 1 : i32
        %ge3A_108 = arith.cmpi sge, %add3A_99, %ge3A_107 : i32
        %convert_element_type3A_109 = arith.extui %ge3A_108 : i1 to i32
        %cond3A_110 = arith.constant 0 : i32
        %cond3A_111 = arith.cmpi ne, %convert_element_type3A_109, %cond3A_110 : i32
        scf.if %cond3A_111 {
          %dma_wait3A_306 = arith.constant 0 : i32
          %dma_wait3A_307 = arith.constant 0 : i32
          %dma_wait3A_308 = tpu.memref_slice %arg7[%dma_wait3A_306, %dma_wait3A_307] : memref<8x125xi32, #tpu.memory_space<vmem>> -> memref<1x125xi32, #tpu.memory_space<vmem>>
          %dma_wait3A_309 = tpu.memref_squeeze %dma_wait3A_308 : memref<1x125xi32, #tpu.memory_space<vmem>> -> memref<125xi32, #tpu.memory_space<vmem>>
          %dma_wait3A_310 = arith.constant 0 : i32
          %dma_wait3A_311 = arith.constant 0 : i32
          %dma_wait3A_312 = tpu.memref_slice %arg11[%dma_wait3A_310, %dma_wait3A_311] : memref<10112x128xf32, #tpu.memory_space<vmem_shared>> -> memref<10112x128xf32, #tpu.memory_space<vmem_shared>>
          tpu.wait_indirect_dma semaphore(%arg14 : memref<!tpu.dma_semaphore, #tpu.memory_space<semaphore_mem>>) src(%arg9 : memref<125x128xf32, #tpu.memory_space<vmem>>) dst(%dma_wait3A_312 : memref<10112x128xf32, #tpu.memory_space<vmem_shared>>)
        } else {
        }
        %dma_start3A_112 = arith.constant 2 : i32
        %dma_start3A_113 = arith.constant 0 : i32
        %dma_start3A_114 = tpu.memref_slice %arg5[%dma_start3A_112, %dma_start3A_113] : memref<8x125xi32, #tpu.memory_space<vmem>> -> memref<1x125xi32, #tpu.memory_space<vmem>>
        %dma_start3A_115 = tpu.memref_squeeze %dma_start3A_114 : memref<1x125xi32, #tpu.memory_space<vmem>> -> memref<125xi32, #tpu.memory_space<vmem>>
        %dma_start3A_116 = arith.constant 0 : i32
        %dma_start3A_117 = arith.constant 0 : i32
        %dma_start3A_118 = tpu.memref_slice %arg2[%dma_start3A_116, %dma_start3A_117] : memref<10000x128xf32, #tpu.memory_space<hbm>> -> memref<10000x128xf32, #tpu.memory_space<hbm>>
        tpu.enqueue_indirect_dma source(%dma_start3A_118 : memref<10000x128xf32, #tpu.memory_space<hbm>>) target(%arg9 : memref<125x128xf32, #tpu.memory_space<vmem>>) offsets(%dma_start3A_115 : memref<125xi32, #tpu.memory_space<vmem>>) semaphore(%arg12 : memref<!tpu.dma_semaphore, #tpu.memory_space<semaphore_mem>>)
        %dma_start3A_119 = arith.constant 1 : i32
        %dma_start3A_120 = arith.constant 0 : i32
        %dma_start3A_121 = tpu.memref_slice %arg7[%dma_start3A_119, %dma_start3A_120] : memref<8x125xi32, #tpu.memory_space<vmem>> -> memref<1x125xi32, #tpu.memory_space<vmem>>
        %dma_start3A_122 = tpu.memref_squeeze %dma_start3A_121 : memref<1x125xi32, #tpu.memory_space<vmem>> -> memref<125xi32, #tpu.memory_space<vmem>>
        %dma_start3A_123 = arith.constant 0 : i32
        %dma_start3A_124 = arith.constant 0 : i32
        %dma_start3A_125 = tpu.memref_slice %arg11[%dma_start3A_123, %dma_start3A_124] : memref<10112x128xf32, #tpu.memory_space<vmem_shared>> -> memref<10112x128xf32, #tpu.memory_space<vmem_shared>>
        tpu.enqueue_indirect_dma source(%arg10 : memref<125x128xf32, #tpu.memory_space<vmem>>) target(%dma_start3A_125 : memref<10112x128xf32, #tpu.memory_space<vmem_shared>>) offsets(%dma_start3A_122 : memref<125xi32, #tpu.memory_space<vmem>>) semaphore(%arg15 : memref<!tpu.dma_semaphore, #tpu.memory_space<semaphore_mem>>) {add = true}
        %mul3A_126 = arith.constant 8 : i32
        %mul3A_127 = arith.muli %scan3A_49, %mul3A_126 : i32
        %add3A_128 = arith.constant 2 : i32
        %add3A_129 = arith.addi %mul3A_127, %add3A_128 : i32
        %dma_wait3A_130 = arith.constant 0 : i32
        %dma_wait3A_131 = arith.constant 0 : i32
        %dma_wait3A_132 = tpu.memref_slice %arg5[%dma_wait3A_130, %dma_wait3A_131] : memref<8x125xi32, #tpu.memory_space<vmem>> -> memref<1x125xi32, #tpu.memory_space<vmem>>
        %dma_wait3A_133 = tpu.memref_squeeze %dma_wait3A_132 : memref<1x125xi32, #tpu.memory_space<vmem>> -> memref<125xi32, #tpu.memory_space<vmem>>
        %dma_wait3A_134 = arith.constant 0 : i32
        %dma_wait3A_135 = arith.constant 0 : i32
        %dma_wait3A_136 = tpu.memref_slice %arg2[%dma_wait3A_134, %dma_wait3A_135] : memref<10000x128xf32, #tpu.memory_space<hbm>> -> memref<10000x128xf32, #tpu.memory_space<hbm>>
        tpu.wait_indirect_dma semaphore(%arg12 : memref<!tpu.dma_semaphore, #tpu.memory_space<semaphore_mem>>) src(%dma_wait3A_136 : memref<10000x128xf32, #tpu.memory_space<hbm>>) dst(%arg9 : memref<125x128xf32, #tpu.memory_space<vmem>>)
        %ge3A_137 = arith.constant 1 : i32
        %ge3A_138 = arith.cmpi sge, %add3A_129, %ge3A_137 : i32
        %convert_element_type3A_139 = arith.extui %ge3A_138 : i1 to i32
        %cond3A_140 = arith.constant 0 : i32
        %cond3A_141 = arith.cmpi ne, %convert_element_type3A_139, %cond3A_140 : i32
        scf.if %cond3A_141 {
          %dma_wait3A_306 = arith.constant 0 : i32
          %dma_wait3A_307 = arith.constant 0 : i32
          %dma_wait3A_308 = tpu.memref_slice %arg7[%dma_wait3A_306, %dma_wait3A_307] : memref<8x125xi32, #tpu.memory_space<vmem>> -> memref<1x125xi32, #tpu.memory_space<vmem>>
          %dma_wait3A_309 = tpu.memref_squeeze %dma_wait3A_308 : memref<1x125xi32, #tpu.memory_space<vmem>> -> memref<125xi32, #tpu.memory_space<vmem>>
          %dma_wait3A_310 = arith.constant 0 : i32
          %dma_wait3A_311 = arith.constant 0 : i32
          %dma_wait3A_312 = tpu.memref_slice %arg11[%dma_wait3A_310, %dma_wait3A_311] : memref<10112x128xf32, #tpu.memory_space<vmem_shared>> -> memref<10112x128xf32, #tpu.memory_space<vmem_shared>>
          tpu.wait_indirect_dma semaphore(%arg15 : memref<!tpu.dma_semaphore, #tpu.memory_space<semaphore_mem>>) src(%arg10 : memref<125x128xf32, #tpu.memory_space<vmem>>) dst(%dma_wait3A_312 : memref<10112x128xf32, #tpu.memory_space<vmem_shared>>)
        } else {
        }
        %dma_start3A_142 = arith.constant 3 : i32
        %dma_start3A_143 = arith.constant 0 : i32
        %dma_start3A_144 = tpu.memref_slice %arg5[%dma_start3A_142, %dma_start3A_143] : memref<8x125xi32, #tpu.memory_space<vmem>> -> memref<1x125xi32, #tpu.memory_space<vmem>>
        %dma_start3A_145 = tpu.memref_squeeze %dma_start3A_144 : memref<1x125xi32, #tpu.memory_space<vmem>> -> memref<125xi32, #tpu.memory_space<vmem>>
        %dma_start3A_146 = arith.constant 0 : i32
        %dma_start3A_147 = arith.constant 0 : i32
        %dma_start3A_148 = tpu.memref_slice %arg2[%dma_start3A_146, %dma_start3A_147] : memref<10000x128xf32, #tpu.memory_space<hbm>> -> memref<10000x128xf32, #tpu.memory_space<hbm>>
        tpu.enqueue_indirect_dma source(%dma_start3A_148 : memref<10000x128xf32, #tpu.memory_space<hbm>>) target(%arg10 : memref<125x128xf32, #tpu.memory_space<vmem>>) offsets(%dma_start3A_145 : memref<125xi32, #tpu.memory_space<vmem>>) semaphore(%arg13 : memref<!tpu.dma_semaphore, #tpu.memory_space<semaphore_mem>>)
        %dma_start3A_149 = arith.constant 2 : i32
        %dma_start3A_150 = arith.constant 0 : i32
        %dma_start3A_151 = tpu.memref_slice %arg7[%dma_start3A_149, %dma_start3A_150] : memref<8x125xi32, #tpu.memory_space<vmem>> -> memref<1x125xi32, #tpu.memory_space<vmem>>
        %dma_start3A_152 = tpu.memref_squeeze %dma_start3A_151 : memref<1x125xi32, #tpu.memory_space<vmem>> -> memref<125xi32, #tpu.memory_space<vmem>>
        %dma_start3A_153 = arith.constant 0 : i32
        %dma_start3A_154 = arith.constant 0 : i32
        %dma_start3A_155 = tpu.memref_slice %arg11[%dma_start3A_153, %dma_start3A_154] : memref<10112x128xf32, #tpu.memory_space<vmem_shared>> -> memref<10112x128xf32, #tpu.memory_space<vmem_shared>>
        tpu.enqueue_indirect_dma source(%arg9 : memref<125x128xf32, #tpu.memory_space<vmem>>) target(%dma_start3A_155 : memref<10112x128xf32, #tpu.memory_space<vmem_shared>>) offsets(%dma_start3A_152 : memref<125xi32, #tpu.memory_space<vmem>>) semaphore(%arg14 : memref<!tpu.dma_semaphore, #tpu.memory_space<semaphore_mem>>) {add = true}
        %mul3A_156 = arith.constant 8 : i32
        %mul3A_157 = arith.muli %scan3A_49, %mul3A_156 : i32
        %add3A_158 = arith.constant 3 : i32
        %add3A_159 = arith.addi %mul3A_157, %add3A_158 : i32
        %dma_wait3A_160 = arith.constant 0 : i32
        %dma_wait3A_161 = arith.constant 0 : i32
        %dma_wait3A_162 = tpu.memref_slice %arg5[%dma_wait3A_160, %dma_wait3A_161] : memref<8x125xi32, #tpu.memory_space<vmem>> -> memref<1x125xi32, #tpu.memory_space<vmem>>
        %dma_wait3A_163 = tpu.memref_squeeze %dma_wait3A_162 : memref<1x125xi32, #tpu.memory_space<vmem>> -> memref<125xi32, #tpu.memory_space<vmem>>
        %dma_wait3A_164 = arith.constant 0 : i32
        %dma_wait3A_165 = arith.constant 0 : i32
        %dma_wait3A_166 = tpu.memref_slice %arg2[%dma_wait3A_164, %dma_wait3A_165] : memref<10000x128xf32, #tpu.memory_space<hbm>> -> memref<10000x128xf32, #tpu.memory_space<hbm>>
        tpu.wait_indirect_dma semaphore(%arg13 : memref<!tpu.dma_semaphore, #tpu.memory_space<semaphore_mem>>) src(%dma_wait3A_166 : memref<10000x128xf32, #tpu.memory_space<hbm>>) dst(%arg10 : memref<125x128xf32, #tpu.memory_space<vmem>>)
        %ge3A_167 = arith.constant 1 : i32
        %ge3A_168 = arith.cmpi sge, %add3A_159, %ge3A_167 : i32
        %convert_element_type3A_169 = arith.extui %ge3A_168 : i1 to i32
        %cond3A_170 = arith.constant 0 : i32
        %cond3A_171 = arith.cmpi ne, %convert_element_type3A_169, %cond3A_170 : i32
        scf.if %cond3A_171 {
          %dma_wait3A_306 = arith.constant 0 : i32
          %dma_wait3A_307 = arith.constant 0 : i32
          %dma_wait3A_308 = tpu.memref_slice %arg7[%dma_wait3A_306, %dma_wait3A_307] : memref<8x125xi32, #tpu.memory_space<vmem>> -> memref<1x125xi32, #tpu.memory_space<vmem>>
          %dma_wait3A_309 = tpu.memref_squeeze %dma_wait3A_308 : memref<1x125xi32, #tpu.memory_space<vmem>> -> memref<125xi32, #tpu.memory_space<vmem>>
          %dma_wait3A_310 = arith.constant 0 : i32
          %dma_wait3A_311 = arith.constant 0 : i32
          %dma_wait3A_312 = tpu.memref_slice %arg11[%dma_wait3A_310, %dma_wait3A_311] : memref<10112x128xf32, #tpu.memory_space<vmem_shared>> -> memref<10112x128xf32, #tpu.memory_space<vmem_shared>>
          tpu.wait_indirect_dma semaphore(%arg14 : memref<!tpu.dma_semaphore, #tpu.memory_space<semaphore_mem>>) src(%arg9 : memref<125x128xf32, #tpu.memory_space<vmem>>) dst(%dma_wait3A_312 : memref<10112x128xf32, #tpu.memory_space<vmem_shared>>)
        } else {
        }
        %dma_start3A_172 = arith.constant 4 : i32
        %dma_start3A_173 = arith.constant 0 : i32
        %dma_start3A_174 = tpu.memref_slice %arg5[%dma_start3A_172, %dma_start3A_173] : memref<8x125xi32, #tpu.memory_space<vmem>> -> memref<1x125xi32, #tpu.memory_space<vmem>>
        %dma_start3A_175 = tpu.memref_squeeze %dma_start3A_174 : memref<1x125xi32, #tpu.memory_space<vmem>> -> memref<125xi32, #tpu.memory_space<vmem>>
        %dma_start3A_176 = arith.constant 0 : i32
        %dma_start3A_177 = arith.constant 0 : i32
        %dma_start3A_178 = tpu.memref_slice %arg2[%dma_start3A_176, %dma_start3A_177] : memref<10000x128xf32, #tpu.memory_space<hbm>> -> memref<10000x128xf32, #tpu.memory_space<hbm>>
        tpu.enqueue_indirect_dma source(%dma_start3A_178 : memref<10000x128xf32, #tpu.memory_space<hbm>>) target(%arg9 : memref<125x128xf32, #tpu.memory_space<vmem>>) offsets(%dma_start3A_175 : memref<125xi32, #tpu.memory_space<vmem>>) semaphore(%arg12 : memref<!tpu.dma_semaphore, #tpu.memory_space<semaphore_mem>>)
        %dma_start3A_179 = arith.constant 3 : i32
        %dma_start3A_180 = arith.constant 0 : i32
        %dma_start3A_181 = tpu.memref_slice %arg7[%dma_start3A_179, %dma_start3A_180] : memref<8x125xi32, #tpu.memory_space<vmem>> -> memref<1x125xi32, #tpu.memory_space<vmem>>
        %dma_start3A_182 = tpu.memref_squeeze %dma_start3A_181 : memref<1x125xi32, #tpu.memory_space<vmem>> -> memref<125xi32, #tpu.memory_space<vmem>>
        %dma_start3A_183 = arith.constant 0 : i32
        %dma_start3A_184 = arith.constant 0 : i32
        %dma_start3A_185 = tpu.memref_slice %arg11[%dma_start3A_183, %dma_start3A_184] : memref<10112x128xf32, #tpu.memory_space<vmem_shared>> -> memref<10112x128xf32, #tpu.memory_space<vmem_shared>>
        tpu.enqueue_indirect_dma source(%arg10 : memref<125x128xf32, #tpu.memory_space<vmem>>) target(%dma_start3A_185 : memref<10112x128xf32, #tpu.memory_space<vmem_shared>>) offsets(%dma_start3A_182 : memref<125xi32, #tpu.memory_space<vmem>>) semaphore(%arg15 : memref<!tpu.dma_semaphore, #tpu.memory_space<semaphore_mem>>) {add = true}
        %mul3A_186 = arith.constant 8 : i32
        %mul3A_187 = arith.muli %scan3A_49, %mul3A_186 : i32
        %add3A_188 = arith.constant 4 : i32
        %add3A_189 = arith.addi %mul3A_187, %add3A_188 : i32
        %dma_wait3A_190 = arith.constant 0 : i32
        %dma_wait3A_191 = arith.constant 0 : i32
        %dma_wait3A_192 = tpu.memref_slice %arg5[%dma_wait3A_190, %dma_wait3A_191] : memref<8x125xi32, #tpu.memory_space<vmem>> -> memref<1x125xi32, #tpu.memory_space<vmem>>
        %dma_wait3A_193 = tpu.memref_squeeze %dma_wait3A_192 : memref<1x125xi32, #tpu.memory_space<vmem>> -> memref<125xi32, #tpu.memory_space<vmem>>
        %dma_wait3A_194 = arith.constant 0 : i32
        %dma_wait3A_195 = arith.constant 0 : i32
        %dma_wait3A_196 = tpu.memref_slice %arg2[%dma_wait3A_194, %dma_wait3A_195] : memref<10000x128xf32, #tpu.memory_space<hbm>> -> memref<10000x128xf32, #tpu.memory_space<hbm>>
        tpu.wait_indirect_dma semaphore(%arg12 : memref<!tpu.dma_semaphore, #tpu.memory_space<semaphore_mem>>) src(%dma_wait3A_196 : memref<10000x128xf32, #tpu.memory_space<hbm>>) dst(%arg9 : memref<125x128xf32, #tpu.memory_space<vmem>>)
        %ge3A_197 = arith.constant 1 : i32
        %ge3A_198 = arith.cmpi sge, %add3A_189, %ge3A_197 : i32
        %convert_element_type3A_199 = arith.extui %ge3A_198 : i1 to i32
        %cond3A_200 = arith.constant 0 : i32
        %cond3A_201 = arith.cmpi ne, %convert_element_type3A_199, %cond3A_200 : i32
        scf.if %cond3A_201 {
          %dma_wait3A_306 = arith.constant 0 : i32
          %dma_wait3A_307 = arith.constant 0 : i32
          %dma_wait3A_308 = tpu.memref_slice %arg7[%dma_wait3A_306, %dma_wait3A_307] : memref<8x125xi32, #tpu.memory_space<vmem>> -> memref<1x125xi32, #tpu.memory_space<vmem>>
          %dma_wait3A_309 = tpu.memref_squeeze %dma_wait3A_308 : memref<1x125xi32, #tpu.memory_space<vmem>> -> memref<125xi32, #tpu.memory_space<vmem>>
          %dma_wait3A_310 = arith.constant 0 : i32
          %dma_wait3A_311 = arith.constant 0 : i32
          %dma_wait3A_312 = tpu.memref_slice %arg11[%dma_wait3A_310, %dma_wait3A_311] : memref<10112x128xf32, #tpu.memory_space<vmem_shared>> -> memref<10112x128xf32, #tpu.memory_space<vmem_shared>>
          tpu.wait_indirect_dma semaphore(%arg15 : memref<!tpu.dma_semaphore, #tpu.memory_space<semaphore_mem>>) src(%arg10 : memref<125x128xf32, #tpu.memory_space<vmem>>) dst(%dma_wait3A_312 : memref<10112x128xf32, #tpu.memory_space<vmem_shared>>)
        } else {
        }
        %dma_start3A_202 = arith.constant 5 : i32
        %dma_start3A_203 = arith.constant 0 : i32
        %dma_start3A_204 = tpu.memref_slice %arg5[%dma_start3A_202, %dma_start3A_203] : memref<8x125xi32, #tpu.memory_space<vmem>> -> memref<1x125xi32, #tpu.memory_space<vmem>>
        %dma_start3A_205 = tpu.memref_squeeze %dma_start3A_204 : memref<1x125xi32, #tpu.memory_space<vmem>> -> memref<125xi32, #tpu.memory_space<vmem>>
        %dma_start3A_206 = arith.constant 0 : i32
        %dma_start3A_207 = arith.constant 0 : i32
        %dma_start3A_208 = tpu.memref_slice %arg2[%dma_start3A_206, %dma_start3A_207] : memref<10000x128xf32, #tpu.memory_space<hbm>> -> memref<10000x128xf32, #tpu.memory_space<hbm>>
        tpu.enqueue_indirect_dma source(%dma_start3A_208 : memref<10000x128xf32, #tpu.memory_space<hbm>>) target(%arg10 : memref<125x128xf32, #tpu.memory_space<vmem>>) offsets(%dma_start3A_205 : memref<125xi32, #tpu.memory_space<vmem>>) semaphore(%arg13 : memref<!tpu.dma_semaphore, #tpu.memory_space<semaphore_mem>>)
        %dma_start3A_209 = arith.constant 4 : i32
        %dma_start3A_210 = arith.constant 0 : i32
        %dma_start3A_211 = tpu.memref_slice %arg7[%dma_start3A_209, %dma_start3A_210] : memref<8x125xi32, #tpu.memory_space<vmem>> -> memref<1x125xi32, #tpu.memory_space<vmem>>
        %dma_start3A_212 = tpu.memref_squeeze %dma_start3A_211 : memref<1x125xi32, #tpu.memory_space<vmem>> -> memref<125xi32, #tpu.memory_space<vmem>>
        %dma_start3A_213 = arith.constant 0 : i32
        %dma_start3A_214 = arith.constant 0 : i32
        %dma_start3A_215 = tpu.memref_slice %arg11[%dma_start3A_213, %dma_start3A_214] : memref<10112x128xf32, #tpu.memory_space<vmem_shared>> -> memref<10112x128xf32, #tpu.memory_space<vmem_shared>>
        tpu.enqueue_indirect_dma source(%arg9 : memref<125x128xf32, #tpu.memory_space<vmem>>) target(%dma_start3A_215 : memref<10112x128xf32, #tpu.memory_space<vmem_shared>>) offsets(%dma_start3A_212 : memref<125xi32, #tpu.memory_space<vmem>>) semaphore(%arg14 : memref<!tpu.dma_semaphore, #tpu.memory_space<semaphore_mem>>) {add = true}
        %mul3A_216 = arith.constant 8 : i32
        %mul3A_217 = arith.muli %scan3A_49, %mul3A_216 : i32
        %add3A_218 = arith.constant 5 : i32
        %add3A_219 = arith.addi %mul3A_217, %add3A_218 : i32
        %dma_wait3A_220 = arith.constant 0 : i32
        %dma_wait3A_221 = arith.constant 0 : i32
        %dma_wait3A_222 = tpu.memref_slice %arg5[%dma_wait3A_220, %dma_wait3A_221] : memref<8x125xi32, #tpu.memory_space<vmem>> -> memref<1x125xi32, #tpu.memory_space<vmem>>
        %dma_wait3A_223 = tpu.memref_squeeze %dma_wait3A_222 : memref<1x125xi32, #tpu.memory_space<vmem>> -> memref<125xi32, #tpu.memory_space<vmem>>
        %dma_wait3A_224 = arith.constant 0 : i32
        %dma_wait3A_225 = arith.constant 0 : i32
        %dma_wait3A_226 = tpu.memref_slice %arg2[%dma_wait3A_224, %dma_wait3A_225] : memref<10000x128xf32, #tpu.memory_space<hbm>> -> memref<10000x128xf32, #tpu.memory_space<hbm>>
        tpu.wait_indirect_dma semaphore(%arg13 : memref<!tpu.dma_semaphore, #tpu.memory_space<semaphore_mem>>) src(%dma_wait3A_226 : memref<10000x128xf32, #tpu.memory_space<hbm>>) dst(%arg10 : memref<125x128xf32, #tpu.memory_space<vmem>>)
        %ge3A_227 = arith.constant 1 : i32
        %ge3A_228 = arith.cmpi sge, %add3A_219, %ge3A_227 : i32
        %convert_element_type3A_229 = arith.extui %ge3A_228 : i1 to i32
        %cond3A_230 = arith.constant 0 : i32
        %cond3A_231 = arith.cmpi ne, %convert_element_type3A_229, %cond3A_230 : i32
        scf.if %cond3A_231 {
          %dma_wait3A_306 = arith.constant 0 : i32
          %dma_wait3A_307 = arith.constant 0 : i32
          %dma_wait3A_308 = tpu.memref_slice %arg7[%dma_wait3A_306, %dma_wait3A_307] : memref<8x125xi32, #tpu.memory_space<vmem>> -> memref<1x125xi32, #tpu.memory_space<vmem>>
          %dma_wait3A_309 = tpu.memref_squeeze %dma_wait3A_308 : memref<1x125xi32, #tpu.memory_space<vmem>> -> memref<125xi32, #tpu.memory_space<vmem>>
          %dma_wait3A_310 = arith.constant 0 : i32
          %dma_wait3A_311 = arith.constant 0 : i32
          %dma_wait3A_312 = tpu.memref_slice %arg11[%dma_wait3A_310, %dma_wait3A_311] : memref<10112x128xf32, #tpu.memory_space<vmem_shared>> -> memref<10112x128xf32, #tpu.memory_space<vmem_shared>>
          tpu.wait_indirect_dma semaphore(%arg14 : memref<!tpu.dma_semaphore, #tpu.memory_space<semaphore_mem>>) src(%arg9 : memref<125x128xf32, #tpu.memory_space<vmem>>) dst(%dma_wait3A_312 : memref<10112x128xf32, #tpu.memory_space<vmem_shared>>)
        } else {
        }
        %dma_start3A_232 = arith.constant 6 : i32
        %dma_start3A_233 = arith.constant 0 : i32
        %dma_start3A_234 = tpu.memref_slice %arg5[%dma_start3A_232, %dma_start3A_233] : memref<8x125xi32, #tpu.memory_space<vmem>> -> memref<1x125xi32, #tpu.memory_space<vmem>>
        %dma_start3A_235 = tpu.memref_squeeze %dma_start3A_234 : memref<1x125xi32, #tpu.memory_space<vmem>> -> memref<125xi32, #tpu.memory_space<vmem>>
        %dma_start3A_236 = arith.constant 0 : i32
        %dma_start3A_237 = arith.constant 0 : i32
        %dma_start3A_238 = tpu.memref_slice %arg2[%dma_start3A_236, %dma_start3A_237] : memref<10000x128xf32, #tpu.memory_space<hbm>> -> memref<10000x128xf32, #tpu.memory_space<hbm>>
        tpu.enqueue_indirect_dma source(%dma_start3A_238 : memref<10000x128xf32, #tpu.memory_space<hbm>>) target(%arg9 : memref<125x128xf32, #tpu.memory_space<vmem>>) offsets(%dma_start3A_235 : memref<125xi32, #tpu.memory_space<vmem>>) semaphore(%arg12 : memref<!tpu.dma_semaphore, #tpu.memory_space<semaphore_mem>>)
        %dma_start3A_239 = arith.constant 5 : i32
        %dma_start3A_240 = arith.constant 0 : i32
        %dma_start3A_241 = tpu.memref_slice %arg7[%dma_start3A_239, %dma_start3A_240] : memref<8x125xi32, #tpu.memory_space<vmem>> -> memref<1x125xi32, #tpu.memory_space<vmem>>
        %dma_start3A_242 = tpu.memref_squeeze %dma_start3A_241 : memref<1x125xi32, #tpu.memory_space<vmem>> -> memref<125xi32, #tpu.memory_space<vmem>>
        %dma_start3A_243 = arith.constant 0 : i32
        %dma_start3A_244 = arith.constant 0 : i32
        %dma_start3A_245 = tpu.memref_slice %arg11[%dma_start3A_243, %dma_start3A_244] : memref<10112x128xf32, #tpu.memory_space<vmem_shared>> -> memref<10112x128xf32, #tpu.memory_space<vmem_shared>>
        tpu.enqueue_indirect_dma source(%arg10 : memref<125x128xf32, #tpu.memory_space<vmem>>) target(%dma_start3A_245 : memref<10112x128xf32, #tpu.memory_space<vmem_shared>>) offsets(%dma_start3A_242 : memref<125xi32, #tpu.memory_space<vmem>>) semaphore(%arg15 : memref<!tpu.dma_semaphore, #tpu.memory_space<semaphore_mem>>) {add = true}
        %mul3A_246 = arith.constant 8 : i32
        %mul3A_247 = arith.muli %scan3A_49, %mul3A_246 : i32
        %add3A_248 = arith.constant 6 : i32
        %add3A_249 = arith.addi %mul3A_247, %add3A_248 : i32
        %dma_wait3A_250 = arith.constant 0 : i32
        %dma_wait3A_251 = arith.constant 0 : i32
        %dma_wait3A_252 = tpu.memref_slice %arg5[%dma_wait3A_250, %dma_wait3A_251] : memref<8x125xi32, #tpu.memory_space<vmem>> -> memref<1x125xi32, #tpu.memory_space<vmem>>
        %dma_wait3A_253 = tpu.memref_squeeze %dma_wait3A_252 : memref<1x125xi32, #tpu.memory_space<vmem>> -> memref<125xi32, #tpu.memory_space<vmem>>
        %dma_wait3A_254 = arith.constant 0 : i32
        %dma_wait3A_255 = arith.constant 0 : i32
        %dma_wait3A_256 = tpu.memref_slice %arg2[%dma_wait3A_254, %dma_wait3A_255] : memref<10000x128xf32, #tpu.memory_space<hbm>> -> memref<10000x128xf32, #tpu.memory_space<hbm>>
        tpu.wait_indirect_dma semaphore(%arg12 : memref<!tpu.dma_semaphore, #tpu.memory_space<semaphore_mem>>) src(%dma_wait3A_256 : memref<10000x128xf32, #tpu.memory_space<hbm>>) dst(%arg9 : memref<125x128xf32, #tpu.memory_space<vmem>>)
        %ge3A_257 = arith.constant 1 : i32
        %ge3A_258 = arith.cmpi sge, %add3A_249, %ge3A_257 : i32
        %convert_element_type3A_259 = arith.extui %ge3A_258 : i1 to i32
        %cond3A_260 = arith.constant 0 : i32
        %cond3A_261 = arith.cmpi ne, %convert_element_type3A_259, %cond3A_260 : i32
        scf.if %cond3A_261 {
          %dma_wait3A_306 = arith.constant 0 : i32
          %dma_wait3A_307 = arith.constant 0 : i32
          %dma_wait3A_308 = tpu.memref_slice %arg7[%dma_wait3A_306, %dma_wait3A_307] : memref<8x125xi32, #tpu.memory_space<vmem>> -> memref<1x125xi32, #tpu.memory_space<vmem>>
          %dma_wait3A_309 = tpu.memref_squeeze %dma_wait3A_308 : memref<1x125xi32, #tpu.memory_space<vmem>> -> memref<125xi32, #tpu.memory_space<vmem>>
          %dma_wait3A_310 = arith.constant 0 : i32
          %dma_wait3A_311 = arith.constant 0 : i32
          %dma_wait3A_312 = tpu.memref_slice %arg11[%dma_wait3A_310, %dma_wait3A_311] : memref<10112x128xf32, #tpu.memory_space<vmem_shared>> -> memref<10112x128xf32, #tpu.memory_space<vmem_shared>>
          tpu.wait_indirect_dma semaphore(%arg15 : memref<!tpu.dma_semaphore, #tpu.memory_space<semaphore_mem>>) src(%arg10 : memref<125x128xf32, #tpu.memory_space<vmem>>) dst(%dma_wait3A_312 : memref<10112x128xf32, #tpu.memory_space<vmem_shared>>)
        } else {
        }
        %dma_start3A_262 = arith.constant 7 : i32
        %dma_start3A_263 = arith.constant 0 : i32
        %dma_start3A_264 = tpu.memref_slice %arg5[%dma_start3A_262, %dma_start3A_263] : memref<8x125xi32, #tpu.memory_space<vmem>> -> memref<1x125xi32, #tpu.memory_space<vmem>>
        %dma_start3A_265 = tpu.memref_squeeze %dma_start3A_264 : memref<1x125xi32, #tpu.memory_space<vmem>> -> memref<125xi32, #tpu.memory_space<vmem>>
        %dma_start3A_266 = arith.constant 0 : i32
        %dma_start3A_267 = arith.constant 0 : i32
        %dma_start3A_268 = tpu.memref_slice %arg2[%dma_start3A_266, %dma_start3A_267] : memref<10000x128xf32, #tpu.memory_space<hbm>> -> memref<10000x128xf32, #tpu.memory_space<hbm>>
        tpu.enqueue_indirect_dma source(%dma_start3A_268 : memref<10000x128xf32, #tpu.memory_space<hbm>>) target(%arg10 : memref<125x128xf32, #tpu.memory_space<vmem>>) offsets(%dma_start3A_265 : memref<125xi32, #tpu.memory_space<vmem>>) semaphore(%arg13 : memref<!tpu.dma_semaphore, #tpu.memory_space<semaphore_mem>>)
        %dma_start3A_269 = arith.constant 6 : i32
        %dma_start3A_270 = arith.constant 0 : i32
        %dma_start3A_271 = tpu.memref_slice %arg7[%dma_start3A_269, %dma_start3A_270] : memref<8x125xi32, #tpu.memory_space<vmem>> -> memref<1x125xi32, #tpu.memory_space<vmem>>
        %dma_start3A_272 = tpu.memref_squeeze %dma_start3A_271 : memref<1x125xi32, #tpu.memory_space<vmem>> -> memref<125xi32, #tpu.memory_space<vmem>>
        %dma_start3A_273 = arith.constant 0 : i32
        %dma_start3A_274 = arith.constant 0 : i32
        %dma_start3A_275 = tpu.memref_slice %arg11[%dma_start3A_273, %dma_start3A_274] : memref<10112x128xf32, #tpu.memory_space<vmem_shared>> -> memref<10112x128xf32, #tpu.memory_space<vmem_shared>>
        tpu.enqueue_indirect_dma source(%arg9 : memref<125x128xf32, #tpu.memory_space<vmem>>) target(%dma_start3A_275 : memref<10112x128xf32, #tpu.memory_space<vmem_shared>>) offsets(%dma_start3A_272 : memref<125xi32, #tpu.memory_space<vmem>>) semaphore(%arg14 : memref<!tpu.dma_semaphore, #tpu.memory_space<semaphore_mem>>) {add = true}
        %mul3A_276 = arith.constant 8 : i32
        %mul3A_277 = arith.muli %scan3A_49, %mul3A_276 : i32
        %add3A_278 = arith.constant 7 : i32
        %add3A_279 = arith.addi %mul3A_277, %add3A_278 : i32
        %dma_wait3A_280 = arith.constant 0 : i32
        %dma_wait3A_281 = arith.constant 0 : i32
        %dma_wait3A_282 = tpu.memref_slice %arg5[%dma_wait3A_280, %dma_wait3A_281] : memref<8x125xi32, #tpu.memory_space<vmem>> -> memref<1x125xi32, #tpu.memory_space<vmem>>
        %dma_wait3A_283 = tpu.memref_squeeze %dma_wait3A_282 : memref<1x125xi32, #tpu.memory_space<vmem>> -> memref<125xi32, #tpu.memory_space<vmem>>
        %dma_wait3A_284 = arith.constant 0 : i32
        %dma_wait3A_285 = arith.constant 0 : i32
        %dma_wait3A_286 = tpu.memref_slice %arg2[%dma_wait3A_284, %dma_wait3A_285] : memref<10000x128xf32, #tpu.memory_space<hbm>> -> memref<10000x128xf32, #tpu.memory_space<hbm>>
        tpu.wait_indirect_dma semaphore(%arg13 : memref<!tpu.dma_semaphore, #tpu.memory_space<semaphore_mem>>) src(%dma_wait3A_286 : memref<10000x128xf32, #tpu.memory_space<hbm>>) dst(%arg10 : memref<125x128xf32, #tpu.memory_space<vmem>>)
        %ge3A_287 = arith.constant 1 : i32
        %ge3A_288 = arith.cmpi sge, %add3A_279, %ge3A_287 : i32
        %convert_element_type3A_289 = arith.extui %ge3A_288 : i1 to i32
        %cond3A_290 = arith.constant 0 : i32
        %cond3A_291 = arith.cmpi ne, %convert_element_type3A_289, %cond3A_290 : i32
        scf.if %cond3A_291 {
          %dma_wait3A_306 = arith.constant 0 : i32
          %dma_wait3A_307 = arith.constant 0 : i32
          %dma_wait3A_308 = tpu.memref_slice %arg7[%dma_wait3A_306, %dma_wait3A_307] : memref<8x125xi32, #tpu.memory_space<vmem>> -> memref<1x125xi32, #tpu.memory_space<vmem>>
          %dma_wait3A_309 = tpu.memref_squeeze %dma_wait3A_308 : memref<1x125xi32, #tpu.memory_space<vmem>> -> memref<125xi32, #tpu.memory_space<vmem>>
          %dma_wait3A_310 = arith.constant 0 : i32
          %dma_wait3A_311 = arith.constant 0 : i32
          %dma_wait3A_312 = tpu.memref_slice %arg11[%dma_wait3A_310, %dma_wait3A_311] : memref<10112x128xf32, #tpu.memory_space<vmem_shared>> -> memref<10112x128xf32, #tpu.memory_space<vmem_shared>>
          tpu.wait_indirect_dma semaphore(%arg14 : memref<!tpu.dma_semaphore, #tpu.memory_space<semaphore_mem>>) src(%arg9 : memref<125x128xf32, #tpu.memory_space<vmem>>) dst(%dma_wait3A_312 : memref<10112x128xf32, #tpu.memory_space<vmem_shared>>)
        } else {
        }
        %add3A_292 = arith.constant 1 : i32
        %add3A_293 = arith.addi %scan3A_49, %add3A_292 : i32
        %lt3A_294 = arith.constant 10 : i32
        %lt3A_295 = arith.cmpi slt, %add3A_293, %lt3A_294 : i32
        %convert_element_type3A_296 = arith.extui %lt3A_295 : i1 to i32
        %cond3A_297 = arith.constant 0 : i32
        %cond3A_298 = arith.cmpi ne, %convert_element_type3A_296, %cond3A_297 : i32
        scf.if %cond3A_298 {
          %dma_wait3A_306 = arith.constant 0 : i32
          %dma_wait3A_307 = arith.constant 0 : i32
          %dma_wait3A_308 = tpu.memref_slice %arg3[%dma_wait3A_306, %dma_wait3A_307] : memref<5120x125xi32, #tpu.memory_space<hbm>> -> memref<8x125xi32, #tpu.memory_space<hbm>>
          %dma_wait3A_309 = arith.constant 0 : i32
          %dma_wait3A_310 = arith.constant 0 : i32
          %dma_wait3A_311 = tpu.memref_slice %arg3[%dma_wait3A_309, %dma_wait3A_310] : memref<5120x125xi32, #tpu.memory_space<hbm>> -> memref<8x125xi32, #tpu.memory_space<hbm>>
          tpu.wait_dma2 semaphore(%arg16 : memref<!tpu.dma_semaphore, #tpu.memory_space<semaphore_mem>>) src(%dma_wait3A_311 : memref<8x125xi32, #tpu.memory_space<hbm>>) dst(%arg5 : memref<8x125xi32, #tpu.memory_space<vmem>>)
          %dma_wait3A_312 = arith.constant 0 : i32
          %dma_wait3A_313 = arith.constant 0 : i32
          %dma_wait3A_314 = tpu.memref_slice %arg3[%dma_wait3A_312, %dma_wait3A_313] : memref<5120x125xi32, #tpu.memory_space<hbm>> -> memref<8x125xi32, #tpu.memory_space<hbm>>
          %dma_wait3A_315 = arith.constant 0 : i32
          %dma_wait3A_316 = arith.constant 0 : i32
          %dma_wait3A_317 = tpu.memref_slice %arg3[%dma_wait3A_315, %dma_wait3A_316] : memref<5120x125xi32, #tpu.memory_space<hbm>> -> memref<8x125xi32, #tpu.memory_space<hbm>>
          tpu.wait_dma2 semaphore(%arg16 : memref<!tpu.dma_semaphore, #tpu.memory_space<semaphore_mem>>) src(%dma_wait3A_317 : memref<8x125xi32, #tpu.memory_space<hbm>>) dst(%arg7 : memref<8x125xi32, #tpu.memory_space<vmem>>)
          %dma_start3A_318 = arith.constant 0 : i32
          %dma_start3A_319 = arith.constant 0 : i32
          %dma_start3A_320 = tpu.memref_slice %arg6[%dma_start3A_318, %dma_start3A_319] : memref<8x125xi32, #tpu.memory_space<vmem>> -> memref<1x125xi32, #tpu.memory_space<vmem>>
          %dma_start3A_321 = tpu.memref_squeeze %dma_start3A_320 : memref<1x125xi32, #tpu.memory_space<vmem>> -> memref<125xi32, #tpu.memory_space<vmem>>
          %dma_start3A_322 = arith.constant 0 : i32
          %dma_start3A_323 = arith.constant 0 : i32
          %dma_start3A_324 = tpu.memref_slice %arg2[%dma_start3A_322, %dma_start3A_323] : memref<10000x128xf32, #tpu.memory_space<hbm>> -> memref<10000x128xf32, #tpu.memory_space<hbm>>
          tpu.enqueue_indirect_dma source(%dma_start3A_324 : memref<10000x128xf32, #tpu.memory_space<hbm>>) target(%arg9 : memref<125x128xf32, #tpu.memory_space<vmem>>) offsets(%dma_start3A_321 : memref<125xi32, #tpu.memory_space<vmem>>) semaphore(%arg12 : memref<!tpu.dma_semaphore, #tpu.memory_space<semaphore_mem>>)
        } else {
        }
        %dma_start3A_299 = arith.constant 7 : i32
        %dma_start3A_300 = arith.constant 0 : i32
        %dma_start3A_301 = tpu.memref_slice %arg7[%dma_start3A_299, %dma_start3A_300] : memref<8x125xi32, #tpu.memory_space<vmem>> -> memref<1x125xi32, #tpu.memory_space<vmem>>
        %dma_start3A_302 = tpu.memref_squeeze %dma_start3A_301 : memref<1x125xi32, #tpu.memory_space<vmem>> -> memref<125xi32, #tpu.memory_space<vmem>>
        %dma_start3A_303 = arith.constant 0 : i32
        %dma_start3A_304 = arith.constant 0 : i32
        %dma_start3A_305 = tpu.memref_slice %arg11[%dma_start3A_303, %dma_start3A_304] : memref<10112x128xf32, #tpu.memory_space<vmem_shared>> -> memref<10112x128xf32, #tpu.memory_space<vmem_shared>>
        tpu.enqueue_indirect_dma source(%arg10 : memref<125x128xf32, #tpu.memory_space<vmem>>) target(%dma_start3A_305 : memref<10112x128xf32, #tpu.memory_space<vmem_shared>>) offsets(%dma_start3A_302 : memref<125xi32, #tpu.memory_space<vmem>>) semaphore(%arg15 : memref<!tpu.dma_semaphore, #tpu.memory_space<semaphore_mem>>) {add = true}
      } else {
      }
      %not3A = arith.constant true
      %not3A_56 = arith.xori %eq3A_52, %not3A : i1
      %convert_element_type3A_57 = arith.extui %not3A_56 : i1 to i32
      %cond3A_58 = arith.constant 0 : i32
      %cond3A_59 = arith.cmpi ne, %convert_element_type3A_57, %cond3A_58 : i32
      scf.if %cond3A_59 {
        %add3A_60 = arith.constant 1 : i32
        %add3A_61 = arith.addi %scan3A_49, %add3A_60 : i32
        %lt3A_62 = arith.constant 10 : i32
        %lt3A_63 = arith.cmpi slt, %add3A_61, %lt3A_62 : i32
        %convert_element_type3A_64 = arith.extui %lt3A_63 : i1 to i32
        %cond3A_65 = arith.constant 0 : i32
        %cond3A_66 = arith.cmpi ne, %convert_element_type3A_64, %cond3A_65 : i32
        scf.if %cond3A_66 {
          %add3A_306 = arith.constant 1 : i32
          %add3A_307 = arith.addi %scan3A_49, %add3A_306 : i32
          %mul3A_308 = arith.constant 8 : i32
          %mul3A_309 = arith.muli %add3A_307, %mul3A_308 : i32
          %add3A_310 = arith.addi %mul3A_2, %mul3A_309 : i32
          %dma_start3A_311 = arith.constant 0 : i32
          %dma_start3A_312 = tpu.memref_slice %arg3[%add3A_310, %dma_start3A_311] : memref<5120x125xi32, #tpu.memory_space<hbm>> -> memref<8x125xi32, #tpu.memory_space<hbm>>
          %dma_start3A_313 = arith.constant 0 : i32
          %dma_start3A_314 = tpu.memref_slice %arg3[%add3A_310, %dma_start3A_313] : memref<5120x125xi32, #tpu.memory_space<hbm>> -> memref<8x125xi32, #tpu.memory_space<hbm>>
          tpu.enqueue_dma source(%dma_start3A_314 : memref<8x125xi32, #tpu.memory_space<hbm>>) target(%arg5 : memref<8x125xi32, #tpu.memory_space<vmem>>) target_semaphore(%arg16 : memref<!tpu.dma_semaphore, #tpu.memory_space<semaphore_mem>>)
          %add3A_315 = arith.constant 2560 : i32
          %add3A_316 = arith.addi %add3A_315, %mul3A_2 : i32
          %mul3A_317 = arith.constant 8 : i32
          %mul3A_318 = arith.muli %add3A_307, %mul3A_317 : i32
          %add3A_319 = arith.addi %add3A_316, %mul3A_318 : i32
          %dma_start3A_320 = arith.constant 0 : i32
          %dma_start3A_321 = tpu.memref_slice %arg3[%add3A_319, %dma_start3A_320] : memref<5120x125xi32, #tpu.memory_space<hbm>> -> memref<8x125xi32, #tpu.memory_space<hbm>>
          %dma_start3A_322 = arith.constant 0 : i32
          %dma_start3A_323 = tpu.memref_slice %arg3[%add3A_319, %dma_start3A_322] : memref<5120x125xi32, #tpu.memory_space<hbm>> -> memref<8x125xi32, #tpu.memory_space<hbm>>
          tpu.enqueue_dma source(%dma_start3A_323 : memref<8x125xi32, #tpu.memory_space<hbm>>) target(%arg7 : memref<8x125xi32, #tpu.memory_space<vmem>>) target_semaphore(%arg16 : memref<!tpu.dma_semaphore, #tpu.memory_space<semaphore_mem>>)
        } else {
        }
        %mul3A_67 = arith.constant 8 : i32
        %mul3A_68 = arith.muli %scan3A_49, %mul3A_67 : i32
        %add3A_69 = arith.constant 0 : i32
        %add3A_70 = arith.addi %mul3A_68, %add3A_69 : i32
        %dma_wait3A_71 = arith.constant 0 : i32
        %dma_wait3A_72 = arith.constant 0 : i32
        %dma_wait3A_73 = tpu.memref_slice %arg5[%dma_wait3A_71, %dma_wait3A_72] : memref<8x125xi32, #tpu.memory_space<vmem>> -> memref<1x125xi32, #tpu.memory_space<vmem>>
        %dma_wait3A_74 = tpu.memref_squeeze %dma_wait3A_73 : memref<1x125xi32, #tpu.memory_space<vmem>> -> memref<125xi32, #tpu.memory_space<vmem>>
        %dma_wait3A_75 = arith.constant 0 : i32
        %dma_wait3A_76 = arith.constant 0 : i32
        %dma_wait3A_77 = tpu.memref_slice %arg2[%dma_wait3A_75, %dma_wait3A_76] : memref<10000x128xf32, #tpu.memory_space<hbm>> -> memref<10000x128xf32, #tpu.memory_space<hbm>>
        tpu.wait_indirect_dma semaphore(%arg12 : memref<!tpu.dma_semaphore, #tpu.memory_space<semaphore_mem>>) src(%dma_wait3A_77 : memref<10000x128xf32, #tpu.memory_space<hbm>>) dst(%arg9 : memref<125x128xf32, #tpu.memory_space<vmem>>)
        %ge3A = arith.constant 1 : i32
        %ge3A_78 = arith.cmpi sge, %add3A_70, %ge3A : i32
        %convert_element_type3A_79 = arith.extui %ge3A_78 : i1 to i32
        %cond3A_80 = arith.constant 0 : i32
        %cond3A_81 = arith.cmpi ne, %convert_element_type3A_79, %cond3A_80 : i32
        scf.if %cond3A_81 {
          %dma_wait3A_306 = arith.constant 0 : i32
          %dma_wait3A_307 = arith.constant 0 : i32
          %dma_wait3A_308 = tpu.memref_slice %arg7[%dma_wait3A_306, %dma_wait3A_307] : memref<8x125xi32, #tpu.memory_space<vmem>> -> memref<1x125xi32, #tpu.memory_space<vmem>>
          %dma_wait3A_309 = tpu.memref_squeeze %dma_wait3A_308 : memref<1x125xi32, #tpu.memory_space<vmem>> -> memref<125xi32, #tpu.memory_space<vmem>>
          %dma_wait3A_310 = arith.constant 0 : i32
          %dma_wait3A_311 = arith.constant 0 : i32
          %dma_wait3A_312 = tpu.memref_slice %arg11[%dma_wait3A_310, %dma_wait3A_311] : memref<10112x128xf32, #tpu.memory_space<vmem_shared>> -> memref<10112x128xf32, #tpu.memory_space<vmem_shared>>
          tpu.wait_indirect_dma semaphore(%arg15 : memref<!tpu.dma_semaphore, #tpu.memory_space<semaphore_mem>>) src(%arg10 : memref<125x128xf32, #tpu.memory_space<vmem>>) dst(%dma_wait3A_312 : memref<10112x128xf32, #tpu.memory_space<vmem_shared>>)
        } else {
        }
        %dma_start3A_82 = arith.constant 1 : i32
        %dma_start3A_83 = arith.constant 0 : i32
        %dma_start3A_84 = tpu.memref_slice %arg6[%dma_start3A_82, %dma_start3A_83] : memref<8x125xi32, #tpu.memory_space<vmem>> -> memref<1x125xi32, #tpu.memory_space<vmem>>
        %dma_start3A_85 = tpu.memref_squeeze %dma_start3A_84 : memref<1x125xi32, #tpu.memory_space<vmem>> -> memref<125xi32, #tpu.memory_space<vmem>>
        %dma_start3A_86 = arith.constant 0 : i32
        %dma_start3A_87 = arith.constant 0 : i32
        %dma_start3A_88 = tpu.memref_slice %arg2[%dma_start3A_86, %dma_start3A_87] : memref<10000x128xf32, #tpu.memory_space<hbm>> -> memref<10000x128xf32, #tpu.memory_space<hbm>>
        tpu.enqueue_indirect_dma source(%dma_start3A_88 : memref<10000x128xf32, #tpu.memory_space<hbm>>) target(%arg10 : memref<125x128xf32, #tpu.memory_space<vmem>>) offsets(%dma_start3A_85 : memref<125xi32, #tpu.memory_space<vmem>>) semaphore(%arg13 : memref<!tpu.dma_semaphore, #tpu.memory_space<semaphore_mem>>)
        %dma_start3A_89 = arith.constant 0 : i32
        %dma_start3A_90 = arith.constant 0 : i32
        %dma_start3A_91 = tpu.memref_slice %arg8[%dma_start3A_89, %dma_start3A_90] : memref<8x125xi32, #tpu.memory_space<vmem>> -> memref<1x125xi32, #tpu.memory_space<vmem>>
        %dma_start3A_92 = tpu.memref_squeeze %dma_start3A_91 : memref<1x125xi32, #tpu.memory_space<vmem>> -> memref<125xi32, #tpu.memory_space<vmem>>
        %dma_start3A_93 = arith.constant 0 : i32
        %dma_start3A_94 = arith.constant 0 : i32
        %dma_start3A_95 = tpu.memref_slice %arg11[%dma_start3A_93, %dma_start3A_94] : memref<10112x128xf32, #tpu.memory_space<vmem_shared>> -> memref<10112x128xf32, #tpu.memory_space<vmem_shared>>
        tpu.enqueue_indirect_dma source(%arg9 : memref<125x128xf32, #tpu.memory_space<vmem>>) target(%dma_start3A_95 : memref<10112x128xf32, #tpu.memory_space<vmem_shared>>) offsets(%dma_start3A_92 : memref<125xi32, #tpu.memory_space<vmem>>) semaphore(%arg14 : memref<!tpu.dma_semaphore, #tpu.memory_space<semaphore_mem>>) {add = true}
        %mul3A_96 = arith.constant 8 : i32
        %mul3A_97 = arith.muli %scan3A_49, %mul3A_96 : i32
        %add3A_98 = arith.constant 1 : i32
        %add3A_99 = arith.addi %mul3A_97, %add3A_98 : i32
        %dma_wait3A_100 = arith.constant 0 : i32
        %dma_wait3A_101 = arith.constant 0 : i32
        %dma_wait3A_102 = tpu.memref_slice %arg5[%dma_wait3A_100, %dma_wait3A_101] : memref<8x125xi32, #tpu.memory_space<vmem>> -> memref<1x125xi32, #tpu.memory_space<vmem>>
        %dma_wait3A_103 = tpu.memref_squeeze %dma_wait3A_102 : memref<1x125xi32, #tpu.memory_space<vmem>> -> memref<125xi32, #tpu.memory_space<vmem>>
        %dma_wait3A_104 = arith.constant 0 : i32
        %dma_wait3A_105 = arith.constant 0 : i32
        %dma_wait3A_106 = tpu.memref_slice %arg2[%dma_wait3A_104, %dma_wait3A_105] : memref<10000x128xf32, #tpu.memory_space<hbm>> -> memref<10000x128xf32, #tpu.memory_space<hbm>>
        tpu.wait_indirect_dma semaphore(%arg13 : memref<!tpu.dma_semaphore, #tpu.memory_space<semaphore_mem>>) src(%dma_wait3A_106 : memref<10000x128xf32, #tpu.memory_space<hbm>>) dst(%arg10 : memref<125x128xf32, #tpu.memory_space<vmem>>)
        %ge3A_107 = arith.constant 1 : i32
        %ge3A_108 = arith.cmpi sge, %add3A_99, %ge3A_107 : i32
        %convert_element_type3A_109 = arith.extui %ge3A_108 : i1 to i32
        %cond3A_110 = arith.constant 0 : i32
        %cond3A_111 = arith.cmpi ne, %convert_element_type3A_109, %cond3A_110 : i32
        scf.if %cond3A_111 {
          %dma_wait3A_306 = arith.constant 0 : i32
          %dma_wait3A_307 = arith.constant 0 : i32
          %dma_wait3A_308 = tpu.memref_slice %arg7[%dma_wait3A_306, %dma_wait3A_307] : memref<8x125xi32, #tpu.memory_space<vmem>> -> memref<1x125xi32, #tpu.memory_space<vmem>>
          %dma_wait3A_309 = tpu.memref_squeeze %dma_wait3A_308 : memref<1x125xi32, #tpu.memory_space<vmem>> -> memref<125xi32, #tpu.memory_space<vmem>>
          %dma_wait3A_310 = arith.constant 0 : i32
          %dma_wait3A_311 = arith.constant 0 : i32
          %dma_wait3A_312 = tpu.memref_slice %arg11[%dma_wait3A_310, %dma_wait3A_311] : memref<10112x128xf32, #tpu.memory_space<vmem_shared>> -> memref<10112x128xf32, #tpu.memory_space<vmem_shared>>
          tpu.wait_indirect_dma semaphore(%arg14 : memref<!tpu.dma_semaphore, #tpu.memory_space<semaphore_mem>>) src(%arg9 : memref<125x128xf32, #tpu.memory_space<vmem>>) dst(%dma_wait3A_312 : memref<10112x128xf32, #tpu.memory_space<vmem_shared>>)
        } else {
        }
        %dma_start3A_112 = arith.constant 2 : i32
        %dma_start3A_113 = arith.constant 0 : i32
        %dma_start3A_114 = tpu.memref_slice %arg6[%dma_start3A_112, %dma_start3A_113] : memref<8x125xi32, #tpu.memory_space<vmem>> -> memref<1x125xi32, #tpu.memory_space<vmem>>
        %dma_start3A_115 = tpu.memref_squeeze %dma_start3A_114 : memref<1x125xi32, #tpu.memory_space<vmem>> -> memref<125xi32, #tpu.memory_space<vmem>>
        %dma_start3A_116 = arith.constant 0 : i32
        %dma_start3A_117 = arith.constant 0 : i32
        %dma_start3A_118 = tpu.memref_slice %arg2[%dma_start3A_116, %dma_start3A_117] : memref<10000x128xf32, #tpu.memory_space<hbm>> -> memref<10000x128xf32, #tpu.memory_space<hbm>>
        tpu.enqueue_indirect_dma source(%dma_start3A_118 : memref<10000x128xf32, #tpu.memory_space<hbm>>) target(%arg9 : memref<125x128xf32, #tpu.memory_space<vmem>>) offsets(%dma_start3A_115 : memref<125xi32, #tpu.memory_space<vmem>>) semaphore(%arg12 : memref<!tpu.dma_semaphore, #tpu.memory_space<semaphore_mem>>)
        %dma_start3A_119 = arith.constant 1 : i32
        %dma_start3A_120 = arith.constant 0 : i32
        %dma_start3A_121 = tpu.memref_slice %arg8[%dma_start3A_119, %dma_start3A_120] : memref<8x125xi32, #tpu.memory_space<vmem>> -> memref<1x125xi32, #tpu.memory_space<vmem>>
        %dma_start3A_122 = tpu.memref_squeeze %dma_start3A_121 : memref<1x125xi32, #tpu.memory_space<vmem>> -> memref<125xi32, #tpu.memory_space<vmem>>
        %dma_start3A_123 = arith.constant 0 : i32
        %dma_start3A_124 = arith.constant 0 : i32
        %dma_start3A_125 = tpu.memref_slice %arg11[%dma_start3A_123, %dma_start3A_124] : memref<10112x128xf32, #tpu.memory_space<vmem_shared>> -> memref<10112x128xf32, #tpu.memory_space<vmem_shared>>
        tpu.enqueue_indirect_dma source(%arg10 : memref<125x128xf32, #tpu.memory_space<vmem>>) target(%dma_start3A_125 : memref<10112x128xf32, #tpu.memory_space<vmem_shared>>) offsets(%dma_start3A_122 : memref<125xi32, #tpu.memory_space<vmem>>) semaphore(%arg15 : memref<!tpu.dma_semaphore, #tpu.memory_space<semaphore_mem>>) {add = true}
        %mul3A_126 = arith.constant 8 : i32
        %mul3A_127 = arith.muli %scan3A_49, %mul3A_126 : i32
        %add3A_128 = arith.constant 2 : i32
        %add3A_129 = arith.addi %mul3A_127, %add3A_128 : i32
        %dma_wait3A_130 = arith.constant 0 : i32
        %dma_wait3A_131 = arith.constant 0 : i32
        %dma_wait3A_132 = tpu.memref_slice %arg5[%dma_wait3A_130, %dma_wait3A_131] : memref<8x125xi32, #tpu.memory_space<vmem>> -> memref<1x125xi32, #tpu.memory_space<vmem>>
        %dma_wait3A_133 = tpu.memref_squeeze %dma_wait3A_132 : memref<1x125xi32, #tpu.memory_space<vmem>> -> memref<125xi32, #tpu.memory_space<vmem>>
        %dma_wait3A_134 = arith.constant 0 : i32
        %dma_wait3A_135 = arith.constant 0 : i32
        %dma_wait3A_136 = tpu.memref_slice %arg2[%dma_wait3A_134, %dma_wait3A_135] : memref<10000x128xf32, #tpu.memory_space<hbm>> -> memref<10000x128xf32, #tpu.memory_space<hbm>>
        tpu.wait_indirect_dma semaphore(%arg12 : memref<!tpu.dma_semaphore, #tpu.memory_space<semaphore_mem>>) src(%dma_wait3A_136 : memref<10000x128xf32, #tpu.memory_space<hbm>>) dst(%arg9 : memref<125x128xf32, #tpu.memory_space<vmem>>)
        %ge3A_137 = arith.constant 1 : i32
        %ge3A_138 = arith.cmpi sge, %add3A_129, %ge3A_137 : i32
        %convert_element_type3A_139 = arith.extui %ge3A_138 : i1 to i32
        %cond3A_140 = arith.constant 0 : i32
        %cond3A_141 = arith.cmpi ne, %convert_element_type3A_139, %cond3A_140 : i32
        scf.if %cond3A_141 {
          %dma_wait3A_306 = arith.constant 0 : i32
          %dma_wait3A_307 = arith.constant 0 : i32
          %dma_wait3A_308 = tpu.memref_slice %arg7[%dma_wait3A_306, %dma_wait3A_307] : memref<8x125xi32, #tpu.memory_space<vmem>> -> memref<1x125xi32, #tpu.memory_space<vmem>>
          %dma_wait3A_309 = tpu.memref_squeeze %dma_wait3A_308 : memref<1x125xi32, #tpu.memory_space<vmem>> -> memref<125xi32, #tpu.memory_space<vmem>>
          %dma_wait3A_310 = arith.constant 0 : i32
          %dma_wait3A_311 = arith.constant 0 : i32
          %dma_wait3A_312 = tpu.memref_slice %arg11[%dma_wait3A_310, %dma_wait3A_311] : memref<10112x128xf32, #tpu.memory_space<vmem_shared>> -> memref<10112x128xf32, #tpu.memory_space<vmem_shared>>
          tpu.wait_indirect_dma semaphore(%arg15 : memref<!tpu.dma_semaphore, #tpu.memory_space<semaphore_mem>>) src(%arg10 : memref<125x128xf32, #tpu.memory_space<vmem>>) dst(%dma_wait3A_312 : memref<10112x128xf32, #tpu.memory_space<vmem_shared>>)
        } else {
        }
        %dma_start3A_142 = arith.constant 3 : i32
        %dma_start3A_143 = arith.constant 0 : i32
        %dma_start3A_144 = tpu.memref_slice %arg6[%dma_start3A_142, %dma_start3A_143] : memref<8x125xi32, #tpu.memory_space<vmem>> -> memref<1x125xi32, #tpu.memory_space<vmem>>
        %dma_start3A_145 = tpu.memref_squeeze %dma_start3A_144 : memref<1x125xi32, #tpu.memory_space<vmem>> -> memref<125xi32, #tpu.memory_space<vmem>>
        %dma_start3A_146 = arith.constant 0 : i32
        %dma_start3A_147 = arith.constant 0 : i32
        %dma_start3A_148 = tpu.memref_slice %arg2[%dma_start3A_146, %dma_start3A_147] : memref<10000x128xf32, #tpu.memory_space<hbm>> -> memref<10000x128xf32, #tpu.memory_space<hbm>>
        tpu.enqueue_indirect_dma source(%dma_start3A_148 : memref<10000x128xf32, #tpu.memory_space<hbm>>) target(%arg10 : memref<125x128xf32, #tpu.memory_space<vmem>>) offsets(%dma_start3A_145 : memref<125xi32, #tpu.memory_space<vmem>>) semaphore(%arg13 : memref<!tpu.dma_semaphore, #tpu.memory_space<semaphore_mem>>)
        %dma_start3A_149 = arith.constant 2 : i32
        %dma_start3A_150 = arith.constant 0 : i32
        %dma_start3A_151 = tpu.memref_slice %arg8[%dma_start3A_149, %dma_start3A_150] : memref<8x125xi32, #tpu.memory_space<vmem>> -> memref<1x125xi32, #tpu.memory_space<vmem>>
        %dma_start3A_152 = tpu.memref_squeeze %dma_start3A_151 : memref<1x125xi32, #tpu.memory_space<vmem>> -> memref<125xi32, #tpu.memory_space<vmem>>
        %dma_start3A_153 = arith.constant 0 : i32
        %dma_start3A_154 = arith.constant 0 : i32
        %dma_start3A_155 = tpu.memref_slice %arg11[%dma_start3A_153, %dma_start3A_154] : memref<10112x128xf32, #tpu.memory_space<vmem_shared>> -> memref<10112x128xf32, #tpu.memory_space<vmem_shared>>
        tpu.enqueue_indirect_dma source(%arg9 : memref<125x128xf32, #tpu.memory_space<vmem>>) target(%dma_start3A_155 : memref<10112x128xf32, #tpu.memory_space<vmem_shared>>) offsets(%dma_start3A_152 : memref<125xi32, #tpu.memory_space<vmem>>) semaphore(%arg14 : memref<!tpu.dma_semaphore, #tpu.memory_space<semaphore_mem>>) {add = true}
        %mul3A_156 = arith.constant 8 : i32
        %mul3A_157 = arith.muli %scan3A_49, %mul3A_156 : i32
        %add3A_158 = arith.constant 3 : i32
        %add3A_159 = arith.addi %mul3A_157, %add3A_158 : i32
        %dma_wait3A_160 = arith.constant 0 : i32
        %dma_wait3A_161 = arith.constant 0 : i32
        %dma_wait3A_162 = tpu.memref_slice %arg5[%dma_wait3A_160, %dma_wait3A_161] : memref<8x125xi32, #tpu.memory_space<vmem>> -> memref<1x125xi32, #tpu.memory_space<vmem>>
        %dma_wait3A_163 = tpu.memref_squeeze %dma_wait3A_162 : memref<1x125xi32, #tpu.memory_space<vmem>> -> memref<125xi32, #tpu.memory_space<vmem>>
        %dma_wait3A_164 = arith.constant 0 : i32
        %dma_wait3A_165 = arith.constant 0 : i32
        %dma_wait3A_166 = tpu.memref_slice %arg2[%dma_wait3A_164, %dma_wait3A_165] : memref<10000x128xf32, #tpu.memory_space<hbm>> -> memref<10000x128xf32, #tpu.memory_space<hbm>>
        tpu.wait_indirect_dma semaphore(%arg13 : memref<!tpu.dma_semaphore, #tpu.memory_space<semaphore_mem>>) src(%dma_wait3A_166 : memref<10000x128xf32, #tpu.memory_space<hbm>>) dst(%arg10 : memref<125x128xf32, #tpu.memory_space<vmem>>)
        %ge3A_167 = arith.constant 1 : i32
        %ge3A_168 = arith.cmpi sge, %add3A_159, %ge3A_167 : i32
        %convert_element_type3A_169 = arith.extui %ge3A_168 : i1 to i32
        %cond3A_170 = arith.constant 0 : i32
        %cond3A_171 = arith.cmpi ne, %convert_element_type3A_169, %cond3A_170 : i32
        scf.if %cond3A_171 {
          %dma_wait3A_306 = arith.constant 0 : i32
          %dma_wait3A_307 = arith.constant 0 : i32
          %dma_wait3A_308 = tpu.memref_slice %arg7[%dma_wait3A_306, %dma_wait3A_307] : memref<8x125xi32, #tpu.memory_space<vmem>> -> memref<1x125xi32, #tpu.memory_space<vmem>>
          %dma_wait3A_309 = tpu.memref_squeeze %dma_wait3A_308 : memref<1x125xi32, #tpu.memory_space<vmem>> -> memref<125xi32, #tpu.memory_space<vmem>>
          %dma_wait3A_310 = arith.constant 0 : i32
          %dma_wait3A_311 = arith.constant 0 : i32
          %dma_wait3A_312 = tpu.memref_slice %arg11[%dma_wait3A_310, %dma_wait3A_311] : memref<10112x128xf32, #tpu.memory_space<vmem_shared>> -> memref<10112x128xf32, #tpu.memory_space<vmem_shared>>
          tpu.wait_indirect_dma semaphore(%arg14 : memref<!tpu.dma_semaphore, #tpu.memory_space<semaphore_mem>>) src(%arg9 : memref<125x128xf32, #tpu.memory_space<vmem>>) dst(%dma_wait3A_312 : memref<10112x128xf32, #tpu.memory_space<vmem_shared>>)
        } else {
        }
        %dma_start3A_172 = arith.constant 4 : i32
        %dma_start3A_173 = arith.constant 0 : i32
        %dma_start3A_174 = tpu.memref_slice %arg6[%dma_start3A_172, %dma_start3A_173] : memref<8x125xi32, #tpu.memory_space<vmem>> -> memref<1x125xi32, #tpu.memory_space<vmem>>
        %dma_start3A_175 = tpu.memref_squeeze %dma_start3A_174 : memref<1x125xi32, #tpu.memory_space<vmem>> -> memref<125xi32, #tpu.memory_space<vmem>>
        %dma_start3A_176 = arith.constant 0 : i32
        %dma_start3A_177 = arith.constant 0 : i32
        %dma_start3A_178 = tpu.memref_slice %arg2[%dma_start3A_176, %dma_start3A_177] : memref<10000x128xf32, #tpu.memory_space<hbm>> -> memref<10000x128xf32, #tpu.memory_space<hbm>>
        tpu.enqueue_indirect_dma source(%dma_start3A_178 : memref<10000x128xf32, #tpu.memory_space<hbm>>) target(%arg9 : memref<125x128xf32, #tpu.memory_space<vmem>>) offsets(%dma_start3A_175 : memref<125xi32, #tpu.memory_space<vmem>>) semaphore(%arg12 : memref<!tpu.dma_semaphore, #tpu.memory_space<semaphore_mem>>)
        %dma_start3A_179 = arith.constant 3 : i32
        %dma_start3A_180 = arith.constant 0 : i32
        %dma_start3A_181 = tpu.memref_slice %arg8[%dma_start3A_179, %dma_start3A_180] : memref<8x125xi32, #tpu.memory_space<vmem>> -> memref<1x125xi32, #tpu.memory_space<vmem>>
        %dma_start3A_182 = tpu.memref_squeeze %dma_start3A_181 : memref<1x125xi32, #tpu.memory_space<vmem>> -> memref<125xi32, #tpu.memory_space<vmem>>
        %dma_start3A_183 = arith.constant 0 : i32
        %dma_start3A_184 = arith.constant 0 : i32
        %dma_start3A_185 = tpu.memref_slice %arg11[%dma_start3A_183, %dma_start3A_184] : memref<10112x128xf32, #tpu.memory_space<vmem_shared>> -> memref<10112x128xf32, #tpu.memory_space<vmem_shared>>
        tpu.enqueue_indirect_dma source(%arg10 : memref<125x128xf32, #tpu.memory_space<vmem>>) target(%dma_start3A_185 : memref<10112x128xf32, #tpu.memory_space<vmem_shared>>) offsets(%dma_start3A_182 : memref<125xi32, #tpu.memory_space<vmem>>) semaphore(%arg15 : memref<!tpu.dma_semaphore, #tpu.memory_space<semaphore_mem>>) {add = true}
        %mul3A_186 = arith.constant 8 : i32
        %mul3A_187 = arith.muli %scan3A_49, %mul3A_186 : i32
        %add3A_188 = arith.constant 4 : i32
        %add3A_189 = arith.addi %mul3A_187, %add3A_188 : i32
        %dma_wait3A_190 = arith.constant 0 : i32
        %dma_wait3A_191 = arith.constant 0 : i32
        %dma_wait3A_192 = tpu.memref_slice %arg5[%dma_wait3A_190, %dma_wait3A_191] : memref<8x125xi32, #tpu.memory_space<vmem>> -> memref<1x125xi32, #tpu.memory_space<vmem>>
        %dma_wait3A_193 = tpu.memref_squeeze %dma_wait3A_192 : memref<1x125xi32, #tpu.memory_space<vmem>> -> memref<125xi32, #tpu.memory_space<vmem>>
        %dma_wait3A_194 = arith.constant 0 : i32
        %dma_wait3A_195 = arith.constant 0 : i32
        %dma_wait3A_196 = tpu.memref_slice %arg2[%dma_wait3A_194, %dma_wait3A_195] : memref<10000x128xf32, #tpu.memory_space<hbm>> -> memref<10000x128xf32, #tpu.memory_space<hbm>>
        tpu.wait_indirect_dma semaphore(%arg12 : memref<!tpu.dma_semaphore, #tpu.memory_space<semaphore_mem>>) src(%dma_wait3A_196 : memref<10000x128xf32, #tpu.memory_space<hbm>>) dst(%arg9 : memref<125x128xf32, #tpu.memory_space<vmem>>)
        %ge3A_197 = arith.constant 1 : i32
        %ge3A_198 = arith.cmpi sge, %add3A_189, %ge3A_197 : i32
        %convert_element_type3A_199 = arith.extui %ge3A_198 : i1 to i32
        %cond3A_200 = arith.constant 0 : i32
        %cond3A_201 = arith.cmpi ne, %convert_element_type3A_199, %cond3A_200 : i32
        scf.if %cond3A_201 {
          %dma_wait3A_306 = arith.constant 0 : i32
          %dma_wait3A_307 = arith.constant 0 : i32
          %dma_wait3A_308 = tpu.memref_slice %arg7[%dma_wait3A_306, %dma_wait3A_307] : memref<8x125xi32, #tpu.memory_space<vmem>> -> memref<1x125xi32, #tpu.memory_space<vmem>>
          %dma_wait3A_309 = tpu.memref_squeeze %dma_wait3A_308 : memref<1x125xi32, #tpu.memory_space<vmem>> -> memref<125xi32, #tpu.memory_space<vmem>>
          %dma_wait3A_310 = arith.constant 0 : i32
          %dma_wait3A_311 = arith.constant 0 : i32
          %dma_wait3A_312 = tpu.memref_slice %arg11[%dma_wait3A_310, %dma_wait3A_311] : memref<10112x128xf32, #tpu.memory_space<vmem_shared>> -> memref<10112x128xf32, #tpu.memory_space<vmem_shared>>
          tpu.wait_indirect_dma semaphore(%arg15 : memref<!tpu.dma_semaphore, #tpu.memory_space<semaphore_mem>>) src(%arg10 : memref<125x128xf32, #tpu.memory_space<vmem>>) dst(%dma_wait3A_312 : memref<10112x128xf32, #tpu.memory_space<vmem_shared>>)
        } else {
        }
        %dma_start3A_202 = arith.constant 5 : i32
        %dma_start3A_203 = arith.constant 0 : i32
        %dma_start3A_204 = tpu.memref_slice %arg6[%dma_start3A_202, %dma_start3A_203] : memref<8x125xi32, #tpu.memory_space<vmem>> -> memref<1x125xi32, #tpu.memory_space<vmem>>
        %dma_start3A_205 = tpu.memref_squeeze %dma_start3A_204 : memref<1x125xi32, #tpu.memory_space<vmem>> -> memref<125xi32, #tpu.memory_space<vmem>>
        %dma_start3A_206 = arith.constant 0 : i32
        %dma_start3A_207 = arith.constant 0 : i32
        %dma_start3A_208 = tpu.memref_slice %arg2[%dma_start3A_206, %dma_start3A_207] : memref<10000x128xf32, #tpu.memory_space<hbm>> -> memref<10000x128xf32, #tpu.memory_space<hbm>>
        tpu.enqueue_indirect_dma source(%dma_start3A_208 : memref<10000x128xf32, #tpu.memory_space<hbm>>) target(%arg10 : memref<125x128xf32, #tpu.memory_space<vmem>>) offsets(%dma_start3A_205 : memref<125xi32, #tpu.memory_space<vmem>>) semaphore(%arg13 : memref<!tpu.dma_semaphore, #tpu.memory_space<semaphore_mem>>)
        %dma_start3A_209 = arith.constant 4 : i32
        %dma_start3A_210 = arith.constant 0 : i32
        %dma_start3A_211 = tpu.memref_slice %arg8[%dma_start3A_209, %dma_start3A_210] : memref<8x125xi32, #tpu.memory_space<vmem>> -> memref<1x125xi32, #tpu.memory_space<vmem>>
        %dma_start3A_212 = tpu.memref_squeeze %dma_start3A_211 : memref<1x125xi32, #tpu.memory_space<vmem>> -> memref<125xi32, #tpu.memory_space<vmem>>
        %dma_start3A_213 = arith.constant 0 : i32
        %dma_start3A_214 = arith.constant 0 : i32
        %dma_start3A_215 = tpu.memref_slice %arg11[%dma_start3A_213, %dma_start3A_214] : memref<10112x128xf32, #tpu.memory_space<vmem_shared>> -> memref<10112x128xf32, #tpu.memory_space<vmem_shared>>
        tpu.enqueue_indirect_dma source(%arg9 : memref<125x128xf32, #tpu.memory_space<vmem>>) target(%dma_start3A_215 : memref<10112x128xf32, #tpu.memory_space<vmem_shared>>) offsets(%dma_start3A_212 : memref<125xi32, #tpu.memory_space<vmem>>) semaphore(%arg14 : memref<!tpu.dma_semaphore, #tpu.memory_space<semaphore_mem>>) {add = true}
        %mul3A_216 = arith.constant 8 : i32
        %mul3A_217 = arith.muli %scan3A_49, %mul3A_216 : i32
        %add3A_218 = arith.constant 5 : i32
        %add3A_219 = arith.addi %mul3A_217, %add3A_218 : i32
        %dma_wait3A_220 = arith.constant 0 : i32
        %dma_wait3A_221 = arith.constant 0 : i32
        %dma_wait3A_222 = tpu.memref_slice %arg5[%dma_wait3A_220, %dma_wait3A_221] : memref<8x125xi32, #tpu.memory_space<vmem>> -> memref<1x125xi32, #tpu.memory_space<vmem>>
        %dma_wait3A_223 = tpu.memref_squeeze %dma_wait3A_222 : memref<1x125xi32, #tpu.memory_space<vmem>> -> memref<125xi32, #tpu.memory_space<vmem>>
        %dma_wait3A_224 = arith.constant 0 : i32
        %dma_wait3A_225 = arith.constant 0 : i32
        %dma_wait3A_226 = tpu.memref_slice %arg2[%dma_wait3A_224, %dma_wait3A_225] : memref<10000x128xf32, #tpu.memory_space<hbm>> -> memref<10000x128xf32, #tpu.memory_space<hbm>>
        tpu.wait_indirect_dma semaphore(%arg13 : memref<!tpu.dma_semaphore, #tpu.memory_space<semaphore_mem>>) src(%dma_wait3A_226 : memref<10000x128xf32, #tpu.memory_space<hbm>>) dst(%arg10 : memref<125x128xf32, #tpu.memory_space<vmem>>)
        %ge3A_227 = arith.constant 1 : i32
        %ge3A_228 = arith.cmpi sge, %add3A_219, %ge3A_227 : i32
        %convert_element_type3A_229 = arith.extui %ge3A_228 : i1 to i32
        %cond3A_230 = arith.constant 0 : i32
        %cond3A_231 = arith.cmpi ne, %convert_element_type3A_229, %cond3A_230 : i32
        scf.if %cond3A_231 {
          %dma_wait3A_306 = arith.constant 0 : i32
          %dma_wait3A_307 = arith.constant 0 : i32
          %dma_wait3A_308 = tpu.memref_slice %arg7[%dma_wait3A_306, %dma_wait3A_307] : memref<8x125xi32, #tpu.memory_space<vmem>> -> memref<1x125xi32, #tpu.memory_space<vmem>>
          %dma_wait3A_309 = tpu.memref_squeeze %dma_wait3A_308 : memref<1x125xi32, #tpu.memory_space<vmem>> -> memref<125xi32, #tpu.memory_space<vmem>>
          %dma_wait3A_310 = arith.constant 0 : i32
          %dma_wait3A_311 = arith.constant 0 : i32
          %dma_wait3A_312 = tpu.memref_slice %arg11[%dma_wait3A_310, %dma_wait3A_311] : memref<10112x128xf32, #tpu.memory_space<vmem_shared>> -> memref<10112x128xf32, #tpu.memory_space<vmem_shared>>
          tpu.wait_indirect_dma semaphore(%arg14 : memref<!tpu.dma_semaphore, #tpu.memory_space<semaphore_mem>>) src(%arg9 : memref<125x128xf32, #tpu.memory_space<vmem>>) dst(%dma_wait3A_312 : memref<10112x128xf32, #tpu.memory_space<vmem_shared>>)
        } else {
        }
        %dma_start3A_232 = arith.constant 6 : i32
        %dma_start3A_233 = arith.constant 0 : i32
        %dma_start3A_234 = tpu.memref_slice %arg6[%dma_start3A_232, %dma_start3A_233] : memref<8x125xi32, #tpu.memory_space<vmem>> -> memref<1x125xi32, #tpu.memory_space<vmem>>
        %dma_start3A_235 = tpu.memref_squeeze %dma_start3A_234 : memref<1x125xi32, #tpu.memory_space<vmem>> -> memref<125xi32, #tpu.memory_space<vmem>>
        %dma_start3A_236 = arith.constant 0 : i32
        %dma_start3A_237 = arith.constant 0 : i32
        %dma_start3A_238 = tpu.memref_slice %arg2[%dma_start3A_236, %dma_start3A_237] : memref<10000x128xf32, #tpu.memory_space<hbm>> -> memref<10000x128xf32, #tpu.memory_space<hbm>>
        tpu.enqueue_indirect_dma source(%dma_start3A_238 : memref<10000x128xf32, #tpu.memory_space<hbm>>) target(%arg9 : memref<125x128xf32, #tpu.memory_space<vmem>>) offsets(%dma_start3A_235 : memref<125xi32, #tpu.memory_space<vmem>>) semaphore(%arg12 : memref<!tpu.dma_semaphore, #tpu.memory_space<semaphore_mem>>)
        %dma_start3A_239 = arith.constant 5 : i32
        %dma_start3A_240 = arith.constant 0 : i32
        %dma_start3A_241 = tpu.memref_slice %arg8[%dma_start3A_239, %dma_start3A_240] : memref<8x125xi32, #tpu.memory_space<vmem>> -> memref<1x125xi32, #tpu.memory_space<vmem>>
        %dma_start3A_242 = tpu.memref_squeeze %dma_start3A_241 : memref<1x125xi32, #tpu.memory_space<vmem>> -> memref<125xi32, #tpu.memory_space<vmem>>
        %dma_start3A_243 = arith.constant 0 : i32
        %dma_start3A_244 = arith.constant 0 : i32
        %dma_start3A_245 = tpu.memref_slice %arg11[%dma_start3A_243, %dma_start3A_244] : memref<10112x128xf32, #tpu.memory_space<vmem_shared>> -> memref<10112x128xf32, #tpu.memory_space<vmem_shared>>
        tpu.enqueue_indirect_dma source(%arg10 : memref<125x128xf32, #tpu.memory_space<vmem>>) target(%dma_start3A_245 : memref<10112x128xf32, #tpu.memory_space<vmem_shared>>) offsets(%dma_start3A_242 : memref<125xi32, #tpu.memory_space<vmem>>) semaphore(%arg15 : memref<!tpu.dma_semaphore, #tpu.memory_space<semaphore_mem>>) {add = true}
        %mul3A_246 = arith.constant 8 : i32
        %mul3A_247 = arith.muli %scan3A_49, %mul3A_246 : i32
        %add3A_248 = arith.constant 6 : i32
        %add3A_249 = arith.addi %mul3A_247, %add3A_248 : i32
        %dma_wait3A_250 = arith.constant 0 : i32
        %dma_wait3A_251 = arith.constant 0 : i32
        %dma_wait3A_252 = tpu.memref_slice %arg5[%dma_wait3A_250, %dma_wait3A_251] : memref<8x125xi32, #tpu.memory_space<vmem>> -> memref<1x125xi32, #tpu.memory_space<vmem>>
        %dma_wait3A_253 = tpu.memref_squeeze %dma_wait3A_252 : memref<1x125xi32, #tpu.memory_space<vmem>> -> memref<125xi32, #tpu.memory_space<vmem>>
        %dma_wait3A_254 = arith.constant 0 : i32
        %dma_wait3A_255 = arith.constant 0 : i32
        %dma_wait3A_256 = tpu.memref_slice %arg2[%dma_wait3A_254, %dma_wait3A_255] : memref<10000x128xf32, #tpu.memory_space<hbm>> -> memref<10000x128xf32, #tpu.memory_space<hbm>>
        tpu.wait_indirect_dma semaphore(%arg12 : memref<!tpu.dma_semaphore, #tpu.memory_space<semaphore_mem>>) src(%dma_wait3A_256 : memref<10000x128xf32, #tpu.memory_space<hbm>>) dst(%arg9 : memref<125x128xf32, #tpu.memory_space<vmem>>)
        %ge3A_257 = arith.constant 1 : i32
        %ge3A_258 = arith.cmpi sge, %add3A_249, %ge3A_257 : i32
        %convert_element_type3A_259 = arith.extui %ge3A_258 : i1 to i32
        %cond3A_260 = arith.constant 0 : i32
        %cond3A_261 = arith.cmpi ne, %convert_element_type3A_259, %cond3A_260 : i32
        scf.if %cond3A_261 {
          %dma_wait3A_306 = arith.constant 0 : i32
          %dma_wait3A_307 = arith.constant 0 : i32
          %dma_wait3A_308 = tpu.memref_slice %arg7[%dma_wait3A_306, %dma_wait3A_307] : memref<8x125xi32, #tpu.memory_space<vmem>> -> memref<1x125xi32, #tpu.memory_space<vmem>>
          %dma_wait3A_309 = tpu.memref_squeeze %dma_wait3A_308 : memref<1x125xi32, #tpu.memory_space<vmem>> -> memref<125xi32, #tpu.memory_space<vmem>>
          %dma_wait3A_310 = arith.constant 0 : i32
          %dma_wait3A_311 = arith.constant 0 : i32
          %dma_wait3A_312 = tpu.memref_slice %arg11[%dma_wait3A_310, %dma_wait3A_311] : memref<10112x128xf32, #tpu.memory_space<vmem_shared>> -> memref<10112x128xf32, #tpu.memory_space<vmem_shared>>
          tpu.wait_indirect_dma semaphore(%arg15 : memref<!tpu.dma_semaphore, #tpu.memory_space<semaphore_mem>>) src(%arg10 : memref<125x128xf32, #tpu.memory_space<vmem>>) dst(%dma_wait3A_312 : memref<10112x128xf32, #tpu.memory_space<vmem_shared>>)
        } else {
        }
        %dma_start3A_262 = arith.constant 7 : i32
        %dma_start3A_263 = arith.constant 0 : i32
        %dma_start3A_264 = tpu.memref_slice %arg6[%dma_start3A_262, %dma_start3A_263] : memref<8x125xi32, #tpu.memory_space<vmem>> -> memref<1x125xi32, #tpu.memory_space<vmem>>
        %dma_start3A_265 = tpu.memref_squeeze %dma_start3A_264 : memref<1x125xi32, #tpu.memory_space<vmem>> -> memref<125xi32, #tpu.memory_space<vmem>>
        %dma_start3A_266 = arith.constant 0 : i32
        %dma_start3A_267 = arith.constant 0 : i32
        %dma_start3A_268 = tpu.memref_slice %arg2[%dma_start3A_266, %dma_start3A_267] : memref<10000x128xf32, #tpu.memory_space<hbm>> -> memref<10000x128xf32, #tpu.memory_space<hbm>>
        tpu.enqueue_indirect_dma source(%dma_start3A_268 : memref<10000x128xf32, #tpu.memory_space<hbm>>) target(%arg10 : memref<125x128xf32, #tpu.memory_space<vmem>>) offsets(%dma_start3A_265 : memref<125xi32, #tpu.memory_space<vmem>>) semaphore(%arg13 : memref<!tpu.dma_semaphore, #tpu.memory_space<semaphore_mem>>)
        %dma_start3A_269 = arith.constant 6 : i32
        %dma_start3A_270 = arith.constant 0 : i32
        %dma_start3A_271 = tpu.memref_slice %arg8[%dma_start3A_269, %dma_start3A_270] : memref<8x125xi32, #tpu.memory_space<vmem>> -> memref<1x125xi32, #tpu.memory_space<vmem>>
        %dma_start3A_272 = tpu.memref_squeeze %dma_start3A_271 : memref<1x125xi32, #tpu.memory_space<vmem>> -> memref<125xi32, #tpu.memory_space<vmem>>
        %dma_start3A_273 = arith.constant 0 : i32
        %dma_start3A_274 = arith.constant 0 : i32
        %dma_start3A_275 = tpu.memref_slice %arg11[%dma_start3A_273, %dma_start3A_274] : memref<10112x128xf32, #tpu.memory_space<vmem_shared>> -> memref<10112x128xf32, #tpu.memory_space<vmem_shared>>
        tpu.enqueue_indirect_dma source(%arg9 : memref<125x128xf32, #tpu.memory_space<vmem>>) target(%dma_start3A_275 : memref<10112x128xf32, #tpu.memory_space<vmem_shared>>) offsets(%dma_start3A_272 : memref<125xi32, #tpu.memory_space<vmem>>) semaphore(%arg14 : memref<!tpu.dma_semaphore, #tpu.memory_space<semaphore_mem>>) {add = true}
        %mul3A_276 = arith.constant 8 : i32
        %mul3A_277 = arith.muli %scan3A_49, %mul3A_276 : i32
        %add3A_278 = arith.constant 7 : i32
        %add3A_279 = arith.addi %mul3A_277, %add3A_278 : i32
        %dma_wait3A_280 = arith.constant 0 : i32
        %dma_wait3A_281 = arith.constant 0 : i32
        %dma_wait3A_282 = tpu.memref_slice %arg5[%dma_wait3A_280, %dma_wait3A_281] : memref<8x125xi32, #tpu.memory_space<vmem>> -> memref<1x125xi32, #tpu.memory_space<vmem>>
        %dma_wait3A_283 = tpu.memref_squeeze %dma_wait3A_282 : memref<1x125xi32, #tpu.memory_space<vmem>> -> memref<125xi32, #tpu.memory_space<vmem>>
        %dma_wait3A_284 = arith.constant 0 : i32
        %dma_wait3A_285 = arith.constant 0 : i32
        %dma_wait3A_286 = tpu.memref_slice %arg2[%dma_wait3A_284, %dma_wait3A_285] : memref<10000x128xf32, #tpu.memory_space<hbm>> -> memref<10000x128xf32, #tpu.memory_space<hbm>>
        tpu.wait_indirect_dma semaphore(%arg13 : memref<!tpu.dma_semaphore, #tpu.memory_space<semaphore_mem>>) src(%dma_wait3A_286 : memref<10000x128xf32, #tpu.memory_space<hbm>>) dst(%arg10 : memref<125x128xf32, #tpu.memory_space<vmem>>)
        %ge3A_287 = arith.constant 1 : i32
        %ge3A_288 = arith.cmpi sge, %add3A_279, %ge3A_287 : i32
        %convert_element_type3A_289 = arith.extui %ge3A_288 : i1 to i32
        %cond3A_290 = arith.constant 0 : i32
        %cond3A_291 = arith.cmpi ne, %convert_element_type3A_289, %cond3A_290 : i32
        scf.if %cond3A_291 {
          %dma_wait3A_306 = arith.constant 0 : i32
          %dma_wait3A_307 = arith.constant 0 : i32
          %dma_wait3A_308 = tpu.memref_slice %arg7[%dma_wait3A_306, %dma_wait3A_307] : memref<8x125xi32, #tpu.memory_space<vmem>> -> memref<1x125xi32, #tpu.memory_space<vmem>>
          %dma_wait3A_309 = tpu.memref_squeeze %dma_wait3A_308 : memref<1x125xi32, #tpu.memory_space<vmem>> -> memref<125xi32, #tpu.memory_space<vmem>>
          %dma_wait3A_310 = arith.constant 0 : i32
          %dma_wait3A_311 = arith.constant 0 : i32
          %dma_wait3A_312 = tpu.memref_slice %arg11[%dma_wait3A_310, %dma_wait3A_311] : memref<10112x128xf32, #tpu.memory_space<vmem_shared>> -> memref<10112x128xf32, #tpu.memory_space<vmem_shared>>
          tpu.wait_indirect_dma semaphore(%arg14 : memref<!tpu.dma_semaphore, #tpu.memory_space<semaphore_mem>>) src(%arg9 : memref<125x128xf32, #tpu.memory_space<vmem>>) dst(%dma_wait3A_312 : memref<10112x128xf32, #tpu.memory_space<vmem_shared>>)
        } else {
        }
        %add3A_292 = arith.constant 1 : i32
        %add3A_293 = arith.addi %scan3A_49, %add3A_292 : i32
        %lt3A_294 = arith.constant 10 : i32
        %lt3A_295 = arith.cmpi slt, %add3A_293, %lt3A_294 : i32
        %convert_element_type3A_296 = arith.extui %lt3A_295 : i1 to i32
        %cond3A_297 = arith.constant 0 : i32
        %cond3A_298 = arith.cmpi ne, %convert_element_type3A_296, %cond3A_297 : i32
        scf.if %cond3A_298 {
          %dma_wait3A_306 = arith.constant 0 : i32
          %dma_wait3A_307 = arith.constant 0 : i32
          %dma_wait3A_308 = tpu.memref_slice %arg3[%dma_wait3A_306, %dma_wait3A_307] : memref<5120x125xi32, #tpu.memory_space<hbm>> -> memref<8x125xi32, #tpu.memory_space<hbm>>
          %dma_wait3A_309 = arith.constant 0 : i32
          %dma_wait3A_310 = arith.constant 0 : i32
          %dma_wait3A_311 = tpu.memref_slice %arg3[%dma_wait3A_309, %dma_wait3A_310] : memref<5120x125xi32, #tpu.memory_space<hbm>> -> memref<8x125xi32, #tpu.memory_space<hbm>>
          tpu.wait_dma2 semaphore(%arg16 : memref<!tpu.dma_semaphore, #tpu.memory_space<semaphore_mem>>) src(%dma_wait3A_311 : memref<8x125xi32, #tpu.memory_space<hbm>>) dst(%arg5 : memref<8x125xi32, #tpu.memory_space<vmem>>)
          %dma_wait3A_312 = arith.constant 0 : i32
          %dma_wait3A_313 = arith.constant 0 : i32
          %dma_wait3A_314 = tpu.memref_slice %arg3[%dma_wait3A_312, %dma_wait3A_313] : memref<5120x125xi32, #tpu.memory_space<hbm>> -> memref<8x125xi32, #tpu.memory_space<hbm>>
          %dma_wait3A_315 = arith.constant 0 : i32
          %dma_wait3A_316 = arith.constant 0 : i32
          %dma_wait3A_317 = tpu.memref_slice %arg3[%dma_wait3A_315, %dma_wait3A_316] : memref<5120x125xi32, #tpu.memory_space<hbm>> -> memref<8x125xi32, #tpu.memory_space<hbm>>
          tpu.wait_dma2 semaphore(%arg16 : memref<!tpu.dma_semaphore, #tpu.memory_space<semaphore_mem>>) src(%dma_wait3A_317 : memref<8x125xi32, #tpu.memory_space<hbm>>) dst(%arg7 : memref<8x125xi32, #tpu.memory_space<vmem>>)
          %dma_start3A_318 = arith.constant 0 : i32
          %dma_start3A_319 = arith.constant 0 : i32
          %dma_start3A_320 = tpu.memref_slice %arg5[%dma_start3A_318, %dma_start3A_319] : memref<8x125xi32, #tpu.memory_space<vmem>> -> memref<1x125xi32, #tpu.memory_space<vmem>>
          %dma_start3A_321 = tpu.memref_squeeze %dma_start3A_320 : memref<1x125xi32, #tpu.memory_space<vmem>> -> memref<125xi32, #tpu.memory_space<vmem>>
          %dma_start3A_322 = arith.constant 0 : i32
          %dma_start3A_323 = arith.constant 0 : i32
          %dma_start3A_324 = tpu.memref_slice %arg2[%dma_start3A_322, %dma_start3A_323] : memref<10000x128xf32, #tpu.memory_space<hbm>> -> memref<10000x128xf32, #tpu.memory_space<hbm>>
          tpu.enqueue_indirect_dma source(%dma_start3A_324 : memref<10000x128xf32, #tpu.memory_space<hbm>>) target(%arg9 : memref<125x128xf32, #tpu.memory_space<vmem>>) offsets(%dma_start3A_321 : memref<125xi32, #tpu.memory_space<vmem>>) semaphore(%arg12 : memref<!tpu.dma_semaphore, #tpu.memory_space<semaphore_mem>>)
        } else {
        }
        %dma_start3A_299 = arith.constant 7 : i32
        %dma_start3A_300 = arith.constant 0 : i32
        %dma_start3A_301 = tpu.memref_slice %arg8[%dma_start3A_299, %dma_start3A_300] : memref<8x125xi32, #tpu.memory_space<vmem>> -> memref<1x125xi32, #tpu.memory_space<vmem>>
        %dma_start3A_302 = tpu.memref_squeeze %dma_start3A_301 : memref<1x125xi32, #tpu.memory_space<vmem>> -> memref<125xi32, #tpu.memory_space<vmem>>
        %dma_start3A_303 = arith.constant 0 : i32
        %dma_start3A_304 = arith.constant 0 : i32
        %dma_start3A_305 = tpu.memref_slice %arg11[%dma_start3A_303, %dma_start3A_304] : memref<10112x128xf32, #tpu.memory_space<vmem_shared>> -> memref<10112x128xf32, #tpu.memory_space<vmem_shared>>
        tpu.enqueue_indirect_dma source(%arg10 : memref<125x128xf32, #tpu.memory_space<vmem>>) target(%dma_start3A_305 : memref<10112x128xf32, #tpu.memory_space<vmem_shared>>) offsets(%dma_start3A_302 : memref<125xi32, #tpu.memory_space<vmem>>) semaphore(%arg15 : memref<!tpu.dma_semaphore, #tpu.memory_space<semaphore_mem>>) {add = true}
      } else {
      }
    }
    %scan3A_35 = arith.constant 10 : i32
    %dma_wait3A = arith.constant 0 : i32
    %dma_wait3A_36 = arith.constant 0 : i32
    %dma_wait3A_37 = tpu.memref_slice %arg7[%dma_wait3A, %dma_wait3A_36] : memref<8x125xi32, #tpu.memory_space<vmem>> -> memref<1x125xi32, #tpu.memory_space<vmem>>
    %dma_wait3A_38 = tpu.memref_squeeze %dma_wait3A_37 : memref<1x125xi32, #tpu.memory_space<vmem>> -> memref<125xi32, #tpu.memory_space<vmem>>
    %dma_wait3A_39 = arith.constant 0 : i32
    %dma_wait3A_40 = arith.constant 0 : i32
    %dma_wait3A_41 = tpu.memref_slice %arg11[%dma_wait3A_39, %dma_wait3A_40] : memref<10112x128xf32, #tpu.memory_space<vmem_shared>> -> memref<10112x128xf32, #tpu.memory_space<vmem_shared>>
    tpu.wait_indirect_dma semaphore(%arg15 : memref<!tpu.dma_semaphore, #tpu.memory_space<semaphore_mem>>) src(%arg10 : memref<125x128xf32, #tpu.memory_space<vmem>>) dst(%dma_wait3A_41 : memref<10112x128xf32, #tpu.memory_space<vmem_shared>>)
    %barrier3A_42 = arith.constant 0 : index
    tpu.barrier barrier_id(%barrier3A_42)
    %lt3A = arith.constant 15 : i32
    %lt3A_43 = arith.cmpi slt, %arg1, %lt3A : i32
    %convert_element_type3A = arith.extui %lt3A_43 : i1 to i32
    %cond3A = arith.constant 0 : i32
    %cond3A_44 = arith.cmpi ne, %convert_element_type3A, %cond3A : i32
    scf.if %cond3A_44 {
      "tpu.region"() ({
        %run_scoped3A = tpu.sem_alloc : memref<!tpu.dma_semaphore, #tpu.memory_space<semaphore_mem>>
        %dma_start3A_49 = arith.constant 0 : i32
        %dma_start3A_50 = tpu.memref_slice %arg4[%arg0, %mul3A_9, %dma_start3A_49] : memref<2x10000x128xf32, #tpu.memory_space<hbm>> -> memref<1x632x128xf32, #tpu.memory_space<hbm>>
        %dma_start3A_51 = tpu.memref_squeeze %dma_start3A_50 : memref<1x632x128xf32, #tpu.memory_space<hbm>> -> memref<632x128xf32, #tpu.memory_space<hbm>>
        %dma_start3A_52 = arith.constant 0 : i32
        %dma_start3A_53 = tpu.memref_slice %arg11[%mul3A_9, %dma_start3A_52] : memref<10112x128xf32, #tpu.memory_space<vmem_shared>> -> memref<632x128xf32, #tpu.memory_space<vmem_shared>>
        tpu.enqueue_dma source(%dma_start3A_53 : memref<632x128xf32, #tpu.memory_space<vmem_shared>>) target(%dma_start3A_51 : memref<632x128xf32, #tpu.memory_space<hbm>>) target_semaphore(%run_scoped3A : memref<!tpu.dma_semaphore, #tpu.memory_space<semaphore_mem>>)
        %dma_wait3A_54 = arith.constant 0 : i32
        %dma_wait3A_55 = tpu.memref_slice %arg4[%arg0, %mul3A_9, %dma_wait3A_54] : memref<2x10000x128xf32, #tpu.memory_space<hbm>> -> memref<1x632x128xf32, #tpu.memory_space<hbm>>
        %dma_wait3A_56 = tpu.memref_squeeze %dma_wait3A_55 : memref<1x632x128xf32, #tpu.memory_space<hbm>> -> memref<632x128xf32, #tpu.memory_space<hbm>>
        %dma_wait3A_57 = arith.constant 0 : i32
        %dma_wait3A_58 = tpu.memref_slice %arg11[%mul3A_9, %dma_wait3A_57] : memref<10112x128xf32, #tpu.memory_space<vmem_shared>> -> memref<632x128xf32, #tpu.memory_space<vmem_shared>>
        tpu.wait_dma2 semaphore(%run_scoped3A : memref<!tpu.dma_semaphore, #tpu.memory_space<semaphore_mem>>) src(%dma_wait3A_58 : memref<632x128xf32, #tpu.memory_space<vmem_shared>>) dst(%dma_wait3A_56 : memref<632x128xf32, #tpu.memory_space<hbm>>)
        tpu.yield
      }) : () -> ()
    } else {
    }
    %eq3A = arith.constant 15 : i32
    %eq3A_45 = arith.cmpi eq, %arg1, %eq3A : i32
    %convert_element_type3A_46 = arith.extui %eq3A_45 : i1 to i32
    %cond3A_47 = arith.constant 0 : i32
    %cond3A_48 = arith.cmpi ne, %convert_element_type3A_46, %cond3A_47 : i32
    scf.if %cond3A_48 {
      "tpu.region"() ({
        %run_scoped3A = tpu.sem_alloc : memref<!tpu.dma_semaphore, #tpu.memory_space<semaphore_mem>>
        %dma_start3A_49 = arith.constant 0 : i32
        %dma_start3A_50 = tpu.memref_slice %arg4[%arg0, %mul3A_9, %dma_start3A_49] : memref<2x10000x128xf32, #tpu.memory_space<hbm>> -> memref<1x520x128xf32, #tpu.memory_space<hbm>>
        %dma_start3A_51 = tpu.memref_squeeze %dma_start3A_50 : memref<1x520x128xf32, #tpu.memory_space<hbm>> -> memref<520x128xf32, #tpu.memory_space<hbm>>
        %dma_start3A_52 = arith.constant 0 : i32
        %dma_start3A_53 = tpu.memref_slice %arg11[%mul3A_9, %dma_start3A_52] : memref<10112x128xf32, #tpu.memory_space<vmem_shared>> -> memref<520x128xf32, #tpu.memory_space<vmem_shared>>
        tpu.enqueue_dma source(%dma_start3A_53 : memref<520x128xf32, #tpu.memory_space<vmem_shared>>) target(%dma_start3A_51 : memref<520x128xf32, #tpu.memory_space<hbm>>) target_semaphore(%run_scoped3A : memref<!tpu.dma_semaphore, #tpu.memory_space<semaphore_mem>>)
        %dma_wait3A_54 = arith.constant 0 : i32
        %dma_wait3A_55 = tpu.memref_slice %arg4[%arg0, %mul3A_9, %dma_wait3A_54] : memref<2x10000x128xf32, #tpu.memory_space<hbm>> -> memref<1x520x128xf32, #tpu.memory_space<hbm>>
        %dma_wait3A_56 = tpu.memref_squeeze %dma_wait3A_55 : memref<1x520x128xf32, #tpu.memory_space<hbm>> -> memref<520x128xf32, #tpu.memory_space<hbm>>
        %dma_wait3A_57 = arith.constant 0 : i32
        %dma_wait3A_58 = tpu.memref_slice %arg11[%mul3A_9, %dma_wait3A_57] : memref<10112x128xf32, #tpu.memory_space<vmem_shared>> -> memref<520x128xf32, #tpu.memory_space<vmem_shared>>
        tpu.wait_dma2 semaphore(%run_scoped3A : memref<!tpu.dma_semaphore, #tpu.memory_space<semaphore_mem>>) src(%dma_wait3A_58 : memref<520x128xf32, #tpu.memory_space<vmem_shared>>) dst(%dma_wait3A_56 : memref<520x128xf32, #tpu.memory_space<hbm>>)
        tpu.yield
      }) : () -> ()
    } else {
    }
    return
  }
}

module attributes {stable_mosaic.version = 14 : i64} {
  func.func @body(%arg0: memref<10000x128xf32, #tpu.memory_space<vmem>>, %arg1: memref<2x10000x128xf32, #tpu.memory_space<vmem>>, %arg2: memref<1x1xf32, #tpu.memory_space<smem>>, %arg3: memref<128x128xf32, #tpu.memory_space<vmem>>, %arg4: memref<1x128xf32, #tpu.memory_space<vmem>>, %arg5: memref<1x128xf32, #tpu.memory_space<vmem>>, %arg6: memref<1x128xf32, #tpu.memory_space<vmem>>, %arg7: memref<128x128xf32, #tpu.memory_space<vmem>>, %arg8: memref<1x128xf32, #tpu.memory_space<vmem>>, %arg9: memref<10000x128xf32, #tpu.memory_space<vmem>>) attributes {dimension_semantics = [], scalar_prefetch = 0 : i64, scratch_operands = 0 : i64, tpu.core_type = #tpu.core_type<tc>} {
    %get3A = arith.constant 0 : index
    %get3A_0 = arith.constant 0 : index
    %get3A_1 = arith.constant 0 : index
    %get3A_2 = vector.load %arg1[%get3A, %get3A_0, %get3A_1] : memref<2x10000x128xf32, #tpu.memory_space<vmem>>, vector<1x10000x128xf32>
    %get3A_3 = vector.shape_cast %get3A_2 : vector<1x10000x128xf32> to vector<10000x128xf32>
    %get3A_4 = arith.constant 1 : index
    %get3A_5 = arith.constant 0 : index
    %get3A_6 = arith.constant 0 : index
    %get3A_7 = vector.load %arg1[%get3A_4, %get3A_5, %get3A_6] : memref<2x10000x128xf32, #tpu.memory_space<vmem>>, vector<1x10000x128xf32>
    %get3A_8 = vector.shape_cast %get3A_7 : vector<1x10000x128xf32> to vector<10000x128xf32>
    %add3A = arith.addf %get3A_3, %get3A_8 : vector<10000x128xf32>
    %get3A_9 = arith.constant 0 : index
    %get3A_10 = arith.constant 0 : index
    %get3A_11 = memref.load %arg2[%get3A_9, %get3A_10] : memref<1x1xf32, #tpu.memory_space<smem>>
    %add3A_12 = arith.constant 1.000000e+00 : f32
    %add3A_13 = arith.addf %add3A_12, %get3A_11 : f32
    %get3A_14 = arith.constant 0 : index
    %get3A_15 = arith.constant 0 : index
    %get3A_16 = vector.load %arg0[%get3A_14, %get3A_15] : memref<10000x128xf32, #tpu.memory_space<vmem>>, vector<10000x128xf32>
    %mul3A = vector.broadcast %add3A_13 : f32 to vector<10000x128xf32>
    %mul3A_17 = arith.mulf %mul3A, %get3A_16 : vector<10000x128xf32>
    %add3A_18 = arith.addf %mul3A_17, %add3A : vector<10000x128xf32>
    %get3A_19 = arith.constant 0 : index
    %get3A_20 = arith.constant 0 : index
    %get3A_21 = vector.load %arg3[%get3A_19, %get3A_20] : memref<128x128xf32, #tpu.memory_space<vmem>>, vector<128x128xf32>
    %dot_general3A = arith.constant dense<0.000000e+00> : vector<10000x128xf32>
    %dot_general3A_22 = tpu.matmul %add3A_18, %get3A_21, %dot_general3A {dimension_numbers = #tpu.dot_dimension_numbers<[1], [1], [0], [0], [0, 0, 1, 0], [], []>, transpose_lhs_hint = false} : vector<10000x128xf32>, vector<128x128xf32>, vector<10000x128xf32> -> vector<10000x128xf32>
    %get3A_23 = arith.constant 0 : index
    %get3A_24 = arith.constant 0 : index
    %get3A_25 = vector.load %arg4[%get3A_23, %get3A_24] : memref<1x128xf32, #tpu.memory_space<vmem>>, vector<1x128xf32>
    %add3A_26 = vector.broadcast %get3A_25 : vector<1x128xf32> to vector<10000x128xf32>
    %add3A_27 = arith.addf %dot_general3A_22, %add3A_26 : vector<10000x128xf32>
    %reduce_sum3A = arith.constant dense<0.000000e+00> : vector<128xf32>
    %reduce_sum3A_28 = vector.multi_reduction <add>, %add3A_27, %reduce_sum3A [0] : vector<10000x128xf32> to vector<128xf32>
    %broadcast_in_dim3A = vector.shape_cast %reduce_sum3A_28 : vector<128xf32> to vector<1x128xf32>
    %div3A = arith.constant 1.000000e+04 : f32
    %div3A_29 = vector.broadcast %div3A : f32 to vector<1x128xf32>
    %div3A_30 = arith.divf %broadcast_in_dim3A, %div3A_29 : vector<1x128xf32>
    %sub3A = vector.broadcast %div3A_30 : vector<1x128xf32> to vector<10000x128xf32>
    %sub3A_31 = arith.subf %add3A_27, %sub3A : vector<10000x128xf32>
    %square3A = arith.mulf %sub3A_31, %sub3A_31 : vector<10000x128xf32>
    %reduce_sum3A_32 = arith.constant dense<0.000000e+00> : vector<128xf32>
    %reduce_sum3A_33 = vector.multi_reduction <add>, %square3A, %reduce_sum3A_32 [0] : vector<10000x128xf32> to vector<128xf32>
    %broadcast_in_dim3A_34 = vector.shape_cast %reduce_sum3A_33 : vector<128xf32> to vector<1x128xf32>
    %div3A_35 = arith.constant 1.000000e+04 : f32
    %div3A_36 = vector.broadcast %div3A_35 : f32 to vector<1x128xf32>
    %div3A_37 = arith.divf %broadcast_in_dim3A_34, %div3A_36 : vector<1x128xf32>
    %sub3A_38 = vector.broadcast %div3A_30 : vector<1x128xf32> to vector<10000x128xf32>
    %sub3A_39 = arith.subf %add3A_27, %sub3A_38 : vector<10000x128xf32>
    %add3A_40 = arith.constant 9.99999974E-6 : f32
    %add3A_41 = vector.broadcast %add3A_40 : f32 to vector<1x128xf32>
    %add3A_42 = arith.addf %div3A_37, %add3A_41 : vector<1x128xf32>
    %rsqrt3A = math.rsqrt %add3A_42 : vector<1x128xf32>
    %mul3A_43 = vector.broadcast %rsqrt3A : vector<1x128xf32> to vector<10000x128xf32>
    %mul3A_44 = arith.mulf %sub3A_39, %mul3A_43 : vector<10000x128xf32>
    %get3A_45 = arith.constant 0 : index
    %get3A_46 = arith.constant 0 : index
    %get3A_47 = vector.load %arg5[%get3A_45, %get3A_46] : memref<1x128xf32, #tpu.memory_space<vmem>>, vector<1x128xf32>
    %mul3A_48 = vector.broadcast %get3A_47 : vector<1x128xf32> to vector<10000x128xf32>
    %mul3A_49 = arith.mulf %mul3A_44, %mul3A_48 : vector<10000x128xf32>
    %get3A_50 = arith.constant 0 : index
    %get3A_51 = arith.constant 0 : index
    %get3A_52 = vector.load %arg6[%get3A_50, %get3A_51] : memref<1x128xf32, #tpu.memory_space<vmem>>, vector<1x128xf32>
    %add3A_53 = vector.broadcast %get3A_52 : vector<1x128xf32> to vector<10000x128xf32>
    %add3A_54 = arith.addf %mul3A_49, %add3A_53 : vector<10000x128xf32>
    %max3A = arith.constant 0.000000e+00 : f32
    %max3A_55 = vector.broadcast %max3A : f32 to vector<10000x128xf32>
    %max3A_56 = arith.maximumf %add3A_54, %max3A_55 : vector<10000x128xf32>
    %get3A_57 = arith.constant 0 : index
    %get3A_58 = arith.constant 0 : index
    %get3A_59 = vector.load %arg7[%get3A_57, %get3A_58] : memref<128x128xf32, #tpu.memory_space<vmem>>, vector<128x128xf32>
    %dot_general3A_60 = arith.constant dense<0.000000e+00> : vector<10000x128xf32>
    %dot_general3A_61 = tpu.matmul %max3A_56, %get3A_59, %dot_general3A_60 {dimension_numbers = #tpu.dot_dimension_numbers<[1], [1], [0], [0], [0, 0, 1, 0], [], []>, transpose_lhs_hint = false} : vector<10000x128xf32>, vector<128x128xf32>, vector<10000x128xf32> -> vector<10000x128xf32>
    %get3A_62 = arith.constant 0 : index
    %get3A_63 = arith.constant 0 : index
    %get3A_64 = vector.load %arg8[%get3A_62, %get3A_63] : memref<1x128xf32, #tpu.memory_space<vmem>>, vector<1x128xf32>
    %add3A_65 = vector.broadcast %get3A_64 : vector<1x128xf32> to vector<10000x128xf32>
    %add3A_66 = arith.addf %dot_general3A_61, %add3A_65 : vector<10000x128xf32>
    %max3A_67 = arith.constant 0.000000e+00 : f32
    %max3A_68 = vector.broadcast %max3A_67 : f32 to vector<10000x128xf32>
    %max3A_69 = arith.maximumf %add3A_66, %max3A_68 : vector<10000x128xf32>
    %swap3A = arith.constant 0 : index
    %swap3A_70 = arith.constant 0 : index
    %swap3A_71 = vector.load %arg9[%swap3A, %swap3A_70] : memref<10000x128xf32, #tpu.memory_space<vmem>>, vector<10000x128xf32>
    tpu.vector_store %arg9[%swap3A, %swap3A_70], %max3A_69 {strides = array<i32>} : memref<10000x128xf32, #tpu.memory_space<vmem>>, vector<10000x128xf32>,
    return
  }
}

module attributes {stable_mosaic.version = 14 : i64} {
  func.func @body(%arg0: memref<10000x128xf32, #tpu.memory_space<vmem>>, %arg1: memref<128x128xf32, #tpu.memory_space<vmem>>, %arg2: memref<10000x128xf32, #tpu.memory_space<vmem>>) attributes {dimension_semantics = [], scalar_prefetch = 0 : i64, scratch_operands = 0 : i64, tpu.core_type = #tpu.core_type<tc>} {
    %get3A = arith.constant 0 : index
    %get3A_0 = arith.constant 0 : index
    %get3A_1 = vector.load %arg0[%get3A, %get3A_0] : memref<10000x128xf32, #tpu.memory_space<vmem>>, vector<10000x128xf32>
    %get3A_2 = arith.constant 0 : index
    %get3A_3 = arith.constant 0 : index
    %get3A_4 = vector.load %arg1[%get3A_2, %get3A_3] : memref<128x128xf32, #tpu.memory_space<vmem>>, vector<128x128xf32>
    %dot_general3A = arith.constant dense<0.000000e+00> : vector<10000x128xf32>
    %dot_general3A_5 = tpu.matmul %get3A_1, %get3A_4, %dot_general3A {dimension_numbers = #tpu.dot_dimension_numbers<[1], [1], [0], [0], [0, 0, 1, 0], [], []>, transpose_lhs_hint = false} : vector<10000x128xf32>, vector<128x128xf32>, vector<10000x128xf32> -> vector<10000x128xf32>
    %swap3A = arith.constant 0 : index
    %swap3A_6 = arith.constant 0 : index
    %swap3A_7 = vector.load %arg2[%swap3A, %swap3A_6] : memref<10000x128xf32, #tpu.memory_space<vmem>>, vector<10000x128xf32>
    tpu.vector_store %arg2[%swap3A, %swap3A_6], %dot_general3A_5 {strides = array<i32>} : memref<10000x128xf32, #tpu.memory_space<vmem>>, vector<10000x128xf32>,
    return
  }
}

module attributes {stable_mosaic.version = 14 : i64} {
  func.func @body(%arg0: memref<10000x128xf32, #tpu.memory_space<vmem>>, %arg1: memref<2x10000x128xf32, #tpu.memory_space<vmem>>, %arg2: memref<1x1xf32, #tpu.memory_space<smem>>, %arg3: memref<128x128xf32, #tpu.memory_space<vmem>>, %arg4: memref<1x128xf32, #tpu.memory_space<vmem>>, %arg5: memref<1x128xf32, #tpu.memory_space<vmem>>, %arg6: memref<1x128xf32, #tpu.memory_space<vmem>>, %arg7: memref<128x128xf32, #tpu.memory_space<vmem>>, %arg8: memref<1x128xf32, #tpu.memory_space<vmem>>, %arg9: memref<10000x128xf32, #tpu.memory_space<vmem>>) attributes {dimension_semantics = [], scalar_prefetch = 0 : i64, scratch_operands = 0 : i64, tpu.core_type = #tpu.core_type<tc>} {
    %get3A = arith.constant 0 : index
    %get3A_0 = arith.constant 0 : index
    %get3A_1 = arith.constant 0 : index
    %get3A_2 = vector.load %arg1[%get3A, %get3A_0, %get3A_1] : memref<2x10000x128xf32, #tpu.memory_space<vmem>>, vector<1x10000x128xf32>
    %get3A_3 = vector.shape_cast %get3A_2 : vector<1x10000x128xf32> to vector<10000x128xf32>
    %get3A_4 = arith.constant 1 : index
    %get3A_5 = arith.constant 0 : index
    %get3A_6 = arith.constant 0 : index
    %get3A_7 = vector.load %arg1[%get3A_4, %get3A_5, %get3A_6] : memref<2x10000x128xf32, #tpu.memory_space<vmem>>, vector<1x10000x128xf32>
    %get3A_8 = vector.shape_cast %get3A_7 : vector<1x10000x128xf32> to vector<10000x128xf32>
    %add3A = arith.addf %get3A_3, %get3A_8 : vector<10000x128xf32>
    %get3A_9 = arith.constant 0 : index
    %get3A_10 = arith.constant 0 : index
    %get3A_11 = memref.load %arg2[%get3A_9, %get3A_10] : memref<1x1xf32, #tpu.memory_space<smem>>
    %add3A_12 = arith.constant 1.000000e+00 : f32
    %add3A_13 = arith.addf %add3A_12, %get3A_11 : f32
    %get3A_14 = arith.constant 0 : index
    %get3A_15 = arith.constant 0 : index
    %get3A_16 = vector.load %arg0[%get3A_14, %get3A_15] : memref<10000x128xf32, #tpu.memory_space<vmem>>, vector<10000x128xf32>
    %mul3A = vector.broadcast %add3A_13 : f32 to vector<10000x128xf32>
    %mul3A_17 = arith.mulf %mul3A, %get3A_16 : vector<10000x128xf32>
    %add3A_18 = arith.addf %mul3A_17, %add3A : vector<10000x128xf32>
    %get3A_19 = arith.constant 0 : index
    %get3A_20 = arith.constant 0 : index
    %get3A_21 = vector.load %arg3[%get3A_19, %get3A_20] : memref<128x128xf32, #tpu.memory_space<vmem>>, vector<128x128xf32>
    %dot_general3A = arith.constant dense<0.000000e+00> : vector<10000x128xf32>
    %dot_general3A_22 = tpu.matmul %add3A_18, %get3A_21, %dot_general3A {dimension_numbers = #tpu.dot_dimension_numbers<[1], [1], [0], [0], [0, 0, 1, 0], [], []>, transpose_lhs_hint = false} : vector<10000x128xf32>, vector<128x128xf32>, vector<10000x128xf32> -> vector<10000x128xf32>
    %get3A_23 = arith.constant 0 : index
    %get3A_24 = arith.constant 0 : index
    %get3A_25 = vector.load %arg4[%get3A_23, %get3A_24] : memref<1x128xf32, #tpu.memory_space<vmem>>, vector<1x128xf32>
    %add3A_26 = vector.broadcast %get3A_25 : vector<1x128xf32> to vector<10000x128xf32>
    %add3A_27 = arith.addf %dot_general3A_22, %add3A_26 : vector<10000x128xf32>
    %reduce_sum3A = arith.constant dense<0.000000e+00> : vector<128xf32>
    %reduce_sum3A_28 = vector.multi_reduction <add>, %add3A_27, %reduce_sum3A [0] : vector<10000x128xf32> to vector<128xf32>
    %broadcast_in_dim3A = vector.shape_cast %reduce_sum3A_28 : vector<128xf32> to vector<1x128xf32>
    %div3A = arith.constant 1.000000e+04 : f32
    %div3A_29 = vector.broadcast %div3A : f32 to vector<1x128xf32>
    %div3A_30 = arith.divf %broadcast_in_dim3A, %div3A_29 : vector<1x128xf32>
    %sub3A = vector.broadcast %div3A_30 : vector<1x128xf32> to vector<10000x128xf32>
    %sub3A_31 = arith.subf %add3A_27, %sub3A : vector<10000x128xf32>
    %square3A = arith.mulf %sub3A_31, %sub3A_31 : vector<10000x128xf32>
    %reduce_sum3A_32 = arith.constant dense<0.000000e+00> : vector<128xf32>
    %reduce_sum3A_33 = vector.multi_reduction <add>, %square3A, %reduce_sum3A_32 [0] : vector<10000x128xf32> to vector<128xf32>
    %broadcast_in_dim3A_34 = vector.shape_cast %reduce_sum3A_33 : vector<128xf32> to vector<1x128xf32>
    %div3A_35 = arith.constant 1.000000e+04 : f32
    %div3A_36 = vector.broadcast %div3A_35 : f32 to vector<1x128xf32>
    %div3A_37 = arith.divf %broadcast_in_dim3A_34, %div3A_36 : vector<1x128xf32>
    %sub3A_38 = vector.broadcast %div3A_30 : vector<1x128xf32> to vector<10000x128xf32>
    %sub3A_39 = arith.subf %add3A_27, %sub3A_38 : vector<10000x128xf32>
    %add3A_40 = arith.constant 9.99999974E-6 : f32
    %add3A_41 = vector.broadcast %add3A_40 : f32 to vector<1x128xf32>
    %add3A_42 = arith.addf %div3A_37, %add3A_41 : vector<1x128xf32>
    %rsqrt3A = math.rsqrt %add3A_42 : vector<1x128xf32>
    %mul3A_43 = vector.broadcast %rsqrt3A : vector<1x128xf32> to vector<10000x128xf32>
    %mul3A_44 = arith.mulf %sub3A_39, %mul3A_43 : vector<10000x128xf32>
    %get3A_45 = arith.constant 0 : index
    %get3A_46 = arith.constant 0 : index
    %get3A_47 = vector.load %arg5[%get3A_45, %get3A_46] : memref<1x128xf32, #tpu.memory_space<vmem>>, vector<1x128xf32>
    %mul3A_48 = vector.broadcast %get3A_47 : vector<1x128xf32> to vector<10000x128xf32>
    %mul3A_49 = arith.mulf %mul3A_44, %mul3A_48 : vector<10000x128xf32>
    %get3A_50 = arith.constant 0 : index
    %get3A_51 = arith.constant 0 : index
    %get3A_52 = vector.load %arg6[%get3A_50, %get3A_51] : memref<1x128xf32, #tpu.memory_space<vmem>>, vector<1x128xf32>
    %add3A_53 = vector.broadcast %get3A_52 : vector<1x128xf32> to vector<10000x128xf32>
    %add3A_54 = arith.addf %mul3A_49, %add3A_53 : vector<10000x128xf32>
    %max3A = arith.constant 0.000000e+00 : f32
    %max3A_55 = vector.broadcast %max3A : f32 to vector<10000x128xf32>
    %max3A_56 = arith.maximumf %add3A_54, %max3A_55 : vector<10000x128xf32>
    %get3A_57 = arith.constant 0 : index
    %get3A_58 = arith.constant 0 : index
    %get3A_59 = vector.load %arg7[%get3A_57, %get3A_58] : memref<128x128xf32, #tpu.memory_space<vmem>>, vector<128x128xf32>
    %dot_general3A_60 = arith.constant dense<0.000000e+00> : vector<10000x128xf32>
    %dot_general3A_61 = tpu.matmul %max3A_56, %get3A_59, %dot_general3A_60 {dimension_numbers = #tpu.dot_dimension_numbers<[1], [1], [0], [0], [0, 0, 1, 0], [], []>, transpose_lhs_hint = false} : vector<10000x128xf32>, vector<128x128xf32>, vector<10000x128xf32> -> vector<10000x128xf32>
    %get3A_62 = arith.constant 0 : index
    %get3A_63 = arith.constant 0 : index
    %get3A_64 = vector.load %arg8[%get3A_62, %get3A_63] : memref<1x128xf32, #tpu.memory_space<vmem>>, vector<1x128xf32>
    %add3A_65 = vector.broadcast %get3A_64 : vector<1x128xf32> to vector<10000x128xf32>
    %add3A_66 = arith.addf %dot_general3A_61, %add3A_65 : vector<10000x128xf32>
    %max3A_67 = arith.constant 0.000000e+00 : f32
    %max3A_68 = vector.broadcast %max3A_67 : f32 to vector<10000x128xf32>
    %max3A_69 = arith.maximumf %add3A_66, %max3A_68 : vector<10000x128xf32>
    %swap3A = arith.constant 0 : index
    %swap3A_70 = arith.constant 0 : index
    %swap3A_71 = vector.load %arg9[%swap3A, %swap3A_70] : memref<10000x128xf32, #tpu.memory_space<vmem>>, vector<10000x128xf32>
    tpu.vector_store %arg9[%swap3A, %swap3A_70], %max3A_69 {strides = array<i32>} : memref<10000x128xf32, #tpu.memory_space<vmem>>, vector<10000x128xf32>,
    return
  }
}

</mosaic_0001>

<sc_bundles>
// kernel: kernel.10.cloned.1.call-start
scs
__scs_entry_jumppad:
0x0: {  	(pc) =	sbr.rel $0x88, $3  }
0x1: {  	(tag) =	ssettag $0x0;
	lr =	simm.s32 $0x1  }
0x2: {  	[smem:$0x3F90] =	sst lr;
	_ =	strace $0xD0000000  }
0x3: {  	_ = 	snop  }
0x4: {  	_ = 	snop  }
0x5: {  	_ = 	snop  }
0x6: {  	_ = 	snop  }
0x7: {  	_ = 	snop  }
__scs_overlays_trampoline_lowered:
0x8: {  	[smem:$0x3F9F] =	sst s0  }
0x9: {  	[smem:$0x3FA0] =	sst s1  }
0xa: {  	[smem:$0x3FA1] =	sst s2  }
0xb: {  	[smem:$0x3FA2] =	sst s3  }
0xc: {  	[smem:$0x3FA3] =	sst s4  }
0xd: {  	[smem:$0x3FA4] =	sst s5  }
0xe: {  	[smem:$0x3FA5] =	sst s6  }
0xf: {  	[smem:$0x3FA6] =	sst s7  }
0x10: {  	[smem:$0x3FA7] =	sst s8  }
0x11: {  	[smem:$0x3FA8] =	sst s9;
	s0 =	simm.s32 @!p0 $0x0  }
0x12: {  	s1 =	sld [smem:$0x3F8E];
	s0 =	simm.s32 @p0 $0x1  }
0x13: {  	[smem:$0x3FA9] =	sst s0;
	s0 =	simm.s32 @!p1 $0x0  }
0x14: {  	s2 =	sld [smem:$0x3F8D];
	s0 =	simm.s32 @p1 $0x1  }
0x15: {  	[smem:$0x3FAA] =	sst s0;
	s0 =	simm.s32 @!p2 $0x0  }
0x16: {  	s3 =	sld [smem:$0x3FDB];
	s0 =	simm.s32 @p2 $0x1  }
0x17: {  	s4 =	simm.s32 $0x1BF5;
	[smem:$0x3FAC] =	sst s0  }
0x18: {  	s0 =	sld [smem:$0x3F8F];
	_ =	swait.ge [sflag:s4], $0x0  }
0x19: {  	s7 =	sld [smem:$0x3F90]  }
0x1a: {  	s8 =	sadd.s32 $0xFFFFE003, lr  }
0x1b: {  	s9 =	sadd.s32 $0xFFFFFEF7, lr;
	s5 =	simm.s32 $0xFFFFFFFF;
	p2 =	slt.u32 s8, $0xFFFFF086  }
0x1c: {  	p1 =	slt.u32 s9, $0xF7A;
	s5 =	simm.s32 @!p2 $0x0  }
0x1d: {  	s5 =	simm.s32 @p1 $0x1;
	p0 =	seq.s32 s7, s2  }
0x1e: {  	s7 =	smul.u32 @!p0 $0xF7A, s2;
	p2 =	seq.s32 @!p0 s5, $0x0  }
0x1f: {  	s9 =	smul.u32 $0xF7A, s1;
	s8 =	simm.s32 @!p0 $0x1BF5;
	p2 =	por !p2, p0  }
0x20: {  	[sflag:s8] =	ssyncset.s32 @!p0 $0xFFFFF086;
	s6 =	sadd.s32 @!p0 s3, s7;
	s7 =	simm.s32 @!p0 $0x108  }
0x21: {  	s3 =	sadd.s32 s3, s9;
	s6 =	sadd.s32 @!p0 $0x88, s6;
	s7 =	simm.s32 @p2 $0x1082  }
0x22: {  	[simem:s7], [sflag:s8] =	dma.local @!p0 [hbm:s6], $0xF7A  }
0x23: {  	s9 =	sor.u32 $0xD0000000, s2;
	s6 =	simm.s32 $0x108;
	_ =	swait.ge @!p0 [sflag:s8], $0x0  }
0x24: {  	s3 =	sadd.s32 $0x88, s3;
	s6 =	simm.s32 @!p1 $0x1082;
	[sflag:s4] =	ssyncset.s32 $0xFFFFF086  }
0x25: {  	[simem:s6], [sflag:s4] =	dma.local [hbm:s3], $0xF7A  }
0x26: {  	[smem:$0x3F90] =	sst s1;
	(tag) =	ssettag s2;
	_ =	strace s9  }
0x27: {  	s1 =	sld [smem:$0x3FA0]  }
0x28: {  	s2 =	sld [smem:$0x3FA1]  }
0x29: {  	s4 =	sld [smem:$0x3FA3]  }
0x2a: {  	p0 =	seq.s32 s5, $0x0;
	s5 =	sld [smem:$0x3FA4]  }
0x2b: {  	s6 =	sld [smem:$0x3FA5]  }
0x2c: {  	s7 =	sld [smem:$0x3FA6]  }
0x2d: {  	s3 =	simm.s32 $0x108;
	s8 =	sld [smem:$0x3FA7]  }
0x2e: {  	s3 =	simm.s32 @!p0 $0x1082;
	s9 =	sld [smem:$0x3FA8]  }
0x2f: {  	lr =	sadd.s32 s0, s3;
	s0 =	sld [smem:$0x3F9F]  }
0x30: {  	s3 =	sld [smem:$0x3FA2]  }
0x31: {  	[smem:$0x3FAB] =	sst s10  }
0x32: {  	s10 =	sld [smem:$0x3FA9];
	_ =	sdelay $0x3  }
0x33: {  	p0 =	seq.s32 s10, $0x1;
	s10 =	sld [smem:$0x3FAB];
	_ =	sdelay $0x3  }
0x34: {  	[smem:$0x3FAB] =	sst s10  }
0x35: {  	s10 =	sld [smem:$0x3FAA];
	_ =	sdelay $0x3  }
0x36: {  	p1 =	seq.s32 s10, $0x1;
	s10 =	sld [smem:$0x3FAB];
	_ =	sdelay $0x3  }
0x37: {  	[smem:$0x3FAB] =	sst s10  }
0x38: {  	s10 =	sld [smem:$0x3FAC]  }
0x39: {  	_ = 	snop;
	(pc) =	sbr.ind lr, $3  }
0x3a: {  	_ = 	snop  }
0x3b: {  	_ = 	snop  }
0x3c: {  	p2 =	seq.s32 s10, $0x1;
	s10 =	sld [smem:$0x3FAB]  }
0x3d: {  	_ =	shalt  }
0x3e: {  	_ =	shalt  }
0x3f: {  	_ =	shalt  }
0x40: {  	_ =	shalt  }
0x41: {  	_ =	shalt  }
0x42: {  	_ =	shalt  }
0x43: {  	_ =	shalt  }
0x44: {  	_ =	shalt  }
0x45: {  	_ =	shalt  }
0x46: {  	_ =	shalt  }
0x47: {  	_ =	shalt  }
0x48: {  	_ =	shalt  }
0x49: {  	_ =	shalt  }
0x4a: {  	_ =	shalt  }
0x4b: {  	_ =	shalt  }
0x4c: {  	_ =	shalt  }
0x4d: {  	_ =	shalt  }
0x4e: {  	_ =	shalt  }
0x4f: {  	_ =	shalt  }
0x50: {  	_ =	shalt  }
0x51: {  	_ =	shalt  }
0x52: {  	_ =	shalt  }
0x53: {  	_ =	shalt  }
0x54: {  	_ =	shalt  }
0x55: {  	_ =	shalt  }
0x56: {  	_ =	shalt  }
0x57: {  	_ =	shalt  }
0x58: {  	_ =	shalt  }
0x59: {  	_ =	shalt  }
0x5a: {  	_ =	shalt  }
0x5b: {  	_ =	shalt  }
0x5c: {  	_ =	shalt  }
0x5d: {  	_ =	shalt  }
0x5e: {  	_ =	shalt  }
0x5f: {  	_ =	shalt  }
0x60: {  	_ =	shalt  }
0x61: {  	_ =	shalt  }
0x62: {  	_ =	shalt  }
0x63: {  	_ =	shalt  }
0x64: {  	_ =	shalt  }
0x65: {  	_ =	shalt  }
0x66: {  	_ =	shalt  }
0x67: {  	_ =	shalt  }
0x68: {  	_ =	shalt  }
0x69: {  	_ =	shalt  }
0x6a: {  	_ =	shalt  }
0x6b: {  	_ =	shalt  }
0x6c: {  	_ =	shalt  }
0x6d: {  	_ =	shalt  }
0x6e: {  	_ =	shalt  }
0x6f: {  	_ =	shalt  }
0x70: {  	_ =	shalt  }
0x71: {  	_ =	shalt  }
0x72: {  	_ =	shalt  }
0x73: {  	_ =	shalt  }
0x74: {  	_ =	shalt  }
0x75: {  	_ =	shalt  }
0x76: {  	_ =	shalt  }
0x77: {  	_ =	shalt  }
0x78: {  	_ =	shalt  }
0x79: {  	_ =	shalt  }
0x7a: {  	_ =	shalt  }
0x7b: {  	_ =	shalt  }
0x7c: {  	_ =	shalt  }
0x7d: {  	_ =	shalt  }
0x7e: {  	_ =	shalt  }
0x7f: {  	_ =	shalt  }
0x80: {  	_ =	shalt  }
0x81: {  	_ =	shalt  }
0x82: {  	_ =	shalt  }
0x83: {  	_ =	shalt  }
0x84: {  	_ =	shalt  }
0x85: {  	_ =	shalt  }
0x86: {  	_ =	shalt  }
0x87: {  	_ =	shalt  }
.Lfunc_end0:
.L_simem_size_0:
called_computation.1_lowered:
.L_overlay_start_0:
0x88: {  	s2 =	sld [smem:$0x3FD9]  }
0x89: {  	s3 =	sld [smem:$0x3FFE];
	_ =	sdelay $0x1  }
0x8a: {  	s1 =	srdreg.scid  }
0x8b: {  	s0 =	sand.u32 $0x1, s1  }
0x8c: {  	s17 =	sshll.u32 s0, $0xA;
	s2 =	sadd.s32 s3, s2  }
0x8d: {  	s2 =	sadd.s32 s2, s17  }
0x8e: {  	[smem:$0x3FB7] =	sst s2  }
0x8f: {  	_ = 	snop  }
0x90: {  	s2 =	sld [smem:$0x3FD0];
	(tm) =	ssettm $0x1  }
0x91: {  	s18 =	sld [smem:$0x3FFB];
	_ =	sdelay $0x3  }
0x92: {  	_ =	strace s18  }
0x93: {  	s3 =	sld [smem:$0x3FFC];
	_ =	sdelay $0x3  }
0x94: {  	_ =	strace s3  }
0x95: {  	s3 =	sld [smem:$0x3FFD];
	_ =	sdelay $0x3  }
0x96: {  	_ =	strace s3  }
0x97: {  	_ =	strace $0x8FFFFFFF  }
0x98: {  	s19 =	sld [smem:$0x3FDB];
	_ =	sdelay $0x1  }
0x99: {  	s4 =	simm.s32 $_scs_section_size  }
0x9a: {  	s5 =	simm.s32 $_size__tile_overlayer_lowered;
	s6 =	simm.s32 $_tile_overlayer_lowered  }
0x9b: {  	s22 =	simm.s32 $0x1BFF;
	s21 =	sshll.u32 s6, $0x1;
	s3 =	sadd.s32 s4, s19  }
0x9c: {  	s7 =	simm.s32 $0x0;
	s20 =	sshll.u32 s5, $0x1;
	s5 =	sadd.s32 s21, s3  }
0x9d: {  	[timem:s7], [sflag:s22] =	dma.local [hbm:s5], s20  }
0x9e: {  	_ =	swait.ge [sflag:s22], s20  }
0x9f: {  	s4 =	ssub.s32 $0x0, s20;
	[sflag:s22] =	ssyncset.done $0x0  }
0xa0: {  	[sflag:s22] =	ssyncadd.s32 s4;
	_ =	sdelay $0x1  }
0xa1: {  	s23 =	simm.s32 $0x1B8B  }
0xa2: {  	_ =	swait.ge [sflag:s23], $0x1  }
0xa3: {  	[sflag:s23] =	ssyncset.done $0x0  }
0xa4: {  	s25 =	simm.s32 $0x1B8E;
	s24 =	sld [smem:$0x3FFE];
	[sflag:s23] =	ssyncadd.s32 $0xFFFFFFFF  }
0xa5: {  	s26 =	simm.s32 $execute0_lowered;
	[smem:$0x3FD2] =	sst s25  }
0xa6: {  	s5 =	sshll.u32 s26, $0x1;
	_ =	strace $0x80000049;
	[dreg:$0x1] =	wrdreg $0xFFFFFFFF  }
0xa7: {  	s28 =	simm.s32 $_size_execute0_lowered;
	s3 =	sadd.s32 s3, s5;
	[dreg:$0x0] =	wrdreg $0x0  }
0xa8: {  	s5 =	sshll.u32 s28, $0x1;
	[dreg:$0x2] =	wrdreg s3  }
0xa9: {  	[dreg:$0x3] =	wrdreg s5  }
0xaa: {  	[dreg:$0x4] =	wrdreg $0xC0  }
0xab: {  	_ =	task [dreg:s7], $0x5FFFF  }
0xac: {  	[dreg:$0x1] =	wrdreg $0xFFFFFFFF  }
0xad: {  	[dreg:$0x0] =	wrdreg $0x60  }
0xae: {  	[dreg:$0x2] =	wrdreg s2  }
0xaf: {  	[dreg:$0x3] =	wrdreg s24  }
0xb0: {  	[dreg:$0x4] =	wrdreg $0x90000  }
0xb1: {  	[dreg:$0x5] =	wrdreg $0x9  }
0xb2: {  	_ =	task.clear_ibuf [dreg:s7], $0x6FFFF;
	_ =	strace $0x90000049  }
0xb3: {  	s29 =	simm.s32 $0x9;
	_ =	strace $0x8000004B  }
0xb4: {  	_ =	swait.ge [sflag:s29], $0x1  }
0xb5: {  	[sflag:s29] =	ssyncadd.s32 $0xFFFFFFFF  }
0xb6: {  	_ =	strace $0x9000004B  }
0xb7: {  	_ =	sfence  }
0xb8: {  	s30 =	sld [smem:$0x0];
	_ =	sdelay $0x2  }
0xb9: {  	s31 =	sshll.u32 s1, $0xD;
	s1 =	sshrl.u32 s1, $0x2  }
0xba: {  	s3 =	sand.u32 $0x4000, s31;
	s1 =	sadd.s32 s1, s30  }
0xbb: {  	s0 =	sor.u32 s3, s0;
	s1 =	sshll.u32 s1, $0x11  }
0xbc: {  	s0 =	sor.u32 s1, s0  }
0xbd: {  	s0 =	sadd.s32 $0x8F2B, s0  }
0xbe: {  	[sflag:s0] =	ssyncadd.remote.s32 $0x1  }
0xbf: {  	_ =	sfence.sel $0xFFFF  }
0xc0: {  	[dreg:$0x0] =	wrdreg $0xFFFFFFFF;
	(pc) =	sbr.abs _section_cstart, $3  }
0xc1: {  	[dreg:$0x1] =	wrdreg $0xFFFFFFFF  }
0xc2: {  	_ =	task.clear_ibuf [dreg:s7], $0x2FFFF;
	_ =	strace $0x9FFFFFFF  }
0xc3: {  	(tm) =	ssettm $0x7FFFFFFF  }
tec
execute0_lowered:
.L_overlay_start_1:
0x0: {  	(tag) =	ssettag $0x1  }
0x1: {  	s1 =	rddreg [dreg:$0x0]  }
0x2: {  	s0 =	rddreg [dreg:$0x1]  }
0x3: {  	s2 =	rddreg [dreg:$0x2];
	s4 =	simm.s32 $0x0  }
0x4: {  	s3 =	srdreg.scid;
	s10 =	stileid.u32;
	s28 =	simm.s32 $0x3  }
0x5: {  	s31 =	simm.s32 $0x4;
	s14 =	simm.s32 $0x5;
	s29 =	simm.s32 $0xD00  }
0x6: {  	s30 =	simm.s32 $0x600;
	[smem:$0x7FF] =	sst s4;
	s6 =	smul.u32 $0x4F000, s10  }
0x7: {  	s5 =	sadd.s32 $0x3000, s0;
	s3 =	sand.u32 $0x1, s3;
	s21 =	smul.u32 $0x13C00, s10  }
0x8: {  	s0 =	sadd.s32 $0x17000, s0;
	s8 =	sshll.u32 s10, $0x1;
	s23 =	smul.u32 $0xA00, s10  }
0x9: {  	p0 =	seq.s32 s10, $0xF;
	s10 =	simm.s32 $0x780;
	_ =	strace $0x8000004A  }
0xa: {  	s7 =	ssub.s32 $0x2, s3;
	s8 =	sor.u32 s3, s8;
	s18 =	smul.u32 $0x138800, s3  }
0xb: {  	s3 =	smul.u32 $0x500, s3;
	s9 =	sshrl.u32 s7, $0x1;
	s6 =	sshrl.u32 s6, $0x2  }
0xc: {  	s15 =	smul.u32 $0x500, s8;
	s25 =	sadd.s32 s23, s5;
	s23 =	simm.s32 $0x1  }
0xd: {  	s7 =	ssub.s32 s7, s9;
	s13 =	sadd.s32 s6, s2;
	s6 =	sadd.s32 s21, s18  }
0xe: {  	s8 =	sshrl.u32 s18, $0x3;
	s18 =	simm.s32 $0x6;
	s21 =	simm.s32 $0xC80  }
0xf: {  	s16 =	sadd.s32 $0x3C00, s13;
	s17 =	sadd.s32 $0x7800, s13;
	[dreg:$0x4] =	wrdreg s13  }
0x10: {  	s19 =	sadd.s32 $0xB400, s13;
	s20 =	sadd.s32 s5, s15;
	[dreg:$0x5] =	wrdreg s16  }
0x11: {  	s11 =	sadd.s32 $0xF000, s13;
	s22 =	sadd.s32 $0x12C00, s13;
	[dreg:$0x6] =	wrdreg s17  }
0x12: {  	s6 =	sshrl.u32 s6, $0x3;
	s8 =	sadd.s32 s0, s8;
	[dreg:$0x7] =	wrdreg s19  }
0x13: {  	s26 =	smax.u32 s7, $0x1;
	s5 =	simm.s32 $0x500;
	[dreg:$0x9] =	wrdreg s11  }
0x14: {  	s7 =	simm.s32 $0x700;
	s15 =	simm.s32 $0x0;
	[dreg:$0xa] =	wrdreg s22  }
0x15: {  	[dreg:$0x8] =	wrdreg s20;
	s9 =	sadd.s32 $0xA000, s20;
	s0 =	sadd.s32 s0, s6  }
0x16: {  	s24 =	sadd.s32 $0x25080, s8;
	[dreg:$0xe] =	wrdreg s26;
	s16 =	sadd.s32 s3, s25  }
.Ltmp0:
0x17: {  	s17 =	simm.s32 $0x1000;
	s20 =	simm.s32 $0x7D;
	(pc) =	sbr.rel .LBB2_1-.Ltmp0, $4  }
0x18: {  	s22 =	simm.s32 $0xC00;
	s25 =	simm.s32 $0x5000;
	s26 =	simm.s32 $0x2  }
0x19: {  	s3 =	simm.s32 $0x680;
	s6 =	simm.s32 $0xE00;
	[dreg:$0xb] =	wrdreg s9  }
0x1a: {  	s8 =	simm.s32 $0xE80;
	s11 =	simm.s32 $0xF00;
	[dreg:$0xc] =	wrdreg s0  }
0x1b: {  	v0 =	vimm.f32 $0.0e+00;
	[dreg:$0xd] =	wrdreg s24;
	s24 =	simm.s32 $0x580;
	s0 =	simm.s32 $0xD80  }
.LBB2_9:
0x1c: {  	_ =	swait.ge [sflag:s31], $0x3E80  }
0x1d: {  	[sflag:s31] =	ssyncset.done $0x0  }
0x1e: {  	[sflag:s31] =	ssyncadd.s32 $0xFFFFC180  }
0x1f: {  	[bflag:$0x0] =	sbarrier.arrive $0xFFFF  }
0x20: {  	s13 =	rddreg [dreg:$0x4]  }
0x21: {  	s12 =	simm.s32 @p0 $0x1FC6;
	s15 =	rddreg [dreg:$0xd];
	s9 =	sshrl.u32 @p0 s13, $0x3  }
0x22: {  	[hbm:s15], [sflag:s12] =	dma.local @p0 [spmem:s9], $0x2080  }
0x23: {  	s9 =	simm.s32 @p0 $0x6  }
0x24: {  	s12 =	stileid.u32;
	_ =	swait.ge @p0 [sflag:s9], $0x2080  }
0x25: {  	s12 =	sshll.u32 @!p0 s12, $0x6;
	[sflag:s9] =	ssyncset.done @p0 $0x0;
	s15 =	rddreg [dreg:$0xc]  }
0x26: {  	[sflag:s9] =	ssyncadd.s32 @p0 $0xFFFFDF80;
	s9 =	sor.u32 @!p0 $0x1C06, s12;
	s12 =	sshrl.u32 @!p0 s13, $0x3  }
0x27: {  	[hbm:s15], [sflag:s9] =	dma.local @!p0 [spmem:s12], $0x2780  }
0x28: {  	s9 =	simm.s32 @!p0 $0x6  }
0x29: {  	_ =	swait.ge @!p0 [sflag:s9], $0x2780  }
0x2a: {  	s12 =	rddreg [dreg:$0xf]  }
0x2b: {  	s19 =	rddreg [dreg:$0xe];
	s15 =	sadd.s32 $0x1, s12  }
0x2c: {  	p1 =	sne.s32 s15, s19  }
.Ltmp1:
0x2d: {  	_ = 	snop;
	(pc) =	sbr.rel @!p1 .LBB2_10-.Ltmp1, $3  }
0x2e: {  	_ =	sdelay $0x1  }
0x2f: {  	[sflag:s9] =	ssyncset.done @!p0 $0x0  }
0x30: {  	[sflag:s9] =	ssyncadd.s32 @!p0 $0xFFFFD880  }
.LBB2_1:
0x31: {  	s12 =	simm.s32 $0x0;
	s19 =	simm.s32 $0x200  }
.LBB2_2:
0x32: {  	p1 =	sne.s32 s19, $0xF800;
	[tilespmem:s12+$0x1070] =	vst v0  }
0x33: {  	[tilespmem:s12+$0x1000] =	vst v0  }
0x34: {  	[tilespmem:s12+$0x1010] =	vst v0  }
.Ltmp2:
0x35: {  	[tilespmem:s12+$0x1020] =	vst v0;
	(pc) =	sbr.rel @p1 .LBB2_2-.Ltmp2, $4  }
0x36: {  	[tilespmem:s12+$0x1030] =	vst v0  }
0x37: {  	[tilespmem:s12+$0x1040] =	vst v0  }
0x38: {  	[tilespmem:s12+$0x1050] =	vst v0  }
0x39: {  	[tilespmem:s12+$0x1060] =	vst v0;
	s12 =	sshra.s32 s19, $0x2;
	s19 =	sadd.s32 $0x200, s19  }
0x3a: {  	[tilespmem:s12+$0x1070] =	vst v0  }
0x3b: {  	[tilespmem:s12+$0x1000] =	vst v0  }
0x3c: {  	[tilespmem:s12+$0x1010] =	vst v0  }
0x3d: {  	[tilespmem:s12+$0x1020] =	vst v0  }
0x3e: {  	[tilespmem:s12+$0x1030] =	vst v0  }
0x3f: {  	[tilespmem:s12+$0x1040] =	vst v0  }
0x40: {  	[tilespmem:s12+$0x1050] =	vst v0  }
0x41: {  	[dreg:$0xf] =	wrdreg s15;
	[tilespmem:s12+$0x1060] =	vst v0  }
0x42: {  	[spmem:s13] =	stream.linear.scatter [tilespmem:s17], [sflag:$0x6], $0x3C00, $0x38;
	[tilespmem:$0x1CC00] =	vst v63  }
0x43: {  	_ =	swait.ge [sflag:s18], $0x3C00  }
0x44: {  	[sflag:s18] =	ssyncset.done $0x0  }
0x45: {  	s9 =	rddreg [dreg:$0x5];
	[sflag:s18] =	ssyncadd.s32 $0xFFFFC400  }
0x46: {  	[spmem:s9] =	stream.linear.scatter [tilespmem:s17], [sflag:$0x6], $0x3C00, $0x38;
	[tilespmem:$0x1CC00] =	vst v63  }
0x47: {  	_ =	swait.ge [sflag:s18], $0x3C00  }
0x48: {  	[sflag:s18] =	ssyncset.done $0x0  }
0x49: {  	s12 =	rddreg [dreg:$0x6];
	[sflag:s18] =	ssyncadd.s32 $0xFFFFC400  }
0x4a: {  	[spmem:s12] =	stream.linear.scatter [tilespmem:s17], [sflag:$0x6], $0x3C00, $0x38;
	[tilespmem:$0x1CC00] =	vst v63  }
0x4b: {  	_ =	swait.ge [sflag:s18], $0x3C00  }
0x4c: {  	[sflag:s18] =	ssyncset.done $0x0  }
0x4d: {  	s13 =	rddreg [dreg:$0x7];
	[sflag:s18] =	ssyncadd.s32 $0xFFFFC400  }
0x4e: {  	[spmem:s13] =	stream.linear.scatter [tilespmem:s17], [sflag:$0x6], $0x3C00, $0x38;
	[tilespmem:$0x1CC00] =	vst v63  }
0x4f: {  	_ =	swait.ge [sflag:s18], $0x3C00  }
0x50: {  	[sflag:s18] =	ssyncset.done $0x0  }
0x51: {  	s15 =	rddreg [dreg:$0x9];
	[sflag:s18] =	ssyncadd.s32 $0xFFFFC400  }
0x52: {  	[spmem:s15] =	stream.linear.scatter [tilespmem:s17], [sflag:$0x6], $0x3C00, $0x38;
	[tilespmem:$0x1CC00] =	vst v63  }
0x53: {  	_ =	swait.ge [sflag:s18], $0x3C00  }
0x54: {  	[sflag:s18] =	ssyncset.done $0x0  }
0x55: {  	s19 =	rddreg [dreg:$0xa];
	[sflag:s18] =	ssyncadd.s32 $0xFFFFC400  }
0x56: {  	[spmem:s19] =	stream.linear.scatter [tilespmem:s17], [sflag:$0x6], $0x1000, $0x38;
	[tilespmem:$0x1CC00] =	vst v63  }
0x57: {  	_ =	swait.ge [sflag:s18], $0x1000  }
0x58: {  	[sflag:s18] =	ssyncset.done $0x0  }
0x59: {  	[sflag:s18] =	ssyncadd.s32 $0xFFFFF000  }
0x5a: {  	[bflag:$0x0] =	sbarrier.arrive $0xFFFF  }
0x5b: {  	s19 =	simm.s32 $0x0;
	s12 =	rddreg [dreg:$0x8]  }
0x5c: {  	[tilespmem:s19], [sflag:$0x6] =	stream.linear.gather [hbm4b:s12+s19], $0x400, $0x38;
	[tilespmem:$0x1CC00] =	vst v63  }
0x5d: {  	_ =	swait.ge [sflag:s18], $0x400  }
0x5e: {  	[sflag:s18] =	ssyncset.done $0x0  }
0x5f: {  	s15 =	simm.s32 $0x800;
	s13 =	rddreg [dreg:$0xb];
	[sflag:s18] =	ssyncadd.s32 $0xFFFFFC00  }
0x60: {  	[tilespmem:s15], [sflag:$0x6] =	stream.linear.gather [hbm4b:s13+s19], $0x400, $0x38;
	[tilespmem:$0x1CC00] =	vst v63  }
.Ltmp3:
0x61: {  	_ = 	snop;
	(pc) =	sbr.rel .LBB2_4-.Ltmp3, $4  }
0x62: {  	_ =	swait.ge [sflag:s18], $0x400  }
0x63: {  	[sflag:s18] =	ssyncset.done $0x0  }
0x64: {  	s12 =	simm.s32 $0x0;
	[sflag:s18] =	ssyncadd.s32 $0xFFFFFC00  }
0x65: {  	[tilespmem:s17], [sflag:$0x1] =	stream.indirect.gather [hbm4b:s1+s20], $0x80, s19, s20, $0xb8;
	[tilespmem:$0x1CC00] =	vst v63  }
.LBB2_5:
0x66: {  	s9 =	sadd.s32 s19, s16  }
0x67: {  	s15 =	simm.s32 $0x400;
	s13 =	sadd.s32 $0x80, s9  }
0x68: {  	[tilespmem:s15], [sflag:$0x5] =	stream.linear.gather [hbm4b:s13+s4], $0x400, $0x38;
	[tilespmem:$0x1CC00] =	vst v63  }
0x69: {  	s9 =	sadd.s32 $0xA080, s9  }
0x6a: {  	[tilespmem:s22], [sflag:$0x5] =	stream.linear.gather [hbm4b:s9+s4], $0x400, $0x38;
	[tilespmem:$0x1CC00] =	vst v63  }
0x6b: {  	_ =	swait.ge [sflag:s23], $0x3E80  }
0x6c: {  	p1 =	seq.s32 s19, $0x0;
	[sflag:s23] =	ssyncset.done $0x0  }
0x6d: {  	s9 =	simm.s32 @!p1 $0x4;
	[sflag:s23] =	ssyncadd.s32 $0xFFFFC180  }
0x6e: {  	_ =	swait.ge @!p1 [sflag:s9], $0x3E80  }
0x6f: {  	[sflag:s9] =	ssyncset.done @!p1 $0x0  }
0x70: {  	s13 =	simm.s32 $0x80;
	[sflag:s9] =	ssyncadd.s32 @!p1 $0xFFFFC180  }
0x71: {  	[tilespmem:s25], [sflag:$0x2] =	stream.indirect.gather [hbm4b:s1+s20], $0x80, s13, s20, $0xb8;
	[tilespmem:$0x1CC00] =	vst v63  }
0x72: {  	s15 =	simm.s32 $0x800  }
0x73: {  	[spmem:s2] =	stream.indirect.scatter.add.f32 [tilespmem:s17], [sflag:$0x3], $0x80, s15, s20, $0xb8;
	[tilespmem:$0x1CC00] =	vst v63  }
0x74: {  	_ =	swait.ge [sflag:s26], $0x3E80  }
0x75: {  	[sflag:s26] =	ssyncset.done $0x0  }
0x76: {  	[sflag:s26] =	ssyncadd.s32 $0xFFFFC180  }
0x77: {  	_ =	swait.ge [sflag:s28], $0x3E80  }
0x78: {  	[sflag:s28] =	ssyncset.done $0x0  }
0x79: {  	s13 =	simm.s32 $0x100;
	[sflag:s28] =	ssyncadd.s32 $0xFFFFC180  }
0x7a: {  	[tilespmem:s17], [sflag:$0x1] =	stream.indirect.gather [hbm4b:s1+s20], $0x80, s13, s20, $0xb8;
	[tilespmem:$0x1CC00] =	vst v63  }
0x7b: {  	s15 =	simm.s32 $0x880  }
0x7c: {  	[spmem:s2] =	stream.indirect.scatter.add.f32 [tilespmem:s25], [sflag:$0x4], $0x80, s15, s20, $0xb8;
	[tilespmem:$0x1CC00] =	vst v63  }
0x7d: {  	_ =	swait.ge [sflag:s23], $0x3E80  }
0x7e: {  	[sflag:s23] =	ssyncset.done $0x0  }
0x7f: {  	[sflag:s23] =	ssyncadd.s32 $0xFFFFC180  }
0x80: {  	_ =	swait.ge [sflag:s31], $0x3E80  }
0x81: {  	[sflag:s31] =	ssyncset.done $0x0  }
0x82: {  	s13 =	simm.s32 $0x180;
	[sflag:s31] =	ssyncadd.s32 $0xFFFFC180  }
0x83: {  	[tilespmem:s25], [sflag:$0x2] =	stream.indirect.gather [hbm4b:s1+s20], $0x80, s13, s20, $0xb8;
	[tilespmem:$0x1CC00] =	vst v63  }
0x84: {  	s15 =	simm.s32 $0x900  }
0x85: {  	[spmem:s2] =	stream.indirect.scatter.add.f32 [tilespmem:s17], [sflag:$0x3], $0x80, s15, s20, $0xb8;
	[tilespmem:$0x1CC00] =	vst v63  }
0x86: {  	_ =	swait.ge [sflag:s26], $0x3E80  }
0x87: {  	[sflag:s26] =	ssyncset.done $0x0  }
0x88: {  	[sflag:s26] =	ssyncadd.s32 $0xFFFFC180  }
0x89: {  	_ =	swait.ge [sflag:s28], $0x3E80  }
0x8a: {  	[sflag:s28] =	ssyncset.done $0x0  }
0x8b: {  	s13 =	simm.s32 $0x200;
	[sflag:s28] =	ssyncadd.s32 $0xFFFFC180  }
0x8c: {  	[tilespmem:s17], [sflag:$0x1] =	stream.indirect.gather [hbm4b:s1+s20], $0x80, s13, s20, $0xb8;
	[tilespmem:$0x1CC00] =	vst v63  }
0x8d: {  	s15 =	simm.s32 $0x980  }
0x8e: {  	[spmem:s2] =	stream.indirect.scatter.add.f32 [tilespmem:s25], [sflag:$0x4], $0x80, s15, s20, $0xb8;
	[tilespmem:$0x1CC00] =	vst v63  }
0x8f: {  	_ =	swait.ge [sflag:s23], $0x3E80  }
0x90: {  	[sflag:s23] =	ssyncset.done $0x0  }
0x91: {  	[sflag:s23] =	ssyncadd.s32 $0xFFFFC180  }
0x92: {  	_ =	swait.ge [sflag:s31], $0x3E80  }
0x93: {  	[sflag:s31] =	ssyncset.done $0x0  }
0x94: {  	s13 =	simm.s32 $0x280;
	[sflag:s31] =	ssyncadd.s32 $0xFFFFC180  }
0x95: {  	[tilespmem:s25], [sflag:$0x2] =	stream.indirect.gather [hbm4b:s1+s20], $0x80, s13, s20, $0xb8;
	[tilespmem:$0x1CC00] =	vst v63  }
0x96: {  	s15 =	simm.s32 $0xA00  }
0x97: {  	[spmem:s2] =	stream.indirect.scatter.add.f32 [tilespmem:s17], [sflag:$0x3], $0x80, s15, s20, $0xb8;
	[tilespmem:$0x1CC00] =	vst v63  }
0x98: {  	_ =	swait.ge [sflag:s26], $0x3E80  }
0x99: {  	[sflag:s26] =	ssyncset.done $0x0  }
0x9a: {  	[sflag:s26] =	ssyncadd.s32 $0xFFFFC180  }
0x9b: {  	_ =	swait.ge [sflag:s28], $0x3E80  }
0x9c: {  	[sflag:s28] =	ssyncset.done $0x0  }
0x9d: {  	s13 =	simm.s32 $0x300;
	[sflag:s28] =	ssyncadd.s32 $0xFFFFC180  }
0x9e: {  	[tilespmem:s17], [sflag:$0x1] =	stream.indirect.gather [hbm4b:s1+s20], $0x80, s13, s20, $0xb8;
	[tilespmem:$0x1CC00] =	vst v63  }
0x9f: {  	s15 =	simm.s32 $0xA80  }
0xa0: {  	[spmem:s2] =	stream.indirect.scatter.add.f32 [tilespmem:s25], [sflag:$0x4], $0x80, s15, s20, $0xb8;
	[tilespmem:$0x1CC00] =	vst v63  }
0xa1: {  	_ =	swait.ge [sflag:s23], $0x3E80  }
0xa2: {  	[sflag:s23] =	ssyncset.done $0x0  }
0xa3: {  	[sflag:s23] =	ssyncadd.s32 $0xFFFFC180  }
0xa4: {  	_ =	swait.ge [sflag:s31], $0x3E80  }
0xa5: {  	[sflag:s31] =	ssyncset.done $0x0  }
0xa6: {  	s13 =	simm.s32 $0x380;
	[sflag:s31] =	ssyncadd.s32 $0xFFFFC180  }
0xa7: {  	[tilespmem:s25], [sflag:$0x2] =	stream.indirect.gather [hbm4b:s1+s20], $0x80, s13, s20, $0xb8;
	[tilespmem:$0x1CC00] =	vst v63  }
0xa8: {  	s15 =	simm.s32 $0xB00  }
0xa9: {  	[spmem:s2] =	stream.indirect.scatter.add.f32 [tilespmem:s17], [sflag:$0x3], $0x80, s15, s20, $0xb8;
	[tilespmem:$0x1CC00] =	vst v63  }
0xaa: {  	_ =	swait.ge [sflag:s26], $0x3E80  }
0xab: {  	[sflag:s26] =	ssyncset.done $0x0  }
0xac: {  	[sflag:s26] =	ssyncadd.s32 $0xFFFFC180  }
0xad: {  	_ =	swait.ge [sflag:s28], $0x3E80  }
0xae: {  	[sflag:s28] =	ssyncset.done $0x0  }
0xaf: {  	s9 =	simm.s32 $0xB80;
	s13 =	simm.s32 $0x400;
	[sflag:s28] =	ssyncadd.s32 $0xFFFFC180  }
.LBB2_7:
0xb0: {  	_ =	swait.ge [sflag:s14], $0x400  }
0xb1: {  	[sflag:s14] =	ssyncset.done $0x0  }
0xb2: {  	[sflag:s14] =	ssyncadd.s32 $0xFFFFFC00  }
0xb3: {  	_ =	swait.ge [sflag:s14], $0x400  }
0xb4: {  	[sflag:s14] =	ssyncset.done $0x0  }
0xb5: {  	[sflag:s14] =	ssyncadd.s32 $0xFFFFFC00  }
0xb6: {  	[tilespmem:s17], [sflag:$0x1] =	stream.indirect.gather [hbm4b:s1+s20], $0x80, s13, s20, $0xb8;
	[tilespmem:$0x1CC00] =	vst v63  }
.LBB2_8:
0xb7: {  	s19 =	sadd.s32 $0x80, s19  }
0xb8: {  	p1 =	sne.s32 s19, $0x500  }
.Ltmp4:
0xb9: {  	_ = 	snop;
	(pc) =	sbr.rel @!p1 .LBB2_9-.Ltmp4, $3  }
0xba: {  	_ =	sdelay $0x1  }
0xbb: {  	[spmem:s2] =	stream.indirect.scatter.add.f32 [tilespmem:s25], [sflag:$0x4], $0x80, s9, s20, $0xb8;
	[tilespmem:$0x1CC00] =	vst v63  }
0xbc: {  	s12 =	sadd.s32 $0x1, s12  }
.LBB2_4:
0xbd: {  	s9 =	sand.u32 $0x1, s12  }
0xbe: {  	p1 =	seq.s32 s9, $0x1  }
.Ltmp5:
0xbf: {  	_ = 	snop;
	(pc) =	sbr.rel @!p1 .LBB2_5-.Ltmp5, $1  }
0xc0: {  	_ =	sdelay $0x3  }
0xc1: {  	p1 =	seq.s32 s19, $0x480  }
0xc2: {  	s9 =	sadd.s32 @!p1 s19, s16  }
0xc3: {  	s15 =	simm.s32 @!p1 $0x0;
	s13 =	sadd.s32 @!p1 $0x80, s9  }
0xc4: {  	[tilespmem:s15], [sflag:$0x5] =	stream.linear.gather @!p1 [hbm4b:s13+s15], $0x400, $0x38;
	[tilespmem:$0x1CC00] =	vst v63  }
0xc5: {  	s9 =	sadd.s32 @!p1 $0xA080, s9;
	s13 =	simm.s32 @!p1 $0x800  }
0xc6: {  	[tilespmem:s13], [sflag:$0x5] =	stream.linear.gather @!p1 [hbm4b:s9+s15], $0x400, $0x38;
	[tilespmem:$0x1CC00] =	vst v63  }
0xc7: {  	_ =	swait.ge [sflag:s23], $0x3E80  }
0xc8: {  	[sflag:s23] =	ssyncset.done $0x0  }
0xc9: {  	[sflag:s23] =	ssyncadd.s32 $0xFFFFC180  }
0xca: {  	_ =	swait.ge [sflag:s31], $0x3E80  }
0xcb: {  	[sflag:s31] =	ssyncset.done $0x0  }
0xcc: {  	s15 =	simm.s32 $0x480;
	[sflag:s31] =	ssyncadd.s32 $0xFFFFC180  }
0xcd: {  	[tilespmem:s25], [sflag:$0x2] =	stream.indirect.gather [hbm4b:s1+s20], $0x80, s15, s20, $0xb8;
	[tilespmem:$0x1CC00] =	vst v63  }
0xce: {  	_ = 	snop  }
0xcf: {  	[spmem:s2] =	stream.indirect.scatter.add.f32 [tilespmem:s17], [sflag:$0x3], $0x80, s22, s20, $0xb8;
	[tilespmem:$0x1CC00] =	vst v63  }
0xd0: {  	_ =	swait.ge [sflag:s26], $0x3E80  }
0xd1: {  	[sflag:s26] =	ssyncset.done $0x0  }
0xd2: {  	[sflag:s26] =	ssyncadd.s32 $0xFFFFC180  }
0xd3: {  	_ =	swait.ge [sflag:s28], $0x3E80  }
0xd4: {  	[sflag:s28] =	ssyncset.done $0x0  }
0xd5: {  	[sflag:s28] =	ssyncadd.s32 $0xFFFFC180  }
0xd6: {  	[tilespmem:s17], [sflag:$0x1] =	stream.indirect.gather [hbm4b:s1+s20], $0x80, s5, s20, $0xb8;
	[tilespmem:$0x1CC00] =	vst v63  }
0xd7: {  	_ = 	snop  }
0xd8: {  	[spmem:s2] =	stream.indirect.scatter.add.f32 [tilespmem:s25], [sflag:$0x4], $0x80, s21, s20, $0xb8;
	[tilespmem:$0x1CC00] =	vst v63  }
0xd9: {  	_ =	swait.ge [sflag:s23], $0x3E80  }
0xda: {  	[sflag:s23] =	ssyncset.done $0x0  }
0xdb: {  	[sflag:s23] =	ssyncadd.s32 $0xFFFFC180  }
0xdc: {  	_ =	swait.ge [sflag:s31], $0x3E80  }
0xdd: {  	[sflag:s31] =	ssyncset.done $0x0  }
0xde: {  	[sflag:s31] =	ssyncadd.s32 $0xFFFFC180  }
0xdf: {  	[tilespmem:s25], [sflag:$0x2] =	stream.indirect.gather [hbm4b:s1+s20], $0x80, s24, s20, $0xb8;
	[tilespmem:$0x1CC00] =	vst v63  }
0xe0: {  	_ = 	snop  }
0xe1: {  	[spmem:s2] =	stream.indirect.scatter.add.f32 [tilespmem:s17], [sflag:$0x3], $0x80, s29, s20, $0xb8;
	[tilespmem:$0x1CC00] =	vst v63  }
0xe2: {  	_ =	swait.ge [sflag:s26], $0x3E80  }
0xe3: {  	[sflag:s26] =	ssyncset.done $0x0  }
0xe4: {  	[sflag:s26] =	ssyncadd.s32 $0xFFFFC180  }
0xe5: {  	_ =	swait.ge [sflag:s28], $0x3E80  }
0xe6: {  	[sflag:s28] =	ssyncset.done $0x0  }
0xe7: {  	[sflag:s28] =	ssyncadd.s32 $0xFFFFC180  }
0xe8: {  	[tilespmem:s17], [sflag:$0x1] =	stream.indirect.gather [hbm4b:s1+s20], $0x80, s30, s20, $0xb8;
	[tilespmem:$0x1CC00] =	vst v63  }
0xe9: {  	_ = 	snop  }
0xea: {  	[spmem:s2] =	stream.indirect.scatter.add.f32 [tilespmem:s25], [sflag:$0x4], $0x80, s0, s20, $0xb8;
	[tilespmem:$0x1CC00] =	vst v63  }
0xeb: {  	_ =	swait.ge [sflag:s23], $0x3E80  }
0xec: {  	[sflag:s23] =	ssyncset.done $0x0  }
0xed: {  	[sflag:s23] =	ssyncadd.s32 $0xFFFFC180  }
0xee: {  	_ =	swait.ge [sflag:s31], $0x3E80  }
0xef: {  	[sflag:s31] =	ssyncset.done $0x0  }
0xf0: {  	[sflag:s31] =	ssyncadd.s32 $0xFFFFC180  }
0xf1: {  	[tilespmem:s25], [sflag:$0x2] =	stream.indirect.gather [hbm4b:s1+s20], $0x80, s3, s20, $0xb8;
	[tilespmem:$0x1CC00] =	vst v63  }
0xf2: {  	_ = 	snop  }
0xf3: {  	[spmem:s2] =	stream.indirect.scatter.add.f32 [tilespmem:s17], [sflag:$0x3], $0x80, s6, s20, $0xb8;
	[tilespmem:$0x1CC00] =	vst v63  }
0xf4: {  	_ =	swait.ge [sflag:s26], $0x3E80  }
0xf5: {  	[sflag:s26] =	ssyncset.done $0x0  }
0xf6: {  	[sflag:s26] =	ssyncadd.s32 $0xFFFFC180  }
0xf7: {  	_ =	swait.ge [sflag:s28], $0x3E80  }
0xf8: {  	[sflag:s28] =	ssyncset.done $0x0  }
0xf9: {  	[sflag:s28] =	ssyncadd.s32 $0xFFFFC180  }
0xfa: {  	[tilespmem:s17], [sflag:$0x1] =	stream.indirect.gather [hbm4b:s1+s20], $0x80, s7, s20, $0xb8;
	[tilespmem:$0x1CC00] =	vst v63  }
0xfb: {  	_ = 	snop  }
0xfc: {  	[spmem:s2] =	stream.indirect.scatter.add.f32 [tilespmem:s25], [sflag:$0x4], $0x80, s8, s20, $0xb8;
	[tilespmem:$0x1CC00] =	vst v63  }
0xfd: {  	_ =	swait.ge [sflag:s23], $0x3E80  }
0xfe: {  	[sflag:s23] =	ssyncset.done $0x0  }
0xff: {  	[sflag:s23] =	ssyncadd.s32 $0xFFFFC180  }
0x100: {  	_ =	swait.ge [sflag:s31], $0x3E80  }
0x101: {  	[sflag:s31] =	ssyncset.done $0x0  }
0x102: {  	[sflag:s31] =	ssyncadd.s32 $0xFFFFC180  }
0x103: {  	[tilespmem:s25], [sflag:$0x2] =	stream.indirect.gather [hbm4b:s1+s20], $0x80, s10, s20, $0xb8;
	[tilespmem:$0x1CC00] =	vst v63  }
0x104: {  	_ = 	snop  }
0x105: {  	[spmem:s2] =	stream.indirect.scatter.add.f32 [tilespmem:s17], [sflag:$0x3], $0x80, s11, s20, $0xb8;
	[tilespmem:$0x1CC00] =	vst v63  }
0x106: {  	_ =	swait.ge [sflag:s26], $0x3E80  }
.Ltmp6:
0x107: {  	[sflag:s26] =	ssyncset.done $0x0;
	(pc) =	sbr.rel @p1 .LBB2_8-.Ltmp6, $4  }
.Ltmp7:
0x108: {  	[sflag:s26] =	ssyncadd.s32 $0xFFFFC180;
	(pc) =	sbr.rel @!p1 .LBB2_7-.Ltmp7, $4  }
0x109: {  	_ =	swait.ge [sflag:s28], $0x3E80  }
0x10a: {  	[sflag:s28] =	ssyncset.done $0x0  }
0x10b: {  	s13 =	simm.s32 $0x0;
	s9 =	simm.s32 $0xF80;
	[sflag:s28] =	ssyncadd.s32 $0xFFFFC180  }
0x10c: {  	_ = 	snop  }
.LBB2_10:
0x10d: {  	_ =	sfence.sel $0x180000  }
0x10e: {  	[bflag:$0x0] =	sbarrier.arrive $0xFFFF  }
0x10f: {  	_ =	strace $0x9000004A  }
0x110: {  	s0 =	stileid.u32;
	[bflag:$0x2] =	sbarrier.arrive $0xFFFF  }
0x111: {  	p0 =	sne.s32 s0, $0x0;
	s0 =	rddreg [dreg:$0x3]  }
0x112: {  	s0 =	sadd.s32 @!p0 $0x100000, s0  }
0x113: {  	[sflag:s0] =	ssyncadd.tile.s32 @!p0 $0x1;
	_ =	shalt  }
.Lfunc_end2:
_tile_overlayer_lowered:
.L_overlay_start_2:
0x114: {  	(tag) =	ssettag $0x2  }
0x115: {  	s0 =	rddreg [dreg:$0x0];
	s2 =	stileid.u32  }
0x116: {  	s1 =	rddreg [dreg:$0x1];
	p0 =	sne.s32 s2, $0x0  }
0x117: {  	s3 =	rddreg [dreg:$0x2];
	[bflag:$0x3] =	sbarrier.arrive $0xFFFF;
	s2 =	simm.s32 @!p0 $0x1C06  }
0x118: {  	[timem:s3], [sflag:s2] =	dma.local @!p0 [hbm:s0], s1  }
0x119: {  	s0 =	simm.s32 @!p0 $0x6  }
0x11a: {  	_ =	swait.ge @!p0 [sflag:s0], s1  }
0x11b: {  	s1 =	ssub.s32 @!p0 $0x0, s1;
	[sflag:s0] =	ssyncset.done @!p0 $0x0  }
0x11c: {  	[sflag:s0] =	ssyncadd.s32 @!p0 s1  }
0x11d: {  	[bflag:$0x3] =	sbarrier.arrive $0xFFFF  }
0x11e: {  	_ =	shalt  }

// kernel: kernel.7.cloned.1.call-start
scs
__scs_entry_jumppad:
0x0: {  	(pc) =	sbr.rel $0x88, $3  }
0x1: {  	(tag) =	ssettag $0x0;
	lr =	simm.s32 $0x1  }
0x2: {  	[smem:$0x3F90] =	sst lr;
	_ =	strace $0xD0000000  }
0x3: {  	_ = 	snop  }
0x4: {  	_ = 	snop  }
0x5: {  	_ = 	snop  }
0x6: {  	_ = 	snop  }
0x7: {  	_ = 	snop  }
__scs_overlays_trampoline_lowered:
0x8: {  	[smem:$0x3F9F] =	sst s0  }
0x9: {  	[smem:$0x3FA0] =	sst s1  }
0xa: {  	[smem:$0x3FA1] =	sst s2  }
0xb: {  	[smem:$0x3FA2] =	sst s3  }
0xc: {  	[smem:$0x3FA3] =	sst s4  }
0xd: {  	[smem:$0x3FA4] =	sst s5  }
0xe: {  	[smem:$0x3FA5] =	sst s6  }
0xf: {  	[smem:$0x3FA6] =	sst s7  }
0x10: {  	[smem:$0x3FA7] =	sst s8  }
0x11: {  	[smem:$0x3FA8] =	sst s9;
	s0 =	simm.s32 @!p0 $0x0  }
0x12: {  	s1 =	sld [smem:$0x3F8E];
	s0 =	simm.s32 @p0 $0x1  }
0x13: {  	[smem:$0x3FA9] =	sst s0;
	s0 =	simm.s32 @!p1 $0x0  }
0x14: {  	s2 =	sld [smem:$0x3F8D];
	s0 =	simm.s32 @p1 $0x1  }
0x15: {  	[smem:$0x3FAA] =	sst s0;
	s0 =	simm.s32 @!p2 $0x0  }
0x16: {  	s3 =	sld [smem:$0x3FDB];
	s0 =	simm.s32 @p2 $0x1  }
0x17: {  	s4 =	simm.s32 $0x1BF5;
	[smem:$0x3FAC] =	sst s0  }
0x18: {  	s0 =	sld [smem:$0x3F8F];
	_ =	swait.ge [sflag:s4], $0x0  }
0x19: {  	s7 =	sld [smem:$0x3F90]  }
0x1a: {  	s8 =	sadd.s32 $0xFFFFE003, lr  }
0x1b: {  	s9 =	sadd.s32 $0xFFFFFEF7, lr;
	s5 =	simm.s32 $0xFFFFFFFF;
	p2 =	slt.u32 s8, $0xFFFFF086  }
0x1c: {  	p1 =	slt.u32 s9, $0xF7A;
	s5 =	simm.s32 @!p2 $0x0  }
0x1d: {  	s5 =	simm.s32 @p1 $0x1;
	p0 =	seq.s32 s7, s2  }
0x1e: {  	s7 =	smul.u32 @!p0 $0xF7A, s2;
	p2 =	seq.s32 @!p0 s5, $0x0  }
0x1f: {  	s9 =	smul.u32 $0xF7A, s1;
	s8 =	simm.s32 @!p0 $0x1BF5;
	p2 =	por !p2, p0  }
0x20: {  	[sflag:s8] =	ssyncset.s32 @!p0 $0xFFFFF086;
	s6 =	sadd.s32 @!p0 s3, s7;
	s7 =	simm.s32 @!p0 $0x108  }
0x21: {  	s3 =	sadd.s32 s3, s9;
	s6 =	sadd.s32 @!p0 $0x88, s6;
	s7 =	simm.s32 @p2 $0x1082  }
0x22: {  	[simem:s7], [sflag:s8] =	dma.local @!p0 [hbm:s6], $0xF7A  }
0x23: {  	s9 =	sor.u32 $0xD0000000, s2;
	s6 =	simm.s32 $0x108;
	_ =	swait.ge @!p0 [sflag:s8], $0x0  }
0x24: {  	s3 =	sadd.s32 $0x88, s3;
	s6 =	simm.s32 @!p1 $0x1082;
	[sflag:s4] =	ssyncset.s32 $0xFFFFF086  }
0x25: {  	[simem:s6], [sflag:s4] =	dma.local [hbm:s3], $0xF7A  }
0x26: {  	[smem:$0x3F90] =	sst s1;
	(tag) =	ssettag s2;
	_ =	strace s9  }
0x27: {  	s1 =	sld [smem:$0x3FA0]  }
0x28: {  	s2 =	sld [smem:$0x3FA1]  }
0x29: {  	s4 =	sld [smem:$0x3FA3]  }
0x2a: {  	p0 =	seq.s32 s5, $0x0;
	s5 =	sld [smem:$0x3FA4]  }
0x2b: {  	s6 =	sld [smem:$0x3FA5]  }
0x2c: {  	s7 =	sld [smem:$0x3FA6]  }
0x2d: {  	s3 =	simm.s32 $0x108;
	s8 =	sld [smem:$0x3FA7]  }
0x2e: {  	s3 =	simm.s32 @!p0 $0x1082;
	s9 =	sld [smem:$0x3FA8]  }
0x2f: {  	lr =	sadd.s32 s0, s3;
	s0 =	sld [smem:$0x3F9F]  }
0x30: {  	s3 =	sld [smem:$0x3FA2]  }
0x31: {  	[smem:$0x3FAB] =	sst s10  }
0x32: {  	s10 =	sld [smem:$0x3FA9];
	_ =	sdelay $0x3  }
0x33: {  	p0 =	seq.s32 s10, $0x1;
	s10 =	sld [smem:$0x3FAB];
	_ =	sdelay $0x3  }
0x34: {  	[smem:$0x3FAB] =	sst s10  }
0x35: {  	s10 =	sld [smem:$0x3FAA];
	_ =	sdelay $0x3  }
0x36: {  	p1 =	seq.s32 s10, $0x1;
	s10 =	sld [smem:$0x3FAB];
	_ =	sdelay $0x3  }
0x37: {  	[smem:$0x3FAB] =	sst s10  }
0x38: {  	s10 =	sld [smem:$0x3FAC]  }
0x39: {  	_ = 	snop;
	(pc) =	sbr.ind lr, $3  }
0x3a: {  	_ = 	snop  }
0x3b: {  	_ = 	snop  }
0x3c: {  	p2 =	seq.s32 s10, $0x1;
	s10 =	sld [smem:$0x3FAB]  }
0x3d: {  	_ =	shalt  }
0x3e: {  	_ =	shalt  }
0x3f: {  	_ =	shalt  }
0x40: {  	_ =	shalt  }
0x41: {  	_ =	shalt  }
0x42: {  	_ =	shalt  }
0x43: {  	_ =	shalt  }
0x44: {  	_ =	shalt  }
0x45: {  	_ =	shalt  }
0x46: {  	_ =	shalt  }
0x47: {  	_ =	shalt  }
0x48: {  	_ =	shalt  }
0x49: {  	_ =	shalt  }
0x4a: {  	_ =	shalt  }
0x4b: {  	_ =	shalt  }
0x4c: {  	_ =	shalt  }
0x4d: {  	_ =	shalt  }
0x4e: {  	_ =	shalt  }
0x4f: {  	_ =	shalt  }
0x50: {  	_ =	shalt  }
0x51: {  	_ =	shalt  }
0x52: {  	_ =	shalt  }
0x53: {  	_ =	shalt  }
0x54: {  	_ =	shalt  }
0x55: {  	_ =	shalt  }
0x56: {  	_ =	shalt  }
0x57: {  	_ =	shalt  }
0x58: {  	_ =	shalt  }
0x59: {  	_ =	shalt  }
0x5a: {  	_ =	shalt  }
0x5b: {  	_ =	shalt  }
0x5c: {  	_ =	shalt  }
0x5d: {  	_ =	shalt  }
0x5e: {  	_ =	shalt  }
0x5f: {  	_ =	shalt  }
0x60: {  	_ =	shalt  }
0x61: {  	_ =	shalt  }
0x62: {  	_ =	shalt  }
0x63: {  	_ =	shalt  }
0x64: {  	_ =	shalt  }
0x65: {  	_ =	shalt  }
0x66: {  	_ =	shalt  }
0x67: {  	_ =	shalt  }
0x68: {  	_ =	shalt  }
0x69: {  	_ =	shalt  }
0x6a: {  	_ =	shalt  }
0x6b: {  	_ =	shalt  }
0x6c: {  	_ =	shalt  }
0x6d: {  	_ =	shalt  }
0x6e: {  	_ =	shalt  }
0x6f: {  	_ =	shalt  }
0x70: {  	_ =	shalt  }
0x71: {  	_ =	shalt  }
0x72: {  	_ =	shalt  }
0x73: {  	_ =	shalt  }
0x74: {  	_ =	shalt  }
0x75: {  	_ =	shalt  }
0x76: {  	_ =	shalt  }
0x77: {  	_ =	shalt  }
0x78: {  	_ =	shalt  }
0x79: {  	_ =	shalt  }
0x7a: {  	_ =	shalt  }
0x7b: {  	_ =	shalt  }
0x7c: {  	_ =	shalt  }
0x7d: {  	_ =	shalt  }
0x7e: {  	_ =	shalt  }
0x7f: {  	_ =	shalt  }
0x80: {  	_ =	shalt  }
0x81: {  	_ =	shalt  }
0x82: {  	_ =	shalt  }
0x83: {  	_ =	shalt  }
0x84: {  	_ =	shalt  }
0x85: {  	_ =	shalt  }
0x86: {  	_ =	shalt  }
0x87: {  	_ =	shalt  }
.Lfunc_end0:
.L_simem_size_0:
called_computation_lowered:
.L_overlay_start_0:
0x88: {  	s2 =	sld [smem:$0x3FD9]  }
0x89: {  	s3 =	sld [smem:$0x3FFE];
	_ =	sdelay $0x1  }
0x8a: {  	s1 =	srdreg.scid  }
0x8b: {  	s0 =	sand.u32 $0x1, s1  }
0x8c: {  	s17 =	sshll.u32 s0, $0xA;
	s2 =	sadd.s32 s3, s2  }
0x8d: {  	s2 =	sadd.s32 s2, s17  }
0x8e: {  	[smem:$0x3FB7] =	sst s2  }
0x8f: {  	_ = 	snop  }
0x90: {  	s2 =	sld [smem:$0x3FD0];
	(tm) =	ssettm $0x1  }
0x91: {  	s18 =	sld [smem:$0x3FFB];
	_ =	sdelay $0x3  }
0x92: {  	_ =	strace s18  }
0x93: {  	s3 =	sld [smem:$0x3FFC];
	_ =	sdelay $0x3  }
0x94: {  	_ =	strace s3  }
0x95: {  	s3 =	sld [smem:$0x3FFD];
	_ =	sdelay $0x3  }
0x96: {  	_ =	strace s3  }
0x97: {  	_ =	strace $0x8FFFFFFF  }
0x98: {  	s19 =	sld [smem:$0x3FDB];
	_ =	sdelay $0x1  }
0x99: {  	s4 =	simm.s32 $_scs_section_size  }
0x9a: {  	s5 =	simm.s32 $_size__tile_overlayer_lowered;
	s6 =	simm.s32 $_tile_overlayer_lowered  }
0x9b: {  	s22 =	simm.s32 $0x1BFF;
	s21 =	sshll.u32 s6, $0x1;
	s3 =	sadd.s32 s4, s19  }
0x9c: {  	s7 =	simm.s32 $0x0;
	s20 =	sshll.u32 s5, $0x1;
	s5 =	sadd.s32 s21, s3  }
0x9d: {  	[timem:s7], [sflag:s22] =	dma.local [hbm:s5], s20  }
0x9e: {  	_ =	swait.ge [sflag:s22], s20  }
0x9f: {  	s4 =	ssub.s32 $0x0, s20;
	[sflag:s22] =	ssyncset.done $0x0  }
0xa0: {  	[sflag:s22] =	ssyncadd.s32 s4;
	_ =	sdelay $0x1  }
0xa1: {  	s23 =	simm.s32 $0x1B8B  }
0xa2: {  	_ =	swait.ge [sflag:s23], $0x1  }
0xa3: {  	[sflag:s23] =	ssyncset.done $0x0  }
0xa4: {  	s25 =	simm.s32 $0x1B8E;
	s24 =	sld [smem:$0x3FFE];
	[sflag:s23] =	ssyncadd.s32 $0xFFFFFFFF  }
0xa5: {  	s26 =	simm.s32 $execute0_lowered;
	[smem:$0x3FD2] =	sst s25  }
0xa6: {  	s5 =	sshll.u32 s26, $0x1;
	_ =	strace $0x80000046;
	[dreg:$0x1] =	wrdreg $0xFFFFFFFF  }
0xa7: {  	s28 =	simm.s32 $_size_execute0_lowered;
	s3 =	sadd.s32 s3, s5;
	[dreg:$0x0] =	wrdreg $0x0  }
0xa8: {  	s5 =	sshll.u32 s28, $0x1;
	[dreg:$0x2] =	wrdreg s3  }
0xa9: {  	[dreg:$0x3] =	wrdreg s5  }
0xaa: {  	[dreg:$0x4] =	wrdreg $0xC0  }
0xab: {  	_ =	task [dreg:s7], $0x5FFFF  }
0xac: {  	[dreg:$0x1] =	wrdreg $0xFFFFFFFF  }
0xad: {  	[dreg:$0x0] =	wrdreg $0x60  }
0xae: {  	[dreg:$0x2] =	wrdreg s2  }
0xaf: {  	[dreg:$0x3] =	wrdreg s24  }
0xb0: {  	[dreg:$0x4] =	wrdreg $0x90000  }
0xb1: {  	[dreg:$0x5] =	wrdreg $0x9  }
0xb2: {  	_ =	task.clear_ibuf [dreg:s7], $0x6FFFF;
	_ =	strace $0x90000046  }
0xb3: {  	s29 =	simm.s32 $0x9;
	_ =	strace $0x80000048  }
0xb4: {  	_ =	swait.ge [sflag:s29], $0x1  }
0xb5: {  	[sflag:s29] =	ssyncadd.s32 $0xFFFFFFFF  }
0xb6: {  	_ =	strace $0x90000048  }
0xb7: {  	_ =	sfence  }
0xb8: {  	s30 =	sld [smem:$0x0];
	_ =	sdelay $0x2  }
0xb9: {  	s31 =	sshll.u32 s1, $0xD;
	s1 =	sshrl.u32 s1, $0x2  }
0xba: {  	s3 =	sand.u32 $0x4000, s31;
	s1 =	sadd.s32 s1, s30  }
0xbb: {  	s0 =	sor.u32 s3, s0;
	s1 =	sshll.u32 s1, $0x11  }
0xbc: {  	s0 =	sor.u32 s1, s0  }
0xbd: {  	s0 =	sadd.s32 $0x8F2B, s0  }
0xbe: {  	[sflag:s0] =	ssyncadd.remote.s32 $0x1  }
0xbf: {  	_ =	sfence.sel $0xFFFF  }
0xc0: {  	[dreg:$0x0] =	wrdreg $0xFFFFFFFF;
	(pc) =	sbr.abs _section_cstart, $3  }
0xc1: {  	[dreg:$0x1] =	wrdreg $0xFFFFFFFF  }
0xc2: {  	_ =	task.clear_ibuf [dreg:s7], $0x2FFFF;
	_ =	strace $0x9FFFFFFF  }
0xc3: {  	(tm) =	ssettm $0x7FFFFFFF  }
tec
execute0_lowered:
.L_overlay_start_1:
0x0: {  	(tag) =	ssettag $0x1  }
0x1: {  	s1 =	rddreg [dreg:$0x0]  }
0x2: {  	s0 =	rddreg [dreg:$0x1]  }
0x3: {  	s2 =	rddreg [dreg:$0x2];
	s4 =	simm.s32 $0x0  }
0x4: {  	s3 =	srdreg.scid;
	s10 =	stileid.u32;
	s28 =	simm.s32 $0x3  }
0x5: {  	s31 =	simm.s32 $0x4;
	s14 =	simm.s32 $0x5;
	s29 =	simm.s32 $0xD00  }
0x6: {  	s30 =	simm.s32 $0x600;
	[smem:$0x7FF] =	sst s4;
	s6 =	smul.u32 $0x4F000, s10  }
0x7: {  	s5 =	sadd.s32 $0x3000, s0;
	s3 =	sand.u32 $0x1, s3;
	s21 =	smul.u32 $0x13C00, s10  }
0x8: {  	s0 =	sadd.s32 $0x17000, s0;
	s8 =	sshll.u32 s10, $0x1;
	s23 =	smul.u32 $0xA00, s10  }
0x9: {  	p0 =	seq.s32 s10, $0xF;
	s10 =	simm.s32 $0x780;
	_ =	strace $0x80000047  }
0xa: {  	s7 =	ssub.s32 $0x2, s3;
	s8 =	sor.u32 s3, s8;
	s18 =	smul.u32 $0x138800, s3  }
0xb: {  	s3 =	smul.u32 $0x500, s3;
	s9 =	sshrl.u32 s7, $0x1;
	s6 =	sshrl.u32 s6, $0x2  }
0xc: {  	s15 =	smul.u32 $0x500, s8;
	s25 =	sadd.s32 s23, s5;
	s23 =	simm.s32 $0x1  }
0xd: {  	s7 =	ssub.s32 s7, s9;
	s13 =	sadd.s32 s6, s2;
	s6 =	sadd.s32 s21, s18  }
0xe: {  	s8 =	sshrl.u32 s18, $0x3;
	s18 =	simm.s32 $0x6;
	s21 =	simm.s32 $0xC80  }
0xf: {  	s16 =	sadd.s32 $0x3C00, s13;
	s17 =	sadd.s32 $0x7800, s13;
	[dreg:$0x4] =	wrdreg s13  }
0x10: {  	s19 =	sadd.s32 $0xB400, s13;
	s20 =	sadd.s32 s5, s15;
	[dreg:$0x5] =	wrdreg s16  }
0x11: {  	s11 =	sadd.s32 $0xF000, s13;
	s22 =	sadd.s32 $0x12C00, s13;
	[dreg:$0x6] =	wrdreg s17  }
0x12: {  	s6 =	sshrl.u32 s6, $0x3;
	s8 =	sadd.s32 s0, s8;
	[dreg:$0x7] =	wrdreg s19  }
0x13: {  	s26 =	smax.u32 s7, $0x1;
	s5 =	simm.s32 $0x500;
	[dreg:$0x9] =	wrdreg s11  }
0x14: {  	s7 =	simm.s32 $0x700;
	s15 =	simm.s32 $0x0;
	[dreg:$0xa] =	wrdreg s22  }
0x15: {  	[dreg:$0x8] =	wrdreg s20;
	s9 =	sadd.s32 $0xA000, s20;
	s0 =	sadd.s32 s0, s6  }
0x16: {  	s24 =	sadd.s32 $0x25080, s8;
	[dreg:$0xe] =	wrdreg s26;
	s16 =	sadd.s32 s3, s25  }
.Ltmp0:
0x17: {  	s17 =	simm.s32 $0x1000;
	s20 =	simm.s32 $0x7D;
	(pc) =	sbr.rel .LBB2_1-.Ltmp0, $4  }
0x18: {  	s22 =	simm.s32 $0xC00;
	s25 =	simm.s32 $0x5000;
	s26 =	simm.s32 $0x2  }
0x19: {  	s3 =	simm.s32 $0x680;
	s6 =	simm.s32 $0xE00;
	[dreg:$0xb] =	wrdreg s9  }
0x1a: {  	s8 =	simm.s32 $0xE80;
	s11 =	simm.s32 $0xF00;
	[dreg:$0xc] =	wrdreg s0  }
0x1b: {  	v0 =	vimm.f32 $0.0e+00;
	[dreg:$0xd] =	wrdreg s24;
	s24 =	simm.s32 $0x580;
	s0 =	simm.s32 $0xD80  }
.LBB2_9:
0x1c: {  	_ =	swait.ge [sflag:s31], $0x3E80  }
0x1d: {  	[sflag:s31] =	ssyncset.done $0x0  }
0x1e: {  	[sflag:s31] =	ssyncadd.s32 $0xFFFFC180  }
0x1f: {  	[bflag:$0x0] =	sbarrier.arrive $0xFFFF  }
0x20: {  	s13 =	rddreg [dreg:$0x4]  }
0x21: {  	s12 =	simm.s32 @p0 $0x1FC6;
	s15 =	rddreg [dreg:$0xd];
	s9 =	sshrl.u32 @p0 s13, $0x3  }
0x22: {  	[hbm:s15], [sflag:s12] =	dma.local @p0 [spmem:s9], $0x2080  }
0x23: {  	s9 =	simm.s32 @p0 $0x6  }
0x24: {  	s12 =	stileid.u32;
	_ =	swait.ge @p0 [sflag:s9], $0x2080  }
0x25: {  	s12 =	sshll.u32 @!p0 s12, $0x6;
	[sflag:s9] =	ssyncset.done @p0 $0x0;
	s15 =	rddreg [dreg:$0xc]  }
0x26: {  	[sflag:s9] =	ssyncadd.s32 @p0 $0xFFFFDF80;
	s9 =	sor.u32 @!p0 $0x1C06, s12;
	s12 =	sshrl.u32 @!p0 s13, $0x3  }
0x27: {  	[hbm:s15], [sflag:s9] =	dma.local @!p0 [spmem:s12], $0x2780  }
0x28: {  	s9 =	simm.s32 @!p0 $0x6  }
0x29: {  	_ =	swait.ge @!p0 [sflag:s9], $0x2780  }
0x2a: {  	s12 =	rddreg [dreg:$0xf]  }
0x2b: {  	s19 =	rddreg [dreg:$0xe];
	s15 =	sadd.s32 $0x1, s12  }
0x2c: {  	p1 =	sne.s32 s15, s19  }
.Ltmp1:
0x2d: {  	_ = 	snop;
	(pc) =	sbr.rel @!p1 .LBB2_10-.Ltmp1, $3  }
0x2e: {  	_ =	sdelay $0x1  }
0x2f: {  	[sflag:s9] =	ssyncset.done @!p0 $0x0  }
0x30: {  	[sflag:s9] =	ssyncadd.s32 @!p0 $0xFFFFD880  }
.LBB2_1:
0x31: {  	s12 =	simm.s32 $0x0;
	s19 =	simm.s32 $0x200  }
.LBB2_2:
0x32: {  	p1 =	sne.s32 s19, $0xF800;
	[tilespmem:s12+$0x1070] =	vst v0  }
0x33: {  	[tilespmem:s12+$0x1000] =	vst v0  }
0x34: {  	[tilespmem:s12+$0x1010] =	vst v0  }
.Ltmp2:
0x35: {  	[tilespmem:s12+$0x1020] =	vst v0;
	(pc) =	sbr.rel @p1 .LBB2_2-.Ltmp2, $4  }
0x36: {  	[tilespmem:s12+$0x1030] =	vst v0  }
0x37: {  	[tilespmem:s12+$0x1040] =	vst v0  }
0x38: {  	[tilespmem:s12+$0x1050] =	vst v0  }
0x39: {  	[tilespmem:s12+$0x1060] =	vst v0;
	s12 =	sshra.s32 s19, $0x2;
	s19 =	sadd.s32 $0x200, s19  }
0x3a: {  	[tilespmem:s12+$0x1070] =	vst v0  }
0x3b: {  	[tilespmem:s12+$0x1000] =	vst v0  }
0x3c: {  	[tilespmem:s12+$0x1010] =	vst v0  }
0x3d: {  	[tilespmem:s12+$0x1020] =	vst v0  }
0x3e: {  	[tilespmem:s12+$0x1030] =	vst v0  }
0x3f: {  	[tilespmem:s12+$0x1040] =	vst v0  }
0x40: {  	[tilespmem:s12+$0x1050] =	vst v0  }
0x41: {  	[dreg:$0xf] =	wrdreg s15;
	[tilespmem:s12+$0x1060] =	vst v0  }
0x42: {  	[spmem:s13] =	stream.linear.scatter [tilespmem:s17], [sflag:$0x6], $0x3C00, $0x38;
	[tilespmem:$0x1CC00] =	vst v63  }
0x43: {  	_ =	swait.ge [sflag:s18], $0x3C00  }
0x44: {  	[sflag:s18] =	ssyncset.done $0x0  }
0x45: {  	s9 =	rddreg [dreg:$0x5];
	[sflag:s18] =	ssyncadd.s32 $0xFFFFC400  }
0x46: {  	[spmem:s9] =	stream.linear.scatter [tilespmem:s17], [sflag:$0x6], $0x3C00, $0x38;
	[tilespmem:$0x1CC00] =	vst v63  }
0x47: {  	_ =	swait.ge [sflag:s18], $0x3C00  }
0x48: {  	[sflag:s18] =	ssyncset.done $0x0  }
0x49: {  	s12 =	rddreg [dreg:$0x6];
	[sflag:s18] =	ssyncadd.s32 $0xFFFFC400  }
0x4a: {  	[spmem:s12] =	stream.linear.scatter [tilespmem:s17], [sflag:$0x6], $0x3C00, $0x38;
	[tilespmem:$0x1CC00] =	vst v63  }
0x4b: {  	_ =	swait.ge [sflag:s18], $0x3C00  }
0x4c: {  	[sflag:s18] =	ssyncset.done $0x0  }
0x4d: {  	s13 =	rddreg [dreg:$0x7];
	[sflag:s18] =	ssyncadd.s32 $0xFFFFC400  }
0x4e: {  	[spmem:s13] =	stream.linear.scatter [tilespmem:s17], [sflag:$0x6], $0x3C00, $0x38;
	[tilespmem:$0x1CC00] =	vst v63  }
0x4f: {  	_ =	swait.ge [sflag:s18], $0x3C00  }
0x50: {  	[sflag:s18] =	ssyncset.done $0x0  }
0x51: {  	s15 =	rddreg [dreg:$0x9];
	[sflag:s18] =	ssyncadd.s32 $0xFFFFC400  }
0x52: {  	[spmem:s15] =	stream.linear.scatter [tilespmem:s17], [sflag:$0x6], $0x3C00, $0x38;
	[tilespmem:$0x1CC00] =	vst v63  }
0x53: {  	_ =	swait.ge [sflag:s18], $0x3C00  }
0x54: {  	[sflag:s18] =	ssyncset.done $0x0  }
0x55: {  	s19 =	rddreg [dreg:$0xa];
	[sflag:s18] =	ssyncadd.s32 $0xFFFFC400  }
0x56: {  	[spmem:s19] =	stream.linear.scatter [tilespmem:s17], [sflag:$0x6], $0x1000, $0x38;
	[tilespmem:$0x1CC00] =	vst v63  }
0x57: {  	_ =	swait.ge [sflag:s18], $0x1000  }
0x58: {  	[sflag:s18] =	ssyncset.done $0x0  }
0x59: {  	[sflag:s18] =	ssyncadd.s32 $0xFFFFF000  }
0x5a: {  	[bflag:$0x0] =	sbarrier.arrive $0xFFFF  }
0x5b: {  	s19 =	simm.s32 $0x0;
	s12 =	rddreg [dreg:$0x8]  }
0x5c: {  	[tilespmem:s19], [sflag:$0x6] =	stream.linear.gather [hbm4b:s12+s19], $0x400, $0x38;
	[tilespmem:$0x1CC00] =	vst v63  }
0x5d: {  	_ =	swait.ge [sflag:s18], $0x400  }
0x5e: {  	[sflag:s18] =	ssyncset.done $0x0  }
0x5f: {  	s15 =	simm.s32 $0x800;
	s13 =	rddreg [dreg:$0xb];
	[sflag:s18] =	ssyncadd.s32 $0xFFFFFC00  }
0x60: {  	[tilespmem:s15], [sflag:$0x6] =	stream.linear.gather [hbm4b:s13+s19], $0x400, $0x38;
	[tilespmem:$0x1CC00] =	vst v63  }
.Ltmp3:
0x61: {  	_ = 	snop;
	(pc) =	sbr.rel .LBB2_4-.Ltmp3, $4  }
0x62: {  	_ =	swait.ge [sflag:s18], $0x400  }
0x63: {  	[sflag:s18] =	ssyncset.done $0x0  }
0x64: {  	s12 =	simm.s32 $0x0;
	[sflag:s18] =	ssyncadd.s32 $0xFFFFFC00  }
0x65: {  	[tilespmem:s17], [sflag:$0x1] =	stream.indirect.gather [hbm4b:s1+s20], $0x80, s19, s20, $0xb8;
	[tilespmem:$0x1CC00] =	vst v63  }
.LBB2_5:
0x66: {  	s9 =	sadd.s32 s19, s16  }
0x67: {  	s15 =	simm.s32 $0x400;
	s13 =	sadd.s32 $0x80, s9  }
0x68: {  	[tilespmem:s15], [sflag:$0x5] =	stream.linear.gather [hbm4b:s13+s4], $0x400, $0x38;
	[tilespmem:$0x1CC00] =	vst v63  }
0x69: {  	s9 =	sadd.s32 $0xA080, s9  }
0x6a: {  	[tilespmem:s22], [sflag:$0x5] =	stream.linear.gather [hbm4b:s9+s4], $0x400, $0x38;
	[tilespmem:$0x1CC00] =	vst v63  }
0x6b: {  	_ =	swait.ge [sflag:s23], $0x3E80  }
0x6c: {  	p1 =	seq.s32 s19, $0x0;
	[sflag:s23] =	ssyncset.done $0x0  }
0x6d: {  	s9 =	simm.s32 @!p1 $0x4;
	[sflag:s23] =	ssyncadd.s32 $0xFFFFC180  }
0x6e: {  	_ =	swait.ge @!p1 [sflag:s9], $0x3E80  }
0x6f: {  	[sflag:s9] =	ssyncset.done @!p1 $0x0  }
0x70: {  	s13 =	simm.s32 $0x80;
	[sflag:s9] =	ssyncadd.s32 @!p1 $0xFFFFC180  }
0x71: {  	[tilespmem:s25], [sflag:$0x2] =	stream.indirect.gather [hbm4b:s1+s20], $0x80, s13, s20, $0xb8;
	[tilespmem:$0x1CC00] =	vst v63  }
0x72: {  	s15 =	simm.s32 $0x800  }
0x73: {  	[spmem:s2] =	stream.indirect.scatter.add.f32 [tilespmem:s17], [sflag:$0x3], $0x80, s15, s20, $0xb8;
	[tilespmem:$0x1CC00] =	vst v63  }
0x74: {  	_ =	swait.ge [sflag:s26], $0x3E80  }
0x75: {  	[sflag:s26] =	ssyncset.done $0x0  }
0x76: {  	[sflag:s26] =	ssyncadd.s32 $0xFFFFC180  }
0x77: {  	_ =	swait.ge [sflag:s28], $0x3E80  }
0x78: {  	[sflag:s28] =	ssyncset.done $0x0  }
0x79: {  	s13 =	simm.s32 $0x100;
	[sflag:s28] =	ssyncadd.s32 $0xFFFFC180  }
0x7a: {  	[tilespmem:s17], [sflag:$0x1] =	stream.indirect.gather [hbm4b:s1+s20], $0x80, s13, s20, $0xb8;
	[tilespmem:$0x1CC00] =	vst v63  }
0x7b: {  	s15 =	simm.s32 $0x880  }
0x7c: {  	[spmem:s2] =	stream.indirect.scatter.add.f32 [tilespmem:s25], [sflag:$0x4], $0x80, s15, s20, $0xb8;
	[tilespmem:$0x1CC00] =	vst v63  }
0x7d: {  	_ =	swait.ge [sflag:s23], $0x3E80  }
0x7e: {  	[sflag:s23] =	ssyncset.done $0x0  }
0x7f: {  	[sflag:s23] =	ssyncadd.s32 $0xFFFFC180  }
0x80: {  	_ =	swait.ge [sflag:s31], $0x3E80  }
0x81: {  	[sflag:s31] =	ssyncset.done $0x0  }
0x82: {  	s13 =	simm.s32 $0x180;
	[sflag:s31] =	ssyncadd.s32 $0xFFFFC180  }
0x83: {  	[tilespmem:s25], [sflag:$0x2] =	stream.indirect.gather [hbm4b:s1+s20], $0x80, s13, s20, $0xb8;
	[tilespmem:$0x1CC00] =	vst v63  }
0x84: {  	s15 =	simm.s32 $0x900  }
0x85: {  	[spmem:s2] =	stream.indirect.scatter.add.f32 [tilespmem:s17], [sflag:$0x3], $0x80, s15, s20, $0xb8;
	[tilespmem:$0x1CC00] =	vst v63  }
0x86: {  	_ =	swait.ge [sflag:s26], $0x3E80  }
0x87: {  	[sflag:s26] =	ssyncset.done $0x0  }
0x88: {  	[sflag:s26] =	ssyncadd.s32 $0xFFFFC180  }
0x89: {  	_ =	swait.ge [sflag:s28], $0x3E80  }
0x8a: {  	[sflag:s28] =	ssyncset.done $0x0  }
0x8b: {  	s13 =	simm.s32 $0x200;
	[sflag:s28] =	ssyncadd.s32 $0xFFFFC180  }
0x8c: {  	[tilespmem:s17], [sflag:$0x1] =	stream.indirect.gather [hbm4b:s1+s20], $0x80, s13, s20, $0xb8;
	[tilespmem:$0x1CC00] =	vst v63  }
0x8d: {  	s15 =	simm.s32 $0x980  }
0x8e: {  	[spmem:s2] =	stream.indirect.scatter.add.f32 [tilespmem:s25], [sflag:$0x4], $0x80, s15, s20, $0xb8;
	[tilespmem:$0x1CC00] =	vst v63  }
0x8f: {  	_ =	swait.ge [sflag:s23], $0x3E80  }
0x90: {  	[sflag:s23] =	ssyncset.done $0x0  }
0x91: {  	[sflag:s23] =	ssyncadd.s32 $0xFFFFC180  }
0x92: {  	_ =	swait.ge [sflag:s31], $0x3E80  }
0x93: {  	[sflag:s31] =	ssyncset.done $0x0  }
0x94: {  	s13 =	simm.s32 $0x280;
	[sflag:s31] =	ssyncadd.s32 $0xFFFFC180  }
0x95: {  	[tilespmem:s25], [sflag:$0x2] =	stream.indirect.gather [hbm4b:s1+s20], $0x80, s13, s20, $0xb8;
	[tilespmem:$0x1CC00] =	vst v63  }
0x96: {  	s15 =	simm.s32 $0xA00  }
0x97: {  	[spmem:s2] =	stream.indirect.scatter.add.f32 [tilespmem:s17], [sflag:$0x3], $0x80, s15, s20, $0xb8;
	[tilespmem:$0x1CC00] =	vst v63  }
0x98: {  	_ =	swait.ge [sflag:s26], $0x3E80  }
0x99: {  	[sflag:s26] =	ssyncset.done $0x0  }
0x9a: {  	[sflag:s26] =	ssyncadd.s32 $0xFFFFC180  }
0x9b: {  	_ =	swait.ge [sflag:s28], $0x3E80  }
0x9c: {  	[sflag:s28] =	ssyncset.done $0x0  }
0x9d: {  	s13 =	simm.s32 $0x300;
	[sflag:s28] =	ssyncadd.s32 $0xFFFFC180  }
0x9e: {  	[tilespmem:s17], [sflag:$0x1] =	stream.indirect.gather [hbm4b:s1+s20], $0x80, s13, s20, $0xb8;
	[tilespmem:$0x1CC00] =	vst v63  }
0x9f: {  	s15 =	simm.s32 $0xA80  }
0xa0: {  	[spmem:s2] =	stream.indirect.scatter.add.f32 [tilespmem:s25], [sflag:$0x4], $0x80, s15, s20, $0xb8;
	[tilespmem:$0x1CC00] =	vst v63  }
0xa1: {  	_ =	swait.ge [sflag:s23], $0x3E80  }
0xa2: {  	[sflag:s23] =	ssyncset.done $0x0  }
0xa3: {  	[sflag:s23] =	ssyncadd.s32 $0xFFFFC180  }
0xa4: {  	_ =	swait.ge [sflag:s31], $0x3E80  }
0xa5: {  	[sflag:s31] =	ssyncset.done $0x0  }
0xa6: {  	s13 =	simm.s32 $0x380;
	[sflag:s31] =	ssyncadd.s32 $0xFFFFC180  }
0xa7: {  	[tilespmem:s25], [sflag:$0x2] =	stream.indirect.gather [hbm4b:s1+s20], $0x80, s13, s20, $0xb8;
	[tilespmem:$0x1CC00] =	vst v63  }
0xa8: {  	s15 =	simm.s32 $0xB00  }
0xa9: {  	[spmem:s2] =	stream.indirect.scatter.add.f32 [tilespmem:s17], [sflag:$0x3], $0x80, s15, s20, $0xb8;
	[tilespmem:$0x1CC00] =	vst v63  }
0xaa: {  	_ =	swait.ge [sflag:s26], $0x3E80  }
0xab: {  	[sflag:s26] =	ssyncset.done $0x0  }
0xac: {  	[sflag:s26] =	ssyncadd.s32 $0xFFFFC180  }
0xad: {  	_ =	swait.ge [sflag:s28], $0x3E80  }
0xae: {  	[sflag:s28] =	ssyncset.done $0x0  }
0xaf: {  	s9 =	simm.s32 $0xB80;
	s13 =	simm.s32 $0x400;
	[sflag:s28] =	ssyncadd.s32 $0xFFFFC180  }
.LBB2_7:
0xb0: {  	_ =	swait.ge [sflag:s14], $0x400  }
0xb1: {  	[sflag:s14] =	ssyncset.done $0x0  }
0xb2: {  	[sflag:s14] =	ssyncadd.s32 $0xFFFFFC00  }
0xb3: {  	_ =	swait.ge [sflag:s14], $0x400  }
0xb4: {  	[sflag:s14] =	ssyncset.done $0x0  }
0xb5: {  	[sflag:s14] =	ssyncadd.s32 $0xFFFFFC00  }
0xb6: {  	[tilespmem:s17], [sflag:$0x1] =	stream.indirect.gather [hbm4b:s1+s20], $0x80, s13, s20, $0xb8;
	[tilespmem:$0x1CC00] =	vst v63  }
.LBB2_8:
0xb7: {  	s19 =	sadd.s32 $0x80, s19  }
0xb8: {  	p1 =	sne.s32 s19, $0x500  }
.Ltmp4:
0xb9: {  	_ = 	snop;
	(pc) =	sbr.rel @!p1 .LBB2_9-.Ltmp4, $3  }
0xba: {  	_ =	sdelay $0x1  }
0xbb: {  	[spmem:s2] =	stream.indirect.scatter.add.f32 [tilespmem:s25], [sflag:$0x4], $0x80, s9, s20, $0xb8;
	[tilespmem:$0x1CC00] =	vst v63  }
0xbc: {  	s12 =	sadd.s32 $0x1, s12  }
.LBB2_4:
0xbd: {  	s9 =	sand.u32 $0x1, s12  }
0xbe: {  	p1 =	seq.s32 s9, $0x1  }
.Ltmp5:
0xbf: {  	_ = 	snop;
	(pc) =	sbr.rel @!p1 .LBB2_5-.Ltmp5, $1  }
0xc0: {  	_ =	sdelay $0x3  }
0xc1: {  	p1 =	seq.s32 s19, $0x480  }
0xc2: {  	s9 =	sadd.s32 @!p1 s19, s16  }
0xc3: {  	s15 =	simm.s32 @!p1 $0x0;
	s13 =	sadd.s32 @!p1 $0x80, s9  }
0xc4: {  	[tilespmem:s15], [sflag:$0x5] =	stream.linear.gather @!p1 [hbm4b:s13+s15], $0x400, $0x38;
	[tilespmem:$0x1CC00] =	vst v63  }
0xc5: {  	s9 =	sadd.s32 @!p1 $0xA080, s9;
	s13 =	simm.s32 @!p1 $0x800  }
0xc6: {  	[tilespmem:s13], [sflag:$0x5] =	stream.linear.gather @!p1 [hbm4b:s9+s15], $0x400, $0x38;
	[tilespmem:$0x1CC00] =	vst v63  }
0xc7: {  	_ =	swait.ge [sflag:s23], $0x3E80  }
0xc8: {  	[sflag:s23] =	ssyncset.done $0x0  }
0xc9: {  	[sflag:s23] =	ssyncadd.s32 $0xFFFFC180  }
0xca: {  	_ =	swait.ge [sflag:s31], $0x3E80  }
0xcb: {  	[sflag:s31] =	ssyncset.done $0x0  }
0xcc: {  	s15 =	simm.s32 $0x480;
	[sflag:s31] =	ssyncadd.s32 $0xFFFFC180  }
0xcd: {  	[tilespmem:s25], [sflag:$0x2] =	stream.indirect.gather [hbm4b:s1+s20], $0x80, s15, s20, $0xb8;
	[tilespmem:$0x1CC00] =	vst v63  }
0xce: {  	_ = 	snop  }
0xcf: {  	[spmem:s2] =	stream.indirect.scatter.add.f32 [tilespmem:s17], [sflag:$0x3], $0x80, s22, s20, $0xb8;
	[tilespmem:$0x1CC00] =	vst v63  }
0xd0: {  	_ =	swait.ge [sflag:s26], $0x3E80  }
0xd1: {  	[sflag:s26] =	ssyncset.done $0x0  }
0xd2: {  	[sflag:s26] =	ssyncadd.s32 $0xFFFFC180  }
0xd3: {  	_ =	swait.ge [sflag:s28], $0x3E80  }
0xd4: {  	[sflag:s28] =	ssyncset.done $0x0  }
0xd5: {  	[sflag:s28] =	ssyncadd.s32 $0xFFFFC180  }
0xd6: {  	[tilespmem:s17], [sflag:$0x1] =	stream.indirect.gather [hbm4b:s1+s20], $0x80, s5, s20, $0xb8;
	[tilespmem:$0x1CC00] =	vst v63  }
0xd7: {  	_ = 	snop  }
0xd8: {  	[spmem:s2] =	stream.indirect.scatter.add.f32 [tilespmem:s25], [sflag:$0x4], $0x80, s21, s20, $0xb8;
	[tilespmem:$0x1CC00] =	vst v63  }
0xd9: {  	_ =	swait.ge [sflag:s23], $0x3E80  }
0xda: {  	[sflag:s23] =	ssyncset.done $0x0  }
0xdb: {  	[sflag:s23] =	ssyncadd.s32 $0xFFFFC180  }
0xdc: {  	_ =	swait.ge [sflag:s31], $0x3E80  }
0xdd: {  	[sflag:s31] =	ssyncset.done $0x0  }
0xde: {  	[sflag:s31] =	ssyncadd.s32 $0xFFFFC180  }
0xdf: {  	[tilespmem:s25], [sflag:$0x2] =	stream.indirect.gather [hbm4b:s1+s20], $0x80, s24, s20, $0xb8;
	[tilespmem:$0x1CC00] =	vst v63  }
0xe0: {  	_ = 	snop  }
0xe1: {  	[spmem:s2] =	stream.indirect.scatter.add.f32 [tilespmem:s17], [sflag:$0x3], $0x80, s29, s20, $0xb8;
	[tilespmem:$0x1CC00] =	vst v63  }
0xe2: {  	_ =	swait.ge [sflag:s26], $0x3E80  }
0xe3: {  	[sflag:s26] =	ssyncset.done $0x0  }
0xe4: {  	[sflag:s26] =	ssyncadd.s32 $0xFFFFC180  }
0xe5: {  	_ =	swait.ge [sflag:s28], $0x3E80  }
0xe6: {  	[sflag:s28] =	ssyncset.done $0x0  }
0xe7: {  	[sflag:s28] =	ssyncadd.s32 $0xFFFFC180  }
0xe8: {  	[tilespmem:s17], [sflag:$0x1] =	stream.indirect.gather [hbm4b:s1+s20], $0x80, s30, s20, $0xb8;
	[tilespmem:$0x1CC00] =	vst v63  }
0xe9: {  	_ = 	snop  }
0xea: {  	[spmem:s2] =	stream.indirect.scatter.add.f32 [tilespmem:s25], [sflag:$0x4], $0x80, s0, s20, $0xb8;
	[tilespmem:$0x1CC00] =	vst v63  }
0xeb: {  	_ =	swait.ge [sflag:s23], $0x3E80  }
0xec: {  	[sflag:s23] =	ssyncset.done $0x0  }
0xed: {  	[sflag:s23] =	ssyncadd.s32 $0xFFFFC180  }
0xee: {  	_ =	swait.ge [sflag:s31], $0x3E80  }
0xef: {  	[sflag:s31] =	ssyncset.done $0x0  }
0xf0: {  	[sflag:s31] =	ssyncadd.s32 $0xFFFFC180  }
0xf1: {  	[tilespmem:s25], [sflag:$0x2] =	stream.indirect.gather [hbm4b:s1+s20], $0x80, s3, s20, $0xb8;
	[tilespmem:$0x1CC00] =	vst v63  }
0xf2: {  	_ = 	snop  }
0xf3: {  	[spmem:s2] =	stream.indirect.scatter.add.f32 [tilespmem:s17], [sflag:$0x3], $0x80, s6, s20, $0xb8;
	[tilespmem:$0x1CC00] =	vst v63  }
0xf4: {  	_ =	swait.ge [sflag:s26], $0x3E80  }
0xf5: {  	[sflag:s26] =	ssyncset.done $0x0  }
0xf6: {  	[sflag:s26] =	ssyncadd.s32 $0xFFFFC180  }
0xf7: {  	_ =	swait.ge [sflag:s28], $0x3E80  }
0xf8: {  	[sflag:s28] =	ssyncset.done $0x0  }
0xf9: {  	[sflag:s28] =	ssyncadd.s32 $0xFFFFC180  }
0xfa: {  	[tilespmem:s17], [sflag:$0x1] =	stream.indirect.gather [hbm4b:s1+s20], $0x80, s7, s20, $0xb8;
	[tilespmem:$0x1CC00] =	vst v63  }
0xfb: {  	_ = 	snop  }
0xfc: {  	[spmem:s2] =	stream.indirect.scatter.add.f32 [tilespmem:s25], [sflag:$0x4], $0x80, s8, s20, $0xb8;
	[tilespmem:$0x1CC00] =	vst v63  }
0xfd: {  	_ =	swait.ge [sflag:s23], $0x3E80  }
0xfe: {  	[sflag:s23] =	ssyncset.done $0x0  }
0xff: {  	[sflag:s23] =	ssyncadd.s32 $0xFFFFC180  }
0x100: {  	_ =	swait.ge [sflag:s31], $0x3E80  }
0x101: {  	[sflag:s31] =	ssyncset.done $0x0  }
0x102: {  	[sflag:s31] =	ssyncadd.s32 $0xFFFFC180  }
0x103: {  	[tilespmem:s25], [sflag:$0x2] =	stream.indirect.gather [hbm4b:s1+s20], $0x80, s10, s20, $0xb8;
	[tilespmem:$0x1CC00] =	vst v63  }
0x104: {  	_ = 	snop  }
0x105: {  	[spmem:s2] =	stream.indirect.scatter.add.f32 [tilespmem:s17], [sflag:$0x3], $0x80, s11, s20, $0xb8;
	[tilespmem:$0x1CC00] =	vst v63  }
0x106: {  	_ =	swait.ge [sflag:s26], $0x3E80  }
.Ltmp6:
0x107: {  	[sflag:s26] =	ssyncset.done $0x0;
	(pc) =	sbr.rel @p1 .LBB2_8-.Ltmp6, $4  }
.Ltmp7:
0x108: {  	[sflag:s26] =	ssyncadd.s32 $0xFFFFC180;
	(pc) =	sbr.rel @!p1 .LBB2_7-.Ltmp7, $4  }
0x109: {  	_ =	swait.ge [sflag:s28], $0x3E80  }
0x10a: {  	[sflag:s28] =	ssyncset.done $0x0  }
0x10b: {  	s13 =	simm.s32 $0x0;
	s9 =	simm.s32 $0xF80;
	[sflag:s28] =	ssyncadd.s32 $0xFFFFC180  }
0x10c: {  	_ = 	snop  }
.LBB2_10:
0x10d: {  	_ =	sfence.sel $0x180000  }
0x10e: {  	[bflag:$0x0] =	sbarrier.arrive $0xFFFF  }
0x10f: {  	_ =	strace $0x90000047  }
0x110: {  	s0 =	stileid.u32;
	[bflag:$0x2] =	sbarrier.arrive $0xFFFF  }
0x111: {  	p0 =	sne.s32 s0, $0x0;
	s0 =	rddreg [dreg:$0x3]  }
0x112: {  	s0 =	sadd.s32 @!p0 $0x100000, s0  }
0x113: {  	[sflag:s0] =	ssyncadd.tile.s32 @!p0 $0x1;
	_ =	shalt  }
.Lfunc_end2:
_tile_overlayer_lowered:
.L_overlay_start_2:
0x114: {  	(tag) =	ssettag $0x2  }
0x115: {  	s0 =	rddreg [dreg:$0x0];
	s2 =	stileid.u32  }
0x116: {  	s1 =	rddreg [dreg:$0x1];
	p0 =	sne.s32 s2, $0x0  }
0x117: {  	s3 =	rddreg [dreg:$0x2];
	[bflag:$0x3] =	sbarrier.arrive $0xFFFF;
	s2 =	simm.s32 @!p0 $0x1C06  }
0x118: {  	[timem:s3], [sflag:s2] =	dma.local @!p0 [hbm:s0], s1  }
0x119: {  	s0 =	simm.s32 @!p0 $0x6  }
0x11a: {  	_ =	swait.ge @!p0 [sflag:s0], s1  }
0x11b: {  	s1 =	ssub.s32 @!p0 $0x0, s1;
	[sflag:s0] =	ssyncset.done @!p0 $0x0  }
0x11c: {  	[sflag:s0] =	ssyncadd.s32 @!p0 s1  }
0x11d: {  	[bflag:$0x3] =	sbarrier.arrive $0xFFFF  }
0x11e: {  	_ =	shalt  }

</sc_bundles>
